<compile_context>
chip_gen: v7x
topology: tpu7x:2x2x1
jax: 0.10.2.dev20260603
libtpu: 0.0.44.dev20260713+nightly
codegen_flags: <defaults>
</compile_context>

<pallas_src>
import functools
import math

import jax
import jax.numpy as jnp
from jax import lax
from jax.experimental import pallas as pl
from jax.experimental.pallas import tpu as pltpu
from jax.experimental.pallas import tpu_sc as plsc

_SHAPE = (2, 32, 16384, 20)
_B, _N, _P, _K = _SHAPE
_M = _B * _N * _P
_NC, _NS = 2, 16
_NW = _NC * _NS
_L = 16
_KEEP = _K // 2

_GROUPS = _N // 8
_COLS = _P // 4096
_UNITS = 2 * _B * _KEEP * _GROUPS * _COLS
_UPW = _UNITS // _NW


_NBUF = 3


def _make_plane_kernel():
    mesh = plsc.VectorSubcoreMesh(core_axis_name="c", subcore_axis_name="s")
    out_plane = jax.ShapeDtypeStruct((_B, _KEEP, _N, _P), jnp.uint32)

    @functools.partial(
        pl.kernel,
        mesh=mesh,
        out_type=out_plane,
        scratch_types=[
            [pltpu.VMEM((8, 4096), jnp.uint32) for _ in range(_NBUF)],
            [pltpu.SemaphoreType.DMA for _ in range(_NBUF)],
            [pltpu.SemaphoreType.DMA for _ in range(_NBUF)],
        ],
        compiler_params=pltpu.CompilerParams(use_tc_tiling_on_sc=True),
    )
    def plane_kernel(x_hbm, o_hbm, bufs, sin, sout):
        wid = lax.axis_index("s") * _NC + lax.axis_index("c")
        upw = _UNITS // 2 // _NW
        base = wid * upw
        steps = []
        for j in range(upw):
            q = base + j
            c = q % _COLS
            q = q // _COLS
            g = q % _GROUPS
            q = q // _GROUPS
            k = q % _KEEP
            i0 = q // _KEEP
            idx = (i0, k, pl.ds(8 * g, 8), pl.ds(4096 * c, 4096))
            steps.append((x_hbm, o_hbm, idx))
        n = len(steps)
        lag = 2
        in_h = [None] * _NBUF
        out_h = [None] * _NBUF
        for u in range(n + lag):
            if u < n:
                b = u % _NBUF
                if u >= _NBUF:
                    out_h[b].wait()
                src, _, idx = steps[u]
                in_h[b] = pltpu.async_copy(src.at[idx], bufs[b], sin[b])
            v = u - lag
            if v >= 0:
                bv = v % _NBUF
                in_h[bv].wait()
                _, dst, idx = steps[v]
                out_h[bv] = pltpu.async_copy(bufs[bv], dst.at[idx], sout[bv])
        for v in range(max(0, n - _NBUF + lag), n):
            out_h[v % _NBUF].wait()

    return plane_kernel


_R = 1024
_RPW = _M // _NW
_CHUNKS = _RPW // _R


def _compaction_plan(w):
    rec = 2 * w
    p_in = rec * 32 // math.gcd(rec, 32)
    p_out = p_in // 2
    specs = []
    for j in range(p_out // _L):
        runs = []
        cur = None
        for d in range(_L):
            u = j * _L + d
            s = (u // w) * rec + (u % w)
            sv, sl = s // _L, s % _L
            shift = (sl - d) % _L
            if cur is not None and cur[2] == sv and cur[3] == shift:
                cur = (cur[0], d + 1, sv, shift)
            else:
                if cur is not None:
                    runs.append(cur)
                cur = (d, d + 1, sv, shift)
        runs.append(cur)
        specs.append(runs)
    return p_in, p_out, specs


def _rot(v, idx):
    return lax.gather(
        v,
        idx[:, None],
        dimension_numbers=lax.GatherDimensionNumbers(
            offset_dims=(),
            collapsed_slice_dims=(0,),
            start_index_map=(0,),
        ),
        slice_sizes=(1,),
        mode=lax.GatherScatterMode.PROMISE_IN_BOUNDS,
    )


def _make_compact_kernel(w):
    p_in, p_out, specs = _compaction_plan(w)
    rec = 2 * w
    in_words = _R * rec
    out_words = _R * w
    periods = in_words // p_in
    needed = sorted({r[2] for runs in specs for r in runs})
    shifts = sorted({r[3] for runs in specs for r in runs if r[3]})
    mesh = plsc.VectorSubcoreMesh(core_axis_name="c", subcore_axis_name="s")

    @functools.partial(
        pl.kernel,
        mesh=mesh,
        out_type=jax.ShapeDtypeStruct((_M * w,), jnp.int32),
        scratch_types=[
            pltpu.VMEM((in_words,), jnp.int32),
            pltpu.VMEM((out_words,), jnp.int32),
        ],
    )
    def compact_kernel(x_hbm, o_hbm, ibuf, obuf):
        wid = lax.axis_index("s") * _NC + lax.axis_index("c")
        iota = lax.broadcasted_iota(jnp.int32, (_L,), 0)
        rot_idx = {sh: (iota + sh) & (_L - 1) for sh in shifts}
        ge_mask = {
            lo: iota >= lo for runs in specs for (lo, _, _, _) in runs[1:]
        }
        in_base = wid * _RPW * rec
        out_base = wid * _RPW * w
        for t in range(_CHUNKS):
            pltpu.sync_copy(
                x_hbm.at[pl.ds(in_base + t * in_words, in_words)], ibuf
            )

            @plsc.parallel_loop(
                jnp.int32(0), jnp.int32(periods), jnp.int32(1), unroll=4
            )
            def _(p):
                b = p * p_in
                ob = p * p_out
                loads = {sv: ibuf[pl.ds(b + sv * _L, _L)] for sv in needed}
                rots = {}
                for runs in specs:
                    for _, _, sv, sh in runs:
                        if (sv, sh) not in rots:
                            v = loads[sv]
                            if sh:
                                v = _rot(v, rot_idx[sh])
                            rots[(sv, sh)] = v
                for j, runs in enumerate(specs):
                    val = rots[(runs[0][2], runs[0][3])]
                    for lo, _, sv, sh in runs[1:]:
                        val = jnp.where(ge_mask[lo], rots[(sv, sh)], val)
                    obuf[pl.ds(ob + j * _L, _L)] = val

            pltpu.sync_copy(
                obuf, o_hbm.at[pl.ds(out_base + t * out_words, out_words)]
            )

    return compact_kernel


def kernel(edge_index):
    if edge_index.dtype == jnp.int64:
        lo = edge_index.astype(jnp.uint32)
        hi = (edge_index >> 32).astype(jnp.uint32)
        lo_t = jnp.transpose(lo, (0, 3, 1, 2))
        hi_t = jnp.transpose(hi, (0, 3, 1, 2))
        plane = _make_plane_kernel()
        olo = plane(lo_t)
        ohi = plane(hi_t)
        olo = jnp.transpose(olo, (0, 2, 3, 1))
        ohi = jnp.transpose(ohi, (0, 2, 3, 1))
        out = (ohi.astype(jnp.uint64) << jnp.uint64(32)) | olo.astype(
            jnp.uint64
        )
        return out.astype(jnp.int64)
    w = _KEEP
    out = _make_compact_kernel(w)(edge_index.reshape(_M * 2 * w))
    out = out.reshape(_B, _N, _P, _KEEP)
    return out.astype(edge_index.dtype)

# --- scband reference (transcript-rebuilt; emitter-appended) ---
"""Pipeline reference for scband-random-drop-28475633173129 (READ-ONLY COPY).

The authoritative reference and input builder live on the scoring server;
editing this copy changes nothing except your own understanding.
"""

import jax, jax.numpy as jnp
import numpy as np
jax.config.update('jax_enable_x64', True)

K = 20
RANDOM_RATE = 0.5
STOCHASTIC = True
IS_TRAIN = False


def setup_inputs(seed: int = 0) -> dict:
    key = jax.random.key(seed)
    edge_index = jax.random.randint(key, (2, 32, 16384, K), 0, 16384, dtype=jnp.int64)
    return {"edge_index": edge_index}


def reference(edge_index):
    # Faithful translation of RandomDrop.forward
    if STOCHASTIC:
        num = int(K * RANDOM_RATE)
        if IS_TRAIN:
            # torch.randperm(k)[:num] -> fixed-key permutation for determinism
            randnum = jax.random.permutation(jax.random.key(1), K)[:num]
            edge_index = jnp.take(edge_index, randnum, axis=3)
        else:
            edge_index = edge_index[:, :, :, :num]
    return edge_index

if __name__ == "__main__":
    import jax
    _d = setup_inputs()
    print(jax.jit(kernel)(*tuple(_d.values())))

</pallas_src>

<mosaic_0001>
#map = affine_map<(d0, d1) -> (0, 0, 0, 0)>
module attributes {stable_mosaic.version = 14 : i64} {
  func.func @plane_kernel(%arg0: i32, %arg1: i32, %arg2: memref<2x20x32x16384xi32, #tpu.memory_space<hbm>>, %arg3: memref<2x10x32x16384xi32, #tpu.memory_space<hbm>>, %arg4: memref<8x4096xi32, #tpu.memory_space<vmem>>, %arg5: memref<8x4096xi32, #tpu.memory_space<vmem>>, %arg6: memref<8x4096xi32, #tpu.memory_space<vmem>>, %arg7: memref<!tpu.dma_semaphore, #tpu.memory_space<semaphore_mem>>, %arg8: memref<!tpu.dma_semaphore, #tpu.memory_space<semaphore_mem>>, %arg9: memref<!tpu.dma_semaphore, #tpu.memory_space<semaphore_mem>>, %arg10: memref<!tpu.dma_semaphore, #tpu.memory_space<semaphore_mem>>, %arg11: memref<!tpu.dma_semaphore, #tpu.memory_space<semaphore_mem>>, %arg12: memref<!tpu.dma_semaphore, #tpu.memory_space<semaphore_mem>>) attributes {dimension_semantics = [#tpu.dimension_semantics<core_parallel>, #tpu.dimension_semantics<subcore_parallel>], iteration_bounds = array<i64: 2, 16>, scalar_prefetch = 0 : i64, scratch_operands = 9 : i64, tpu.core_type = #tpu.core_type<sc_vector_subcore>, window_params = [{transform_indices = #map}, {transform_indices = #map}]} {
    %mul3A = arith.constant 2 : i32
    %mul3A_0 = arith.muli %arg1, %mul3A : i32
    %add3A = arith.addi %mul3A_0, %arg0 : i32
    %mul3A_1 = arith.constant 10 : i32
    %mul3A_2 = arith.muli %add3A, %mul3A_1 : i32
    %add3A_3 = arith.constant 0 : i32
    %add3A_4 = arith.addi %mul3A_2, %add3A_3 : i32
    %jit3A = arith.constant 4 : i64
    %convert_element_type3A = arith.trunci %jit3A : i64 to i32
    %eq3A = arith.constant 0 : i32
    %eq3A_5 = arith.cmpi eq, %convert_element_type3A, %eq3A : i32
    %jit3A_6 = arith.constant 1 : i32
    %select_n3A = arith.select %eq3A_5, %jit3A_6, %convert_element_type3A : i32
    %rem3A = arith.remsi %add3A_4, %select_n3A : i32
    %ne3A = arith.constant 0 : i32
    %ne3A_7 = arith.cmpi ne, %rem3A, %ne3A : i32
    %lt3A = arith.constant 0 : i32
    %lt3A_8 = arith.cmpi slt, %rem3A, %lt3A : i32
    %lt3A_9 = arith.constant 0 : i32
    %lt3A_10 = arith.cmpi slt, %select_n3A, %lt3A_9 : i32
    %ne3A_11 = arith.xori %lt3A_8, %lt3A_10 : i1
    %and3A = arith.andi %ne3A_11, %ne3A_7 : i1
    %add3A_12 = arith.addi %rem3A, %select_n3A : i32
    %select_n3A_13 = arith.select %and3A, %add3A_12, %rem3A : i32
    %jit3A_14 = arith.constant 4 : i64
    %convert_element_type3A_15 = arith.trunci %jit3A_14 : i64 to i32
    %div3A = arith.divsi %add3A_4, %convert_element_type3A_15 : i32
    %sign3A = arith.constant 0 : i32
    %sign3A_16 = arith.cmpi sgt, %add3A_4, %sign3A : i32
    %sign3A_17 = arith.extui %sign3A_16 : i1 to i32
    %sign3A_18 = arith.constant 0 : i32
    %sign3A_19 = arith.cmpi slt, %add3A_4, %sign3A_18 : i32
    %sign3A_20 = arith.extui %sign3A_19 : i1 to i32
    %sign3A_21 = arith.subi %sign3A_17, %sign3A_20 : i32
    %sign3A_22 = arith.constant 0 : i32
    %sign3A_23 = arith.cmpi sgt, %convert_element_type3A_15, %sign3A_22 : i32
    %sign3A_24 = arith.extui %sign3A_23 : i1 to i32
    %sign3A_25 = arith.constant 0 : i32
    %sign3A_26 = arith.cmpi slt, %convert_element_type3A_15, %sign3A_25 : i32
    %sign3A_27 = arith.extui %sign3A_26 : i1 to i32
    %sign3A_28 = arith.subi %sign3A_24, %sign3A_27 : i32
    %ne3A_29 = arith.cmpi ne, %sign3A_21, %sign3A_28 : i32
    %rem3A_30 = arith.remsi %add3A_4, %convert_element_type3A_15 : i32
    %ne3A_31 = arith.constant 0 : i32
    %ne3A_32 = arith.cmpi ne, %rem3A_30, %ne3A_31 : i32
    %and3A_33 = arith.andi %ne3A_29, %ne3A_32 : i1
    %sub3A = arith.constant 1 : i32
    %sub3A_34 = arith.subi %div3A, %sub3A : i32
    %select_n3A_35 = arith.select %and3A_33, %sub3A_34, %div3A : i32
    %jit3A_36 = arith.constant 4 : i64
    %convert_element_type3A_37 = arith.trunci %jit3A_36 : i64 to i32
    %eq3A_38 = arith.constant 0 : i32
    %eq3A_39 = arith.cmpi eq, %convert_element_type3A_37, %eq3A_38 : i32
    %jit3A_40 = arith.constant 1 : i32
    %select_n3A_41 = arith.select %eq3A_39, %jit3A_40, %convert_element_type3A_37 : i32
    %rem3A_42 = arith.remsi %select_n3A_35, %select_n3A_41 : i32
    %ne3A_43 = arith.constant 0 : i32
    %ne3A_44 = arith.cmpi ne, %rem3A_42, %ne3A_43 : i32
    %lt3A_45 = arith.constant 0 : i32
    %lt3A_46 = arith.cmpi slt, %rem3A_42, %lt3A_45 : i32
    %lt3A_47 = arith.constant 0 : i32
    %lt3A_48 = arith.cmpi slt, %select_n3A_41, %lt3A_47 : i32
    %ne3A_49 = arith.xori %lt3A_46, %lt3A_48 : i1
    %and3A_50 = arith.andi %ne3A_49, %ne3A_44 : i1
    %add3A_51 = arith.addi %rem3A_42, %select_n3A_41 : i32
    %select_n3A_52 = arith.select %and3A_50, %add3A_51, %rem3A_42 : i32
    %jit3A_53 = arith.constant 4 : i64
    %convert_element_type3A_54 = arith.trunci %jit3A_53 : i64 to i32
    %div3A_55 = arith.divsi %select_n3A_35, %convert_element_type3A_54 : i32
    %sign3A_56 = arith.constant 0 : i32
    %sign3A_57 = arith.cmpi sgt, %select_n3A_35, %sign3A_56 : i32
    %sign3A_58 = arith.extui %sign3A_57 : i1 to i32
    %sign3A_59 = arith.constant 0 : i32
    %sign3A_60 = arith.cmpi slt, %select_n3A_35, %sign3A_59 : i32
    %sign3A_61 = arith.extui %sign3A_60 : i1 to i32
    %sign3A_62 = arith.subi %sign3A_58, %sign3A_61 : i32
    %sign3A_63 = arith.constant 0 : i32
    %sign3A_64 = arith.cmpi sgt, %convert_element_type3A_54, %sign3A_63 : i32
    %sign3A_65 = arith.extui %sign3A_64 : i1 to i32
    %sign3A_66 = arith.constant 0 : i32
    %sign3A_67 = arith.cmpi slt, %convert_element_type3A_54, %sign3A_66 : i32
    %sign3A_68 = arith.extui %sign3A_67 : i1 to i32
    %sign3A_69 = arith.subi %sign3A_65, %sign3A_68 : i32
    %ne3A_70 = arith.cmpi ne, %sign3A_62, %sign3A_69 : i32
    %rem3A_71 = arith.remsi %select_n3A_35, %convert_element_type3A_54 : i32
    %ne3A_72 = arith.constant 0 : i32
    %ne3A_73 = arith.cmpi ne, %rem3A_71, %ne3A_72 : i32
    %and3A_74 = arith.andi %ne3A_70, %ne3A_73 : i1
    %sub3A_75 = arith.constant 1 : i32
    %sub3A_76 = arith.subi %div3A_55, %sub3A_75 : i32
    %select_n3A_77 = arith.select %and3A_74, %sub3A_76, %div3A_55 : i32
    %jit3A_78 = arith.constant 10 : i64
    %convert_element_type3A_79 = arith.trunci %jit3A_78 : i64 to i32
    %eq3A_80 = arith.constant 0 : i32
    %eq3A_81 = arith.cmpi eq, %convert_element_type3A_79, %eq3A_80 : i32
    %jit3A_82 = arith.constant 1 : i32
    %select_n3A_83 = arith.select %eq3A_81, %jit3A_82, %convert_element_type3A_79 : i32
    %rem3A_84 = arith.remsi %select_n3A_77, %select_n3A_83 : i32
    %ne3A_85 = arith.constant 0 : i32
    %ne3A_86 = arith.cmpi ne, %rem3A_84, %ne3A_85 : i32
    %lt3A_87 = arith.constant 0 : i32
    %lt3A_88 = arith.cmpi slt, %rem3A_84, %lt3A_87 : i32
    %lt3A_89 = arith.constant 0 : i32
    %lt3A_90 = arith.cmpi slt, %select_n3A_83, %lt3A_89 : i32
    %ne3A_91 = arith.xori %lt3A_88, %lt3A_90 : i1
    %and3A_92 = arith.andi %ne3A_91, %ne3A_86 : i1
    %add3A_93 = arith.addi %rem3A_84, %select_n3A_83 : i32
    %select_n3A_94 = arith.select %and3A_92, %add3A_93, %rem3A_84 : i32
    %jit3A_95 = arith.constant 10 : i64
    %convert_element_type3A_96 = arith.trunci %jit3A_95 : i64 to i32
    %div3A_97 = arith.divsi %select_n3A_77, %convert_element_type3A_96 : i32
    %sign3A_98 = arith.constant 0 : i32
    %sign3A_99 = arith.cmpi sgt, %select_n3A_77, %sign3A_98 : i32
    %sign3A_100 = arith.extui %sign3A_99 : i1 to i32
    %sign3A_101 = arith.constant 0 : i32
    %sign3A_102 = arith.cmpi slt, %select_n3A_77, %sign3A_101 : i32
    %sign3A_103 = arith.extui %sign3A_102 : i1 to i32
    %sign3A_104 = arith.subi %sign3A_100, %sign3A_103 : i32
    %sign3A_105 = arith.constant 0 : i32
    %sign3A_106 = arith.cmpi sgt, %convert_element_type3A_96, %sign3A_105 : i32
    %sign3A_107 = arith.extui %sign3A_106 : i1 to i32
    %sign3A_108 = arith.constant 0 : i32
    %sign3A_109 = arith.cmpi slt, %convert_element_type3A_96, %sign3A_108 : i32
    %sign3A_110 = arith.extui %sign3A_109 : i1 to i32
    %sign3A_111 = arith.subi %sign3A_107, %sign3A_110 : i32
    %ne3A_112 = arith.cmpi ne, %sign3A_104, %sign3A_111 : i32
    %rem3A_113 = arith.remsi %select_n3A_77, %convert_element_type3A_96 : i32
    %ne3A_114 = arith.constant 0 : i32
    %ne3A_115 = arith.cmpi ne, %rem3A_113, %ne3A_114 : i32
    %and3A_116 = arith.andi %ne3A_112, %ne3A_115 : i1
    %sub3A_117 = arith.constant 1 : i32
    %sub3A_118 = arith.subi %div3A_97, %sub3A_117 : i32
    %select_n3A_119 = arith.select %and3A_116, %sub3A_118, %div3A_97 : i32
    %mul3A_120 = arith.constant 8 : i32
    %mul3A_121 = arith.muli %mul3A_120, %select_n3A_52 : i32
    %mul3A_122 = arith.constant 4096 : i32
    %mul3A_123 = arith.muli %mul3A_122, %select_n3A_13 : i32
    %add3A_124 = arith.constant 1 : i32
    %add3A_125 = arith.addi %mul3A_2, %add3A_124 : i32
    %jit3A_126 = arith.constant 4 : i64
    %convert_element_type3A_127 = arith.trunci %jit3A_126 : i64 to i32
    %eq3A_128 = arith.constant 0 : i32
    %eq3A_129 = arith.cmpi eq, %convert_element_type3A_127, %eq3A_128 : i32
    %jit3A_130 = arith.constant 1 : i32
    %select_n3A_131 = arith.select %eq3A_129, %jit3A_130, %convert_element_type3A_127 : i32
    %rem3A_132 = arith.remsi %add3A_125, %select_n3A_131 : i32
    %ne3A_133 = arith.constant 0 : i32
    %ne3A_134 = arith.cmpi ne, %rem3A_132, %ne3A_133 : i32
    %lt3A_135 = arith.constant 0 : i32
    %lt3A_136 = arith.cmpi slt, %rem3A_132, %lt3A_135 : i32
    %lt3A_137 = arith.constant 0 : i32
    %lt3A_138 = arith.cmpi slt, %select_n3A_131, %lt3A_137 : i32
    %ne3A_139 = arith.xori %lt3A_136, %lt3A_138 : i1
    %and3A_140 = arith.andi %ne3A_139, %ne3A_134 : i1
    %add3A_141 = arith.addi %rem3A_132, %select_n3A_131 : i32
    %select_n3A_142 = arith.select %and3A_140, %add3A_141, %rem3A_132 : i32
    %jit3A_143 = arith.constant 4 : i64
    %convert_element_type3A_144 = arith.trunci %jit3A_143 : i64 to i32
    %div3A_145 = arith.divsi %add3A_125, %convert_element_type3A_144 : i32
    %sign3A_146 = arith.constant 0 : i32
    %sign3A_147 = arith.cmpi sgt, %add3A_125, %sign3A_146 : i32
    %sign3A_148 = arith.extui %sign3A_147 : i1 to i32
    %sign3A_149 = arith.constant 0 : i32
    %sign3A_150 = arith.cmpi slt, %add3A_125, %sign3A_149 : i32
    %sign3A_151 = arith.extui %sign3A_150 : i1 to i32
    %sign3A_152 = arith.subi %sign3A_148, %sign3A_151 : i32
    %sign3A_153 = arith.constant 0 : i32
    %sign3A_154 = arith.cmpi sgt, %convert_element_type3A_144, %sign3A_153 : i32
    %sign3A_155 = arith.extui %sign3A_154 : i1 to i32
    %sign3A_156 = arith.constant 0 : i32
    %sign3A_157 = arith.cmpi slt, %convert_element_type3A_144, %sign3A_156 : i32
    %sign3A_158 = arith.extui %sign3A_157 : i1 to i32
    %sign3A_159 = arith.subi %sign3A_155, %sign3A_158 : i32
    %ne3A_160 = arith.cmpi ne, %sign3A_152, %sign3A_159 : i32
    %rem3A_161 = arith.remsi %add3A_125, %convert_element_type3A_144 : i32
    %ne3A_162 = arith.constant 0 : i32
    %ne3A_163 = arith.cmpi ne, %rem3A_161, %ne3A_162 : i32
    %and3A_164 = arith.andi %ne3A_160, %ne3A_163 : i1
    %sub3A_165 = arith.constant 1 : i32
    %sub3A_166 = arith.subi %div3A_145, %sub3A_165 : i32
    %select_n3A_167 = arith.select %and3A_164, %sub3A_166, %div3A_145 : i32
    %jit3A_168 = arith.constant 4 : i64
    %convert_element_type3A_169 = arith.trunci %jit3A_168 : i64 to i32
    %eq3A_170 = arith.constant 0 : i32
    %eq3A_171 = arith.cmpi eq, %convert_element_type3A_169, %eq3A_170 : i32
    %jit3A_172 = arith.constant 1 : i32
    %select_n3A_173 = arith.select %eq3A_171, %jit3A_172, %convert_element_type3A_169 : i32
    %rem3A_174 = arith.remsi %select_n3A_167, %select_n3A_173 : i32
    %ne3A_175 = arith.constant 0 : i32
    %ne3A_176 = arith.cmpi ne, %rem3A_174, %ne3A_175 : i32
    %lt3A_177 = arith.constant 0 : i32
    %lt3A_178 = arith.cmpi slt, %rem3A_174, %lt3A_177 : i32
    %lt3A_179 = arith.constant 0 : i32
    %lt3A_180 = arith.cmpi slt, %select_n3A_173, %lt3A_179 : i32
    %ne3A_181 = arith.xori %lt3A_178, %lt3A_180 : i1
    %and3A_182 = arith.andi %ne3A_181, %ne3A_176 : i1
    %add3A_183 = arith.addi %rem3A_174, %select_n3A_173 : i32
    %select_n3A_184 = arith.select %and3A_182, %add3A_183, %rem3A_174 : i32
    %jit3A_185 = arith.constant 4 : i64
    %convert_element_type3A_186 = arith.trunci %jit3A_185 : i64 to i32
    %div3A_187 = arith.divsi %select_n3A_167, %convert_element_type3A_186 : i32
    %sign3A_188 = arith.constant 0 : i32
    %sign3A_189 = arith.cmpi sgt, %select_n3A_167, %sign3A_188 : i32
    %sign3A_190 = arith.extui %sign3A_189 : i1 to i32
    %sign3A_191 = arith.constant 0 : i32
    %sign3A_192 = arith.cmpi slt, %select_n3A_167, %sign3A_191 : i32
    %sign3A_193 = arith.extui %sign3A_192 : i1 to i32
    %sign3A_194 = arith.subi %sign3A_190, %sign3A_193 : i32
    %sign3A_195 = arith.constant 0 : i32
    %sign3A_196 = arith.cmpi sgt, %convert_element_type3A_186, %sign3A_195 : i32
    %sign3A_197 = arith.extui %sign3A_196 : i1 to i32
    %sign3A_198 = arith.constant 0 : i32
    %sign3A_199 = arith.cmpi slt, %convert_element_type3A_186, %sign3A_198 : i32
    %sign3A_200 = arith.extui %sign3A_199 : i1 to i32
    %sign3A_201 = arith.subi %sign3A_197, %sign3A_200 : i32
    %ne3A_202 = arith.cmpi ne, %sign3A_194, %sign3A_201 : i32
    %rem3A_203 = arith.remsi %select_n3A_167, %convert_element_type3A_186 : i32
    %ne3A_204 = arith.constant 0 : i32
    %ne3A_205 = arith.cmpi ne, %rem3A_203, %ne3A_204 : i32
    %and3A_206 = arith.andi %ne3A_202, %ne3A_205 : i1
    %sub3A_207 = arith.constant 1 : i32
    %sub3A_208 = arith.subi %div3A_187, %sub3A_207 : i32
    %select_n3A_209 = arith.select %and3A_206, %sub3A_208, %div3A_187 : i32
    %jit3A_210 = arith.constant 10 : i64
    %convert_element_type3A_211 = arith.trunci %jit3A_210 : i64 to i32
    %eq3A_212 = arith.constant 0 : i32
    %eq3A_213 = arith.cmpi eq, %convert_element_type3A_211, %eq3A_212 : i32
    %jit3A_214 = arith.constant 1 : i32
    %select_n3A_215 = arith.select %eq3A_213, %jit3A_214, %convert_element_type3A_211 : i32
    %rem3A_216 = arith.remsi %select_n3A_209, %select_n3A_215 : i32
    %ne3A_217 = arith.constant 0 : i32
    %ne3A_218 = arith.cmpi ne, %rem3A_216, %ne3A_217 : i32
    %lt3A_219 = arith.constant 0 : i32
    %lt3A_220 = arith.cmpi slt, %rem3A_216, %lt3A_219 : i32
    %lt3A_221 = arith.constant 0 : i32
    %lt3A_222 = arith.cmpi slt, %select_n3A_215, %lt3A_221 : i32
    %ne3A_223 = arith.xori %lt3A_220, %lt3A_222 : i1
    %and3A_224 = arith.andi %ne3A_223, %ne3A_218 : i1
    %add3A_225 = arith.addi %rem3A_216, %select_n3A_215 : i32
    %select_n3A_226 = arith.select %and3A_224, %add3A_225, %rem3A_216 : i32
    %jit3A_227 = arith.constant 10 : i64
    %convert_element_type3A_228 = arith.trunci %jit3A_227 : i64 to i32
    %div3A_229 = arith.divsi %select_n3A_209, %convert_element_type3A_228 : i32
    %sign3A_230 = arith.constant 0 : i32
    %sign3A_231 = arith.cmpi sgt, %select_n3A_209, %sign3A_230 : i32
    %sign3A_232 = arith.extui %sign3A_231 : i1 to i32
    %sign3A_233 = arith.constant 0 : i32
    %sign3A_234 = arith.cmpi slt, %select_n3A_209, %sign3A_233 : i32
    %sign3A_235 = arith.extui %sign3A_234 : i1 to i32
    %sign3A_236 = arith.subi %sign3A_232, %sign3A_235 : i32
    %sign3A_237 = arith.constant 0 : i32
    %sign3A_238 = arith.cmpi sgt, %convert_element_type3A_228, %sign3A_237 : i32
    %sign3A_239 = arith.extui %sign3A_238 : i1 to i32
    %sign3A_240 = arith.constant 0 : i32
    %sign3A_241 = arith.cmpi slt, %convert_element_type3A_228, %sign3A_240 : i32
    %sign3A_242 = arith.extui %sign3A_241 : i1 to i32
    %sign3A_243 = arith.subi %sign3A_239, %sign3A_242 : i32
    %ne3A_244 = arith.cmpi ne, %sign3A_236, %sign3A_243 : i32
    %rem3A_245 = arith.remsi %select_n3A_209, %convert_element_type3A_228 : i32
    %ne3A_246 = arith.constant 0 : i32
    %ne3A_247 = arith.cmpi ne, %rem3A_245, %ne3A_246 : i32
    %and3A_248 = arith.andi %ne3A_244, %ne3A_247 : i1
    %sub3A_249 = arith.constant 1 : i32
    %sub3A_250 = arith.subi %div3A_229, %sub3A_249 : i32
    %select_n3A_251 = arith.select %and3A_248, %sub3A_250, %div3A_229 : i32
    %mul3A_252 = arith.constant 8 : i32
    %mul3A_253 = arith.muli %mul3A_252, %select_n3A_184 : i32
    %mul3A_254 = arith.constant 4096 : i32
    %mul3A_255 = arith.muli %mul3A_254, %select_n3A_142 : i32
    %add3A_256 = arith.constant 2 : i32
    %add3A_257 = arith.addi %mul3A_2, %add3A_256 : i32
    %jit3A_258 = arith.constant 4 : i64
    %convert_element_type3A_259 = arith.trunci %jit3A_258 : i64 to i32
    %eq3A_260 = arith.constant 0 : i32
    %eq3A_261 = arith.cmpi eq, %convert_element_type3A_259, %eq3A_260 : i32
    %jit3A_262 = arith.constant 1 : i32
    %select_n3A_263 = arith.select %eq3A_261, %jit3A_262, %convert_element_type3A_259 : i32
    %rem3A_264 = arith.remsi %add3A_257, %select_n3A_263 : i32
    %ne3A_265 = arith.constant 0 : i32
    %ne3A_266 = arith.cmpi ne, %rem3A_264, %ne3A_265 : i32
    %lt3A_267 = arith.constant 0 : i32
    %lt3A_268 = arith.cmpi slt, %rem3A_264, %lt3A_267 : i32
    %lt3A_269 = arith.constant 0 : i32
    %lt3A_270 = arith.cmpi slt, %select_n3A_263, %lt3A_269 : i32
    %ne3A_271 = arith.xori %lt3A_268, %lt3A_270 : i1
    %and3A_272 = arith.andi %ne3A_271, %ne3A_266 : i1
    %add3A_273 = arith.addi %rem3A_264, %select_n3A_263 : i32
    %select_n3A_274 = arith.select %and3A_272, %add3A_273, %rem3A_264 : i32
    %jit3A_275 = arith.constant 4 : i64
    %convert_element_type3A_276 = arith.trunci %jit3A_275 : i64 to i32
    %div3A_277 = arith.divsi %add3A_257, %convert_element_type3A_276 : i32
    %sign3A_278 = arith.constant 0 : i32
    %sign3A_279 = arith.cmpi sgt, %add3A_257, %sign3A_278 : i32
    %sign3A_280 = arith.extui %sign3A_279 : i1 to i32
    %sign3A_281 = arith.constant 0 : i32
    %sign3A_282 = arith.cmpi slt, %add3A_257, %sign3A_281 : i32
    %sign3A_283 = arith.extui %sign3A_282 : i1 to i32
    %sign3A_284 = arith.subi %sign3A_280, %sign3A_283 : i32
    %sign3A_285 = arith.constant 0 : i32
    %sign3A_286 = arith.cmpi sgt, %convert_element_type3A_276, %sign3A_285 : i32
    %sign3A_287 = arith.extui %sign3A_286 : i1 to i32
    %sign3A_288 = arith.constant 0 : i32
    %sign3A_289 = arith.cmpi slt, %convert_element_type3A_276, %sign3A_288 : i32
    %sign3A_290 = arith.extui %sign3A_289 : i1 to i32
    %sign3A_291 = arith.subi %sign3A_287, %sign3A_290 : i32
    %ne3A_292 = arith.cmpi ne, %sign3A_284, %sign3A_291 : i32
    %rem3A_293 = arith.remsi %add3A_257, %convert_element_type3A_276 : i32
    %ne3A_294 = arith.constant 0 : i32
    %ne3A_295 = arith.cmpi ne, %rem3A_293, %ne3A_294 : i32
    %and3A_296 = arith.andi %ne3A_292, %ne3A_295 : i1
    %sub3A_297 = arith.constant 1 : i32
    %sub3A_298 = arith.subi %div3A_277, %sub3A_297 : i32
    %select_n3A_299 = arith.select %and3A_296, %sub3A_298, %div3A_277 : i32
    %jit3A_300 = arith.constant 4 : i64
    %convert_element_type3A_301 = arith.trunci %jit3A_300 : i64 to i32
    %eq3A_302 = arith.constant 0 : i32
    %eq3A_303 = arith.cmpi eq, %convert_element_type3A_301, %eq3A_302 : i32
    %jit3A_304 = arith.constant 1 : i32
    %select_n3A_305 = arith.select %eq3A_303, %jit3A_304, %convert_element_type3A_301 : i32
    %rem3A_306 = arith.remsi %select_n3A_299, %select_n3A_305 : i32
    %ne3A_307 = arith.constant 0 : i32
    %ne3A_308 = arith.cmpi ne, %rem3A_306, %ne3A_307 : i32
    %lt3A_309 = arith.constant 0 : i32
    %lt3A_310 = arith.cmpi slt, %rem3A_306, %lt3A_309 : i32
    %lt3A_311 = arith.constant 0 : i32
    %lt3A_312 = arith.cmpi slt, %select_n3A_305, %lt3A_311 : i32
    %ne3A_313 = arith.xori %lt3A_310, %lt3A_312 : i1
    %and3A_314 = arith.andi %ne3A_313, %ne3A_308 : i1
    %add3A_315 = arith.addi %rem3A_306, %select_n3A_305 : i32
    %select_n3A_316 = arith.select %and3A_314, %add3A_315, %rem3A_306 : i32
    %jit3A_317 = arith.constant 4 : i64
    %convert_element_type3A_318 = arith.trunci %jit3A_317 : i64 to i32
    %div3A_319 = arith.divsi %select_n3A_299, %convert_element_type3A_318 : i32
    %sign3A_320 = arith.constant 0 : i32
    %sign3A_321 = arith.cmpi sgt, %select_n3A_299, %sign3A_320 : i32
    %sign3A_322 = arith.extui %sign3A_321 : i1 to i32
    %sign3A_323 = arith.constant 0 : i32
    %sign3A_324 = arith.cmpi slt, %select_n3A_299, %sign3A_323 : i32
    %sign3A_325 = arith.extui %sign3A_324 : i1 to i32
    %sign3A_326 = arith.subi %sign3A_322, %sign3A_325 : i32
    %sign3A_327 = arith.constant 0 : i32
    %sign3A_328 = arith.cmpi sgt, %convert_element_type3A_318, %sign3A_327 : i32
    %sign3A_329 = arith.extui %sign3A_328 : i1 to i32
    %sign3A_330 = arith.constant 0 : i32
    %sign3A_331 = arith.cmpi slt, %convert_element_type3A_318, %sign3A_330 : i32
    %sign3A_332 = arith.extui %sign3A_331 : i1 to i32
    %sign3A_333 = arith.subi %sign3A_329, %sign3A_332 : i32
    %ne3A_334 = arith.cmpi ne, %sign3A_326, %sign3A_333 : i32
    %rem3A_335 = arith.remsi %select_n3A_299, %convert_element_type3A_318 : i32
    %ne3A_336 = arith.constant 0 : i32
    %ne3A_337 = arith.cmpi ne, %rem3A_335, %ne3A_336 : i32
    %and3A_338 = arith.andi %ne3A_334, %ne3A_337 : i1
    %sub3A_339 = arith.constant 1 : i32
    %sub3A_340 = arith.subi %div3A_319, %sub3A_339 : i32
    %select_n3A_341 = arith.select %and3A_338, %sub3A_340, %div3A_319 : i32
    %jit3A_342 = arith.constant 10 : i64
    %convert_element_type3A_343 = arith.trunci %jit3A_342 : i64 to i32
    %eq3A_344 = arith.constant 0 : i32
    %eq3A_345 = arith.cmpi eq, %convert_element_type3A_343, %eq3A_344 : i32
    %jit3A_346 = arith.constant 1 : i32
    %select_n3A_347 = arith.select %eq3A_345, %jit3A_346, %convert_element_type3A_343 : i32
    %rem3A_348 = arith.remsi %select_n3A_341, %select_n3A_347 : i32
    %ne3A_349 = arith.constant 0 : i32
    %ne3A_350 = arith.cmpi ne, %rem3A_348, %ne3A_349 : i32
    %lt3A_351 = arith.constant 0 : i32
    %lt3A_352 = arith.cmpi slt, %rem3A_348, %lt3A_351 : i32
    %lt3A_353 = arith.constant 0 : i32
    %lt3A_354 = arith.cmpi slt, %select_n3A_347, %lt3A_353 : i32
    %ne3A_355 = arith.xori %lt3A_352, %lt3A_354 : i1
    %and3A_356 = arith.andi %ne3A_355, %ne3A_350 : i1
    %add3A_357 = arith.addi %rem3A_348, %select_n3A_347 : i32
    %select_n3A_358 = arith.select %and3A_356, %add3A_357, %rem3A_348 : i32
    %jit3A_359 = arith.constant 10 : i64
    %convert_element_type3A_360 = arith.trunci %jit3A_359 : i64 to i32
    %div3A_361 = arith.divsi %select_n3A_341, %convert_element_type3A_360 : i32
    %sign3A_362 = arith.constant 0 : i32
    %sign3A_363 = arith.cmpi sgt, %select_n3A_341, %sign3A_362 : i32
    %sign3A_364 = arith.extui %sign3A_363 : i1 to i32
    %sign3A_365 = arith.constant 0 : i32
    %sign3A_366 = arith.cmpi slt, %select_n3A_341, %sign3A_365 : i32
    %sign3A_367 = arith.extui %sign3A_366 : i1 to i32
    %sign3A_368 = arith.subi %sign3A_364, %sign3A_367 : i32
    %sign3A_369 = arith.constant 0 : i32
    %sign3A_370 = arith.cmpi sgt, %convert_element_type3A_360, %sign3A_369 : i32
    %sign3A_371 = arith.extui %sign3A_370 : i1 to i32
    %sign3A_372 = arith.constant 0 : i32
    %sign3A_373 = arith.cmpi slt, %convert_element_type3A_360, %sign3A_372 : i32
    %sign3A_374 = arith.extui %sign3A_373 : i1 to i32
    %sign3A_375 = arith.subi %sign3A_371, %sign3A_374 : i32
    %ne3A_376 = arith.cmpi ne, %sign3A_368, %sign3A_375 : i32
    %rem3A_377 = arith.remsi %select_n3A_341, %convert_element_type3A_360 : i32
    %ne3A_378 = arith.constant 0 : i32
    %ne3A_379 = arith.cmpi ne, %rem3A_377, %ne3A_378 : i32
    %and3A_380 = arith.andi %ne3A_376, %ne3A_379 : i1
    %sub3A_381 = arith.constant 1 : i32
    %sub3A_382 = arith.subi %div3A_361, %sub3A_381 : i32
    %select_n3A_383 = arith.select %and3A_380, %sub3A_382, %div3A_361 : i32
    %mul3A_384 = arith.constant 8 : i32
    %mul3A_385 = arith.muli %mul3A_384, %select_n3A_316 : i32
    %mul3A_386 = arith.constant 4096 : i32
    %mul3A_387 = arith.muli %mul3A_386, %select_n3A_274 : i32
    %add3A_388 = arith.constant 3 : i32
    %add3A_389 = arith.addi %mul3A_2, %add3A_388 : i32
    %jit3A_390 = arith.constant 4 : i64
    %convert_element_type3A_391 = arith.trunci %jit3A_390 : i64 to i32
    %eq3A_392 = arith.constant 0 : i32
    %eq3A_393 = arith.cmpi eq, %convert_element_type3A_391, %eq3A_392 : i32
    %jit3A_394 = arith.constant 1 : i32
    %select_n3A_395 = arith.select %eq3A_393, %jit3A_394, %convert_element_type3A_391 : i32
    %rem3A_396 = arith.remsi %add3A_389, %select_n3A_395 : i32
    %ne3A_397 = arith.constant 0 : i32
    %ne3A_398 = arith.cmpi ne, %rem3A_396, %ne3A_397 : i32
    %lt3A_399 = arith.constant 0 : i32
    %lt3A_400 = arith.cmpi slt, %rem3A_396, %lt3A_399 : i32
    %lt3A_401 = arith.constant 0 : i32
    %lt3A_402 = arith.cmpi slt, %select_n3A_395, %lt3A_401 : i32
    %ne3A_403 = arith.xori %lt3A_400, %lt3A_402 : i1
    %and3A_404 = arith.andi %ne3A_403, %ne3A_398 : i1
    %add3A_405 = arith.addi %rem3A_396, %select_n3A_395 : i32
    %select_n3A_406 = arith.select %and3A_404, %add3A_405, %rem3A_396 : i32
    %jit3A_407 = arith.constant 4 : i64
    %convert_element_type3A_408 = arith.trunci %jit3A_407 : i64 to i32
    %div3A_409 = arith.divsi %add3A_389, %convert_element_type3A_408 : i32
    %sign3A_410 = arith.constant 0 : i32
    %sign3A_411 = arith.cmpi sgt, %add3A_389, %sign3A_410 : i32
    %sign3A_412 = arith.extui %sign3A_411 : i1 to i32
    %sign3A_413 = arith.constant 0 : i32
    %sign3A_414 = arith.cmpi slt, %add3A_389, %sign3A_413 : i32
    %sign3A_415 = arith.extui %sign3A_414 : i1 to i32
    %sign3A_416 = arith.subi %sign3A_412, %sign3A_415 : i32
    %sign3A_417 = arith.constant 0 : i32
    %sign3A_418 = arith.cmpi sgt, %convert_element_type3A_408, %sign3A_417 : i32
    %sign3A_419 = arith.extui %sign3A_418 : i1 to i32
    %sign3A_420 = arith.constant 0 : i32
    %sign3A_421 = arith.cmpi slt, %convert_element_type3A_408, %sign3A_420 : i32
    %sign3A_422 = arith.extui %sign3A_421 : i1 to i32
    %sign3A_423 = arith.subi %sign3A_419, %sign3A_422 : i32
    %ne3A_424 = arith.cmpi ne, %sign3A_416, %sign3A_423 : i32
    %rem3A_425 = arith.remsi %add3A_389, %convert_element_type3A_408 : i32
    %ne3A_426 = arith.constant 0 : i32
    %ne3A_427 = arith.cmpi ne, %rem3A_425, %ne3A_426 : i32
    %and3A_428 = arith.andi %ne3A_424, %ne3A_427 : i1
    %sub3A_429 = arith.constant 1 : i32
    %sub3A_430 = arith.subi %div3A_409, %sub3A_429 : i32
    %select_n3A_431 = arith.select %and3A_428, %sub3A_430, %div3A_409 : i32
    %jit3A_432 = arith.constant 4 : i64
    %convert_element_type3A_433 = arith.trunci %jit3A_432 : i64 to i32
    %eq3A_434 = arith.constant 0 : i32
    %eq3A_435 = arith.cmpi eq, %convert_element_type3A_433, %eq3A_434 : i32
    %jit3A_436 = arith.constant 1 : i32
    %select_n3A_437 = arith.select %eq3A_435, %jit3A_436, %convert_element_type3A_433 : i32
    %rem3A_438 = arith.remsi %select_n3A_431, %select_n3A_437 : i32
    %ne3A_439 = arith.constant 0 : i32
    %ne3A_440 = arith.cmpi ne, %rem3A_438, %ne3A_439 : i32
    %lt3A_441 = arith.constant 0 : i32
    %lt3A_442 = arith.cmpi slt, %rem3A_438, %lt3A_441 : i32
    %lt3A_443 = arith.constant 0 : i32
    %lt3A_444 = arith.cmpi slt, %select_n3A_437, %lt3A_443 : i32
    %ne3A_445 = arith.xori %lt3A_442, %lt3A_444 : i1
    %and3A_446 = arith.andi %ne3A_445, %ne3A_440 : i1
    %add3A_447 = arith.addi %rem3A_438, %select_n3A_437 : i32
    %select_n3A_448 = arith.select %and3A_446, %add3A_447, %rem3A_438 : i32
    %jit3A_449 = arith.constant 4 : i64
    %convert_element_type3A_450 = arith.trunci %jit3A_449 : i64 to i32
    %div3A_451 = arith.divsi %select_n3A_431, %convert_element_type3A_450 : i32
    %sign3A_452 = arith.constant 0 : i32
    %sign3A_453 = arith.cmpi sgt, %select_n3A_431, %sign3A_452 : i32
    %sign3A_454 = arith.extui %sign3A_453 : i1 to i32
    %sign3A_455 = arith.constant 0 : i32
    %sign3A_456 = arith.cmpi slt, %select_n3A_431, %sign3A_455 : i32
    %sign3A_457 = arith.extui %sign3A_456 : i1 to i32
    %sign3A_458 = arith.subi %sign3A_454, %sign3A_457 : i32
    %sign3A_459 = arith.constant 0 : i32
    %sign3A_460 = arith.cmpi sgt, %convert_element_type3A_450, %sign3A_459 : i32
    %sign3A_461 = arith.extui %sign3A_460 : i1 to i32
    %sign3A_462 = arith.constant 0 : i32
    %sign3A_463 = arith.cmpi slt, %convert_element_type3A_450, %sign3A_462 : i32
    %sign3A_464 = arith.extui %sign3A_463 : i1 to i32
    %sign3A_465 = arith.subi %sign3A_461, %sign3A_464 : i32
    %ne3A_466 = arith.cmpi ne, %sign3A_458, %sign3A_465 : i32
    %rem3A_467 = arith.remsi %select_n3A_431, %convert_element_type3A_450 : i32
    %ne3A_468 = arith.constant 0 : i32
    %ne3A_469 = arith.cmpi ne, %rem3A_467, %ne3A_468 : i32
    %and3A_470 = arith.andi %ne3A_466, %ne3A_469 : i1
    %sub3A_471 = arith.constant 1 : i32
    %sub3A_472 = arith.subi %div3A_451, %sub3A_471 : i32
    %select_n3A_473 = arith.select %and3A_470, %sub3A_472, %div3A_451 : i32
    %jit3A_474 = arith.constant 10 : i64
    %convert_element_type3A_475 = arith.trunci %jit3A_474 : i64 to i32
    %eq3A_476 = arith.constant 0 : i32
    %eq3A_477 = arith.cmpi eq, %convert_element_type3A_475, %eq3A_476 : i32
    %jit3A_478 = arith.constant 1 : i32
    %select_n3A_479 = arith.select %eq3A_477, %jit3A_478, %convert_element_type3A_475 : i32
    %rem3A_480 = arith.remsi %select_n3A_473, %select_n3A_479 : i32
    %ne3A_481 = arith.constant 0 : i32
    %ne3A_482 = arith.cmpi ne, %rem3A_480, %ne3A_481 : i32
    %lt3A_483 = arith.constant 0 : i32
    %lt3A_484 = arith.cmpi slt, %rem3A_480, %lt3A_483 : i32
    %lt3A_485 = arith.constant 0 : i32
    %lt3A_486 = arith.cmpi slt, %select_n3A_479, %lt3A_485 : i32
    %ne3A_487 = arith.xori %lt3A_484, %lt3A_486 : i1
    %and3A_488 = arith.andi %ne3A_487, %ne3A_482 : i1
    %add3A_489 = arith.addi %rem3A_480, %select_n3A_479 : i32
    %select_n3A_490 = arith.select %and3A_488, %add3A_489, %rem3A_480 : i32
    %jit3A_491 = arith.constant 10 : i64
    %convert_element_type3A_492 = arith.trunci %jit3A_491 : i64 to i32
    %div3A_493 = arith.divsi %select_n3A_473, %convert_element_type3A_492 : i32
    %sign3A_494 = arith.constant 0 : i32
    %sign3A_495 = arith.cmpi sgt, %select_n3A_473, %sign3A_494 : i32
    %sign3A_496 = arith.extui %sign3A_495 : i1 to i32
    %sign3A_497 = arith.constant 0 : i32
    %sign3A_498 = arith.cmpi slt, %select_n3A_473, %sign3A_497 : i32
    %sign3A_499 = arith.extui %sign3A_498 : i1 to i32
    %sign3A_500 = arith.subi %sign3A_496, %sign3A_499 : i32
    %sign3A_501 = arith.constant 0 : i32
    %sign3A_502 = arith.cmpi sgt, %convert_element_type3A_492, %sign3A_501 : i32
    %sign3A_503 = arith.extui %sign3A_502 : i1 to i32
    %sign3A_504 = arith.constant 0 : i32
    %sign3A_505 = arith.cmpi slt, %convert_element_type3A_492, %sign3A_504 : i32
    %sign3A_506 = arith.extui %sign3A_505 : i1 to i32
    %sign3A_507 = arith.subi %sign3A_503, %sign3A_506 : i32
    %ne3A_508 = arith.cmpi ne, %sign3A_500, %sign3A_507 : i32
    %rem3A_509 = arith.remsi %select_n3A_473, %convert_element_type3A_492 : i32
    %ne3A_510 = arith.constant 0 : i32
    %ne3A_511 = arith.cmpi ne, %rem3A_509, %ne3A_510 : i32
    %and3A_512 = arith.andi %ne3A_508, %ne3A_511 : i1
    %sub3A_513 = arith.constant 1 : i32
    %sub3A_514 = arith.subi %div3A_493, %sub3A_513 : i32
    %select_n3A_515 = arith.select %and3A_512, %sub3A_514, %div3A_493 : i32
    %mul3A_516 = arith.constant 8 : i32
    %mul3A_517 = arith.muli %mul3A_516, %select_n3A_448 : i32
    %mul3A_518 = arith.constant 4096 : i32
    %mul3A_519 = arith.muli %mul3A_518, %select_n3A_406 : i32
    %add3A_520 = arith.constant 4 : i32
    %add3A_521 = arith.addi %mul3A_2, %add3A_520 : i32
    %jit3A_522 = arith.constant 4 : i64
    %convert_element_type3A_523 = arith.trunci %jit3A_522 : i64 to i32
    %eq3A_524 = arith.constant 0 : i32
    %eq3A_525 = arith.cmpi eq, %convert_element_type3A_523, %eq3A_524 : i32
    %jit3A_526 = arith.constant 1 : i32
    %select_n3A_527 = arith.select %eq3A_525, %jit3A_526, %convert_element_type3A_523 : i32
    %rem3A_528 = arith.remsi %add3A_521, %select_n3A_527 : i32
    %ne3A_529 = arith.constant 0 : i32
    %ne3A_530 = arith.cmpi ne, %rem3A_528, %ne3A_529 : i32
    %lt3A_531 = arith.constant 0 : i32
    %lt3A_532 = arith.cmpi slt, %rem3A_528, %lt3A_531 : i32
    %lt3A_533 = arith.constant 0 : i32
    %lt3A_534 = arith.cmpi slt, %select_n3A_527, %lt3A_533 : i32
    %ne3A_535 = arith.xori %lt3A_532, %lt3A_534 : i1
    %and3A_536 = arith.andi %ne3A_535, %ne3A_530 : i1
    %add3A_537 = arith.addi %rem3A_528, %select_n3A_527 : i32
    %select_n3A_538 = arith.select %and3A_536, %add3A_537, %rem3A_528 : i32
    %jit3A_539 = arith.constant 4 : i64
    %convert_element_type3A_540 = arith.trunci %jit3A_539 : i64 to i32
    %div3A_541 = arith.divsi %add3A_521, %convert_element_type3A_540 : i32
    %sign3A_542 = arith.constant 0 : i32
    %sign3A_543 = arith.cmpi sgt, %add3A_521, %sign3A_542 : i32
    %sign3A_544 = arith.extui %sign3A_543 : i1 to i32
    %sign3A_545 = arith.constant 0 : i32
    %sign3A_546 = arith.cmpi slt, %add3A_521, %sign3A_545 : i32
    %sign3A_547 = arith.extui %sign3A_546 : i1 to i32
    %sign3A_548 = arith.subi %sign3A_544, %sign3A_547 : i32
    %sign3A_549 = arith.constant 0 : i32
    %sign3A_550 = arith.cmpi sgt, %convert_element_type3A_540, %sign3A_549 : i32
    %sign3A_551 = arith.extui %sign3A_550 : i1 to i32
    %sign3A_552 = arith.constant 0 : i32
    %sign3A_553 = arith.cmpi slt, %convert_element_type3A_540, %sign3A_552 : i32
    %sign3A_554 = arith.extui %sign3A_553 : i1 to i32
    %sign3A_555 = arith.subi %sign3A_551, %sign3A_554 : i32
    %ne3A_556 = arith.cmpi ne, %sign3A_548, %sign3A_555 : i32
    %rem3A_557 = arith.remsi %add3A_521, %convert_element_type3A_540 : i32
    %ne3A_558 = arith.constant 0 : i32
    %ne3A_559 = arith.cmpi ne, %rem3A_557, %ne3A_558 : i32
    %and3A_560 = arith.andi %ne3A_556, %ne3A_559 : i1
    %sub3A_561 = arith.constant 1 : i32
    %sub3A_562 = arith.subi %div3A_541, %sub3A_561 : i32
    %select_n3A_563 = arith.select %and3A_560, %sub3A_562, %div3A_541 : i32
    %jit3A_564 = arith.constant 4 : i64
    %convert_element_type3A_565 = arith.trunci %jit3A_564 : i64 to i32
    %eq3A_566 = arith.constant 0 : i32
    %eq3A_567 = arith.cmpi eq, %convert_element_type3A_565, %eq3A_566 : i32
    %jit3A_568 = arith.constant 1 : i32
    %select_n3A_569 = arith.select %eq3A_567, %jit3A_568, %convert_element_type3A_565 : i32
    %rem3A_570 = arith.remsi %select_n3A_563, %select_n3A_569 : i32
    %ne3A_571 = arith.constant 0 : i32
    %ne3A_572 = arith.cmpi ne, %rem3A_570, %ne3A_571 : i32
    %lt3A_573 = arith.constant 0 : i32
    %lt3A_574 = arith.cmpi slt, %rem3A_570, %lt3A_573 : i32
    %lt3A_575 = arith.constant 0 : i32
    %lt3A_576 = arith.cmpi slt, %select_n3A_569, %lt3A_575 : i32
    %ne3A_577 = arith.xori %lt3A_574, %lt3A_576 : i1
    %and3A_578 = arith.andi %ne3A_577, %ne3A_572 : i1
    %add3A_579 = arith.addi %rem3A_570, %select_n3A_569 : i32
    %select_n3A_580 = arith.select %and3A_578, %add3A_579, %rem3A_570 : i32
    %jit3A_581 = arith.constant 4 : i64
    %convert_element_type3A_582 = arith.trunci %jit3A_581 : i64 to i32
    %div3A_583 = arith.divsi %select_n3A_563, %convert_element_type3A_582 : i32
    %sign3A_584 = arith.constant 0 : i32
    %sign3A_585 = arith.cmpi sgt, %select_n3A_563, %sign3A_584 : i32
    %sign3A_586 = arith.extui %sign3A_585 : i1 to i32
    %sign3A_587 = arith.constant 0 : i32
    %sign3A_588 = arith.cmpi slt, %select_n3A_563, %sign3A_587 : i32
    %sign3A_589 = arith.extui %sign3A_588 : i1 to i32
    %sign3A_590 = arith.subi %sign3A_586, %sign3A_589 : i32
    %sign3A_591 = arith.constant 0 : i32
    %sign3A_592 = arith.cmpi sgt, %convert_element_type3A_582, %sign3A_591 : i32
    %sign3A_593 = arith.extui %sign3A_592 : i1 to i32
    %sign3A_594 = arith.constant 0 : i32
    %sign3A_595 = arith.cmpi slt, %convert_element_type3A_582, %sign3A_594 : i32
    %sign3A_596 = arith.extui %sign3A_595 : i1 to i32
    %sign3A_597 = arith.subi %sign3A_593, %sign3A_596 : i32
    %ne3A_598 = arith.cmpi ne, %sign3A_590, %sign3A_597 : i32
    %rem3A_599 = arith.remsi %select_n3A_563, %convert_element_type3A_582 : i32
    %ne3A_600 = arith.constant 0 : i32
    %ne3A_601 = arith.cmpi ne, %rem3A_599, %ne3A_600 : i32
    %and3A_602 = arith.andi %ne3A_598, %ne3A_601 : i1
    %sub3A_603 = arith.constant 1 : i32
    %sub3A_604 = arith.subi %div3A_583, %sub3A_603 : i32
    %select_n3A_605 = arith.select %and3A_602, %sub3A_604, %div3A_583 : i32
    %jit3A_606 = arith.constant 10 : i64
    %convert_element_type3A_607 = arith.trunci %jit3A_606 : i64 to i32
    %eq3A_608 = arith.constant 0 : i32
    %eq3A_609 = arith.cmpi eq, %convert_element_type3A_607, %eq3A_608 : i32
    %jit3A_610 = arith.constant 1 : i32
    %select_n3A_611 = arith.select %eq3A_609, %jit3A_610, %convert_element_type3A_607 : i32
    %rem3A_612 = arith.remsi %select_n3A_605, %select_n3A_611 : i32
    %ne3A_613 = arith.constant 0 : i32
    %ne3A_614 = arith.cmpi ne, %rem3A_612, %ne3A_613 : i32
    %lt3A_615 = arith.constant 0 : i32
    %lt3A_616 = arith.cmpi slt, %rem3A_612, %lt3A_615 : i32
    %lt3A_617 = arith.constant 0 : i32
    %lt3A_618 = arith.cmpi slt, %select_n3A_611, %lt3A_617 : i32
    %ne3A_619 = arith.xori %lt3A_616, %lt3A_618 : i1
    %and3A_620 = arith.andi %ne3A_619, %ne3A_614 : i1
    %add3A_621 = arith.addi %rem3A_612, %select_n3A_611 : i32
    %select_n3A_622 = arith.select %and3A_620, %add3A_621, %rem3A_612 : i32
    %jit3A_623 = arith.constant 10 : i64
    %convert_element_type3A_624 = arith.trunci %jit3A_623 : i64 to i32
    %div3A_625 = arith.divsi %select_n3A_605, %convert_element_type3A_624 : i32
    %sign3A_626 = arith.constant 0 : i32
    %sign3A_627 = arith.cmpi sgt, %select_n3A_605, %sign3A_626 : i32
    %sign3A_628 = arith.extui %sign3A_627 : i1 to i32
    %sign3A_629 = arith.constant 0 : i32
    %sign3A_630 = arith.cmpi slt, %select_n3A_605, %sign3A_629 : i32
    %sign3A_631 = arith.extui %sign3A_630 : i1 to i32
    %sign3A_632 = arith.subi %sign3A_628, %sign3A_631 : i32
    %sign3A_633 = arith.constant 0 : i32
    %sign3A_634 = arith.cmpi sgt, %convert_element_type3A_624, %sign3A_633 : i32
    %sign3A_635 = arith.extui %sign3A_634 : i1 to i32
    %sign3A_636 = arith.constant 0 : i32
    %sign3A_637 = arith.cmpi slt, %convert_element_type3A_624, %sign3A_636 : i32
    %sign3A_638 = arith.extui %sign3A_637 : i1 to i32
    %sign3A_639 = arith.subi %sign3A_635, %sign3A_638 : i32
    %ne3A_640 = arith.cmpi ne, %sign3A_632, %sign3A_639 : i32
    %rem3A_641 = arith.remsi %select_n3A_605, %convert_element_type3A_624 : i32
    %ne3A_642 = arith.constant 0 : i32
    %ne3A_643 = arith.cmpi ne, %rem3A_641, %ne3A_642 : i32
    %and3A_644 = arith.andi %ne3A_640, %ne3A_643 : i1
    %sub3A_645 = arith.constant 1 : i32
    %sub3A_646 = arith.subi %div3A_625, %sub3A_645 : i32
    %select_n3A_647 = arith.select %and3A_644, %sub3A_646, %div3A_625 : i32
    %mul3A_648 = arith.constant 8 : i32
    %mul3A_649 = arith.muli %mul3A_648, %select_n3A_580 : i32
    %mul3A_650 = arith.constant 4096 : i32
    %mul3A_651 = arith.muli %mul3A_650, %select_n3A_538 : i32
    %add3A_652 = arith.constant 5 : i32
    %add3A_653 = arith.addi %mul3A_2, %add3A_652 : i32
    %jit3A_654 = arith.constant 4 : i64
    %convert_element_type3A_655 = arith.trunci %jit3A_654 : i64 to i32
    %eq3A_656 = arith.constant 0 : i32
    %eq3A_657 = arith.cmpi eq, %convert_element_type3A_655, %eq3A_656 : i32
    %jit3A_658 = arith.constant 1 : i32
    %select_n3A_659 = arith.select %eq3A_657, %jit3A_658, %convert_element_type3A_655 : i32
    %rem3A_660 = arith.remsi %add3A_653, %select_n3A_659 : i32
    %ne3A_661 = arith.constant 0 : i32
    %ne3A_662 = arith.cmpi ne, %rem3A_660, %ne3A_661 : i32
    %lt3A_663 = arith.constant 0 : i32
    %lt3A_664 = arith.cmpi slt, %rem3A_660, %lt3A_663 : i32
    %lt3A_665 = arith.constant 0 : i32
    %lt3A_666 = arith.cmpi slt, %select_n3A_659, %lt3A_665 : i32
    %ne3A_667 = arith.xori %lt3A_664, %lt3A_666 : i1
    %and3A_668 = arith.andi %ne3A_667, %ne3A_662 : i1
    %add3A_669 = arith.addi %rem3A_660, %select_n3A_659 : i32
    %select_n3A_670 = arith.select %and3A_668, %add3A_669, %rem3A_660 : i32
    %jit3A_671 = arith.constant 4 : i64
    %convert_element_type3A_672 = arith.trunci %jit3A_671 : i64 to i32
    %div3A_673 = arith.divsi %add3A_653, %convert_element_type3A_672 : i32
    %sign3A_674 = arith.constant 0 : i32
    %sign3A_675 = arith.cmpi sgt, %add3A_653, %sign3A_674 : i32
    %sign3A_676 = arith.extui %sign3A_675 : i1 to i32
    %sign3A_677 = arith.constant 0 : i32
    %sign3A_678 = arith.cmpi slt, %add3A_653, %sign3A_677 : i32
    %sign3A_679 = arith.extui %sign3A_678 : i1 to i32
    %sign3A_680 = arith.subi %sign3A_676, %sign3A_679 : i32
    %sign3A_681 = arith.constant 0 : i32
    %sign3A_682 = arith.cmpi sgt, %convert_element_type3A_672, %sign3A_681 : i32
    %sign3A_683 = arith.extui %sign3A_682 : i1 to i32
    %sign3A_684 = arith.constant 0 : i32
    %sign3A_685 = arith.cmpi slt, %convert_element_type3A_672, %sign3A_684 : i32
    %sign3A_686 = arith.extui %sign3A_685 : i1 to i32
    %sign3A_687 = arith.subi %sign3A_683, %sign3A_686 : i32
    %ne3A_688 = arith.cmpi ne, %sign3A_680, %sign3A_687 : i32
    %rem3A_689 = arith.remsi %add3A_653, %convert_element_type3A_672 : i32
    %ne3A_690 = arith.constant 0 : i32
    %ne3A_691 = arith.cmpi ne, %rem3A_689, %ne3A_690 : i32
    %and3A_692 = arith.andi %ne3A_688, %ne3A_691 : i1
    %sub3A_693 = arith.constant 1 : i32
    %sub3A_694 = arith.subi %div3A_673, %sub3A_693 : i32
    %select_n3A_695 = arith.select %and3A_692, %sub3A_694, %div3A_673 : i32
    %jit3A_696 = arith.constant 4 : i64
    %convert_element_type3A_697 = arith.trunci %jit3A_696 : i64 to i32
    %eq3A_698 = arith.constant 0 : i32
    %eq3A_699 = arith.cmpi eq, %convert_element_type3A_697, %eq3A_698 : i32
    %jit3A_700 = arith.constant 1 : i32
    %select_n3A_701 = arith.select %eq3A_699, %jit3A_700, %convert_element_type3A_697 : i32
    %rem3A_702 = arith.remsi %select_n3A_695, %select_n3A_701 : i32
    %ne3A_703 = arith.constant 0 : i32
    %ne3A_704 = arith.cmpi ne, %rem3A_702, %ne3A_703 : i32
    %lt3A_705 = arith.constant 0 : i32
    %lt3A_706 = arith.cmpi slt, %rem3A_702, %lt3A_705 : i32
    %lt3A_707 = arith.constant 0 : i32
    %lt3A_708 = arith.cmpi slt, %select_n3A_701, %lt3A_707 : i32
    %ne3A_709 = arith.xori %lt3A_706, %lt3A_708 : i1
    %and3A_710 = arith.andi %ne3A_709, %ne3A_704 : i1
    %add3A_711 = arith.addi %rem3A_702, %select_n3A_701 : i32
    %select_n3A_712 = arith.select %and3A_710, %add3A_711, %rem3A_702 : i32
    %jit3A_713 = arith.constant 4 : i64
    %convert_element_type3A_714 = arith.trunci %jit3A_713 : i64 to i32
    %div3A_715 = arith.divsi %select_n3A_695, %convert_element_type3A_714 : i32
    %sign3A_716 = arith.constant 0 : i32
    %sign3A_717 = arith.cmpi sgt, %select_n3A_695, %sign3A_716 : i32
    %sign3A_718 = arith.extui %sign3A_717 : i1 to i32
    %sign3A_719 = arith.constant 0 : i32
    %sign3A_720 = arith.cmpi slt, %select_n3A_695, %sign3A_719 : i32
    %sign3A_721 = arith.extui %sign3A_720 : i1 to i32
    %sign3A_722 = arith.subi %sign3A_718, %sign3A_721 : i32
    %sign3A_723 = arith.constant 0 : i32
    %sign3A_724 = arith.cmpi sgt, %convert_element_type3A_714, %sign3A_723 : i32
    %sign3A_725 = arith.extui %sign3A_724 : i1 to i32
    %sign3A_726 = arith.constant 0 : i32
    %sign3A_727 = arith.cmpi slt, %convert_element_type3A_714, %sign3A_726 : i32
    %sign3A_728 = arith.extui %sign3A_727 : i1 to i32
    %sign3A_729 = arith.subi %sign3A_725, %sign3A_728 : i32
    %ne3A_730 = arith.cmpi ne, %sign3A_722, %sign3A_729 : i32
    %rem3A_731 = arith.remsi %select_n3A_695, %convert_element_type3A_714 : i32
    %ne3A_732 = arith.constant 0 : i32
    %ne3A_733 = arith.cmpi ne, %rem3A_731, %ne3A_732 : i32
    %and3A_734 = arith.andi %ne3A_730, %ne3A_733 : i1
    %sub3A_735 = arith.constant 1 : i32
    %sub3A_736 = arith.subi %div3A_715, %sub3A_735 : i32
    %select_n3A_737 = arith.select %and3A_734, %sub3A_736, %div3A_715 : i32
    %jit3A_738 = arith.constant 10 : i64
    %convert_element_type3A_739 = arith.trunci %jit3A_738 : i64 to i32
    %eq3A_740 = arith.constant 0 : i32
    %eq3A_741 = arith.cmpi eq, %convert_element_type3A_739, %eq3A_740 : i32
    %jit3A_742 = arith.constant 1 : i32
    %select_n3A_743 = arith.select %eq3A_741, %jit3A_742, %convert_element_type3A_739 : i32
    %rem3A_744 = arith.remsi %select_n3A_737, %select_n3A_743 : i32
    %ne3A_745 = arith.constant 0 : i32
    %ne3A_746 = arith.cmpi ne, %rem3A_744, %ne3A_745 : i32
    %lt3A_747 = arith.constant 0 : i32
    %lt3A_748 = arith.cmpi slt, %rem3A_744, %lt3A_747 : i32
    %lt3A_749 = arith.constant 0 : i32
    %lt3A_750 = arith.cmpi slt, %select_n3A_743, %lt3A_749 : i32
    %ne3A_751 = arith.xori %lt3A_748, %lt3A_750 : i1
    %and3A_752 = arith.andi %ne3A_751, %ne3A_746 : i1
    %add3A_753 = arith.addi %rem3A_744, %select_n3A_743 : i32
    %select_n3A_754 = arith.select %and3A_752, %add3A_753, %rem3A_744 : i32
    %jit3A_755 = arith.constant 10 : i64
    %convert_element_type3A_756 = arith.trunci %jit3A_755 : i64 to i32
    %div3A_757 = arith.divsi %select_n3A_737, %convert_element_type3A_756 : i32
    %sign3A_758 = arith.constant 0 : i32
    %sign3A_759 = arith.cmpi sgt, %select_n3A_737, %sign3A_758 : i32
    %sign3A_760 = arith.extui %sign3A_759 : i1 to i32
    %sign3A_761 = arith.constant 0 : i32
    %sign3A_762 = arith.cmpi slt, %select_n3A_737, %sign3A_761 : i32
    %sign3A_763 = arith.extui %sign3A_762 : i1 to i32
    %sign3A_764 = arith.subi %sign3A_760, %sign3A_763 : i32
    %sign3A_765 = arith.constant 0 : i32
    %sign3A_766 = arith.cmpi sgt, %convert_element_type3A_756, %sign3A_765 : i32
    %sign3A_767 = arith.extui %sign3A_766 : i1 to i32
    %sign3A_768 = arith.constant 0 : i32
    %sign3A_769 = arith.cmpi slt, %convert_element_type3A_756, %sign3A_768 : i32
    %sign3A_770 = arith.extui %sign3A_769 : i1 to i32
    %sign3A_771 = arith.subi %sign3A_767, %sign3A_770 : i32
    %ne3A_772 = arith.cmpi ne, %sign3A_764, %sign3A_771 : i32
    %rem3A_773 = arith.remsi %select_n3A_737, %convert_element_type3A_756 : i32
    %ne3A_774 = arith.constant 0 : i32
    %ne3A_775 = arith.cmpi ne, %rem3A_773, %ne3A_774 : i32
    %and3A_776 = arith.andi %ne3A_772, %ne3A_775 : i1
    %sub3A_777 = arith.constant 1 : i32
    %sub3A_778 = arith.subi %div3A_757, %sub3A_777 : i32
    %select_n3A_779 = arith.select %and3A_776, %sub3A_778, %div3A_757 : i32
    %mul3A_780 = arith.constant 8 : i32
    %mul3A_781 = arith.muli %mul3A_780, %select_n3A_712 : i32
    %mul3A_782 = arith.constant 4096 : i32
    %mul3A_783 = arith.muli %mul3A_782, %select_n3A_670 : i32
    %add3A_784 = arith.constant 6 : i32
    %add3A_785 = arith.addi %mul3A_2, %add3A_784 : i32
    %jit3A_786 = arith.constant 4 : i64
    %convert_element_type3A_787 = arith.trunci %jit3A_786 : i64 to i32
    %eq3A_788 = arith.constant 0 : i32
    %eq3A_789 = arith.cmpi eq, %convert_element_type3A_787, %eq3A_788 : i32
    %jit3A_790 = arith.constant 1 : i32
    %select_n3A_791 = arith.select %eq3A_789, %jit3A_790, %convert_element_type3A_787 : i32
    %rem3A_792 = arith.remsi %add3A_785, %select_n3A_791 : i32
    %ne3A_793 = arith.constant 0 : i32
    %ne3A_794 = arith.cmpi ne, %rem3A_792, %ne3A_793 : i32
    %lt3A_795 = arith.constant 0 : i32
    %lt3A_796 = arith.cmpi slt, %rem3A_792, %lt3A_795 : i32
    %lt3A_797 = arith.constant 0 : i32
    %lt3A_798 = arith.cmpi slt, %select_n3A_791, %lt3A_797 : i32
    %ne3A_799 = arith.xori %lt3A_796, %lt3A_798 : i1
    %and3A_800 = arith.andi %ne3A_799, %ne3A_794 : i1
    %add3A_801 = arith.addi %rem3A_792, %select_n3A_791 : i32
    %select_n3A_802 = arith.select %and3A_800, %add3A_801, %rem3A_792 : i32
    %jit3A_803 = arith.constant 4 : i64
    %convert_element_type3A_804 = arith.trunci %jit3A_803 : i64 to i32
    %div3A_805 = arith.divsi %add3A_785, %convert_element_type3A_804 : i32
    %sign3A_806 = arith.constant 0 : i32
    %sign3A_807 = arith.cmpi sgt, %add3A_785, %sign3A_806 : i32
    %sign3A_808 = arith.extui %sign3A_807 : i1 to i32
    %sign3A_809 = arith.constant 0 : i32
    %sign3A_810 = arith.cmpi slt, %add3A_785, %sign3A_809 : i32
    %sign3A_811 = arith.extui %sign3A_810 : i1 to i32
    %sign3A_812 = arith.subi %sign3A_808, %sign3A_811 : i32
    %sign3A_813 = arith.constant 0 : i32
    %sign3A_814 = arith.cmpi sgt, %convert_element_type3A_804, %sign3A_813 : i32
    %sign3A_815 = arith.extui %sign3A_814 : i1 to i32
    %sign3A_816 = arith.constant 0 : i32
    %sign3A_817 = arith.cmpi slt, %convert_element_type3A_804, %sign3A_816 : i32
    %sign3A_818 = arith.extui %sign3A_817 : i1 to i32
    %sign3A_819 = arith.subi %sign3A_815, %sign3A_818 : i32
    %ne3A_820 = arith.cmpi ne, %sign3A_812, %sign3A_819 : i32
    %rem3A_821 = arith.remsi %add3A_785, %convert_element_type3A_804 : i32
    %ne3A_822 = arith.constant 0 : i32
    %ne3A_823 = arith.cmpi ne, %rem3A_821, %ne3A_822 : i32
    %and3A_824 = arith.andi %ne3A_820, %ne3A_823 : i1
    %sub3A_825 = arith.constant 1 : i32
    %sub3A_826 = arith.subi %div3A_805, %sub3A_825 : i32
    %select_n3A_827 = arith.select %and3A_824, %sub3A_826, %div3A_805 : i32
    %jit3A_828 = arith.constant 4 : i64
    %convert_element_type3A_829 = arith.trunci %jit3A_828 : i64 to i32
    %eq3A_830 = arith.constant 0 : i32
    %eq3A_831 = arith.cmpi eq, %convert_element_type3A_829, %eq3A_830 : i32
    %jit3A_832 = arith.constant 1 : i32
    %select_n3A_833 = arith.select %eq3A_831, %jit3A_832, %convert_element_type3A_829 : i32
    %rem3A_834 = arith.remsi %select_n3A_827, %select_n3A_833 : i32
    %ne3A_835 = arith.constant 0 : i32
    %ne3A_836 = arith.cmpi ne, %rem3A_834, %ne3A_835 : i32
    %lt3A_837 = arith.constant 0 : i32
    %lt3A_838 = arith.cmpi slt, %rem3A_834, %lt3A_837 : i32
    %lt3A_839 = arith.constant 0 : i32
    %lt3A_840 = arith.cmpi slt, %select_n3A_833, %lt3A_839 : i32
    %ne3A_841 = arith.xori %lt3A_838, %lt3A_840 : i1
    %and3A_842 = arith.andi %ne3A_841, %ne3A_836 : i1
    %add3A_843 = arith.addi %rem3A_834, %select_n3A_833 : i32
    %select_n3A_844 = arith.select %and3A_842, %add3A_843, %rem3A_834 : i32
    %jit3A_845 = arith.constant 4 : i64
    %convert_element_type3A_846 = arith.trunci %jit3A_845 : i64 to i32
    %div3A_847 = arith.divsi %select_n3A_827, %convert_element_type3A_846 : i32
    %sign3A_848 = arith.constant 0 : i32
    %sign3A_849 = arith.cmpi sgt, %select_n3A_827, %sign3A_848 : i32
    %sign3A_850 = arith.extui %sign3A_849 : i1 to i32
    %sign3A_851 = arith.constant 0 : i32
    %sign3A_852 = arith.cmpi slt, %select_n3A_827, %sign3A_851 : i32
    %sign3A_853 = arith.extui %sign3A_852 : i1 to i32
    %sign3A_854 = arith.subi %sign3A_850, %sign3A_853 : i32
    %sign3A_855 = arith.constant 0 : i32
    %sign3A_856 = arith.cmpi sgt, %convert_element_type3A_846, %sign3A_855 : i32
    %sign3A_857 = arith.extui %sign3A_856 : i1 to i32
    %sign3A_858 = arith.constant 0 : i32
    %sign3A_859 = arith.cmpi slt, %convert_element_type3A_846, %sign3A_858 : i32
    %sign3A_860 = arith.extui %sign3A_859 : i1 to i32
    %sign3A_861 = arith.subi %sign3A_857, %sign3A_860 : i32
    %ne3A_862 = arith.cmpi ne, %sign3A_854, %sign3A_861 : i32
    %rem3A_863 = arith.remsi %select_n3A_827, %convert_element_type3A_846 : i32
    %ne3A_864 = arith.constant 0 : i32
    %ne3A_865 = arith.cmpi ne, %rem3A_863, %ne3A_864 : i32
    %and3A_866 = arith.andi %ne3A_862, %ne3A_865 : i1
    %sub3A_867 = arith.constant 1 : i32
    %sub3A_868 = arith.subi %div3A_847, %sub3A_867 : i32
    %select_n3A_869 = arith.select %and3A_866, %sub3A_868, %div3A_847 : i32
    %jit3A_870 = arith.constant 10 : i64
    %convert_element_type3A_871 = arith.trunci %jit3A_870 : i64 to i32
    %eq3A_872 = arith.constant 0 : i32
    %eq3A_873 = arith.cmpi eq, %convert_element_type3A_871, %eq3A_872 : i32
    %jit3A_874 = arith.constant 1 : i32
    %select_n3A_875 = arith.select %eq3A_873, %jit3A_874, %convert_element_type3A_871 : i32
    %rem3A_876 = arith.remsi %select_n3A_869, %select_n3A_875 : i32
    %ne3A_877 = arith.constant 0 : i32
    %ne3A_878 = arith.cmpi ne, %rem3A_876, %ne3A_877 : i32
    %lt3A_879 = arith.constant 0 : i32
    %lt3A_880 = arith.cmpi slt, %rem3A_876, %lt3A_879 : i32
    %lt3A_881 = arith.constant 0 : i32
    %lt3A_882 = arith.cmpi slt, %select_n3A_875, %lt3A_881 : i32
    %ne3A_883 = arith.xori %lt3A_880, %lt3A_882 : i1
    %and3A_884 = arith.andi %ne3A_883, %ne3A_878 : i1
    %add3A_885 = arith.addi %rem3A_876, %select_n3A_875 : i32
    %select_n3A_886 = arith.select %and3A_884, %add3A_885, %rem3A_876 : i32
    %jit3A_887 = arith.constant 10 : i64
    %convert_element_type3A_888 = arith.trunci %jit3A_887 : i64 to i32
    %div3A_889 = arith.divsi %select_n3A_869, %convert_element_type3A_888 : i32
    %sign3A_890 = arith.constant 0 : i32
    %sign3A_891 = arith.cmpi sgt, %select_n3A_869, %sign3A_890 : i32
    %sign3A_892 = arith.extui %sign3A_891 : i1 to i32
    %sign3A_893 = arith.constant 0 : i32
    %sign3A_894 = arith.cmpi slt, %select_n3A_869, %sign3A_893 : i32
    %sign3A_895 = arith.extui %sign3A_894 : i1 to i32
    %sign3A_896 = arith.subi %sign3A_892, %sign3A_895 : i32
    %sign3A_897 = arith.constant 0 : i32
    %sign3A_898 = arith.cmpi sgt, %convert_element_type3A_888, %sign3A_897 : i32
    %sign3A_899 = arith.extui %sign3A_898 : i1 to i32
    %sign3A_900 = arith.constant 0 : i32
    %sign3A_901 = arith.cmpi slt, %convert_element_type3A_888, %sign3A_900 : i32
    %sign3A_902 = arith.extui %sign3A_901 : i1 to i32
    %sign3A_903 = arith.subi %sign3A_899, %sign3A_902 : i32
    %ne3A_904 = arith.cmpi ne, %sign3A_896, %sign3A_903 : i32
    %rem3A_905 = arith.remsi %select_n3A_869, %convert_element_type3A_888 : i32
    %ne3A_906 = arith.constant 0 : i32
    %ne3A_907 = arith.cmpi ne, %rem3A_905, %ne3A_906 : i32
    %and3A_908 = arith.andi %ne3A_904, %ne3A_907 : i1
    %sub3A_909 = arith.constant 1 : i32
    %sub3A_910 = arith.subi %div3A_889, %sub3A_909 : i32
    %select_n3A_911 = arith.select %and3A_908, %sub3A_910, %div3A_889 : i32
    %mul3A_912 = arith.constant 8 : i32
    %mul3A_913 = arith.muli %mul3A_912, %select_n3A_844 : i32
    %mul3A_914 = arith.constant 4096 : i32
    %mul3A_915 = arith.muli %mul3A_914, %select_n3A_802 : i32
    %add3A_916 = arith.constant 7 : i32
    %add3A_917 = arith.addi %mul3A_2, %add3A_916 : i32
    %jit3A_918 = arith.constant 4 : i64
    %convert_element_type3A_919 = arith.trunci %jit3A_918 : i64 to i32
    %eq3A_920 = arith.constant 0 : i32
    %eq3A_921 = arith.cmpi eq, %convert_element_type3A_919, %eq3A_920 : i32
    %jit3A_922 = arith.constant 1 : i32
    %select_n3A_923 = arith.select %eq3A_921, %jit3A_922, %convert_element_type3A_919 : i32
    %rem3A_924 = arith.remsi %add3A_917, %select_n3A_923 : i32
    %ne3A_925 = arith.constant 0 : i32
    %ne3A_926 = arith.cmpi ne, %rem3A_924, %ne3A_925 : i32
    %lt3A_927 = arith.constant 0 : i32
    %lt3A_928 = arith.cmpi slt, %rem3A_924, %lt3A_927 : i32
    %lt3A_929 = arith.constant 0 : i32
    %lt3A_930 = arith.cmpi slt, %select_n3A_923, %lt3A_929 : i32
    %ne3A_931 = arith.xori %lt3A_928, %lt3A_930 : i1
    %and3A_932 = arith.andi %ne3A_931, %ne3A_926 : i1
    %add3A_933 = arith.addi %rem3A_924, %select_n3A_923 : i32
    %select_n3A_934 = arith.select %and3A_932, %add3A_933, %rem3A_924 : i32
    %jit3A_935 = arith.constant 4 : i64
    %convert_element_type3A_936 = arith.trunci %jit3A_935 : i64 to i32
    %div3A_937 = arith.divsi %add3A_917, %convert_element_type3A_936 : i32
    %sign3A_938 = arith.constant 0 : i32
    %sign3A_939 = arith.cmpi sgt, %add3A_917, %sign3A_938 : i32
    %sign3A_940 = arith.extui %sign3A_939 : i1 to i32
    %sign3A_941 = arith.constant 0 : i32
    %sign3A_942 = arith.cmpi slt, %add3A_917, %sign3A_941 : i32
    %sign3A_943 = arith.extui %sign3A_942 : i1 to i32
    %sign3A_944 = arith.subi %sign3A_940, %sign3A_943 : i32
    %sign3A_945 = arith.constant 0 : i32
    %sign3A_946 = arith.cmpi sgt, %convert_element_type3A_936, %sign3A_945 : i32
    %sign3A_947 = arith.extui %sign3A_946 : i1 to i32
    %sign3A_948 = arith.constant 0 : i32
    %sign3A_949 = arith.cmpi slt, %convert_element_type3A_936, %sign3A_948 : i32
    %sign3A_950 = arith.extui %sign3A_949 : i1 to i32
    %sign3A_951 = arith.subi %sign3A_947, %sign3A_950 : i32
    %ne3A_952 = arith.cmpi ne, %sign3A_944, %sign3A_951 : i32
    %rem3A_953 = arith.remsi %add3A_917, %convert_element_type3A_936 : i32
    %ne3A_954 = arith.constant 0 : i32
    %ne3A_955 = arith.cmpi ne, %rem3A_953, %ne3A_954 : i32
    %and3A_956 = arith.andi %ne3A_952, %ne3A_955 : i1
    %sub3A_957 = arith.constant 1 : i32
    %sub3A_958 = arith.subi %div3A_937, %sub3A_957 : i32
    %select_n3A_959 = arith.select %and3A_956, %sub3A_958, %div3A_937 : i32
    %jit3A_960 = arith.constant 4 : i64
    %convert_element_type3A_961 = arith.trunci %jit3A_960 : i64 to i32
    %eq3A_962 = arith.constant 0 : i32
    %eq3A_963 = arith.cmpi eq, %convert_element_type3A_961, %eq3A_962 : i32
    %jit3A_964 = arith.constant 1 : i32
    %select_n3A_965 = arith.select %eq3A_963, %jit3A_964, %convert_element_type3A_961 : i32
    %rem3A_966 = arith.remsi %select_n3A_959, %select_n3A_965 : i32
    %ne3A_967 = arith.constant 0 : i32
    %ne3A_968 = arith.cmpi ne, %rem3A_966, %ne3A_967 : i32
    %lt3A_969 = arith.constant 0 : i32
    %lt3A_970 = arith.cmpi slt, %rem3A_966, %lt3A_969 : i32
    %lt3A_971 = arith.constant 0 : i32
    %lt3A_972 = arith.cmpi slt, %select_n3A_965, %lt3A_971 : i32
    %ne3A_973 = arith.xori %lt3A_970, %lt3A_972 : i1
    %and3A_974 = arith.andi %ne3A_973, %ne3A_968 : i1
    %add3A_975 = arith.addi %rem3A_966, %select_n3A_965 : i32
    %select_n3A_976 = arith.select %and3A_974, %add3A_975, %rem3A_966 : i32
    %jit3A_977 = arith.constant 4 : i64
    %convert_element_type3A_978 = arith.trunci %jit3A_977 : i64 to i32
    %div3A_979 = arith.divsi %select_n3A_959, %convert_element_type3A_978 : i32
    %sign3A_980 = arith.constant 0 : i32
    %sign3A_981 = arith.cmpi sgt, %select_n3A_959, %sign3A_980 : i32
    %sign3A_982 = arith.extui %sign3A_981 : i1 to i32
    %sign3A_983 = arith.constant 0 : i32
    %sign3A_984 = arith.cmpi slt, %select_n3A_959, %sign3A_983 : i32
    %sign3A_985 = arith.extui %sign3A_984 : i1 to i32
    %sign3A_986 = arith.subi %sign3A_982, %sign3A_985 : i32
    %sign3A_987 = arith.constant 0 : i32
    %sign3A_988 = arith.cmpi sgt, %convert_element_type3A_978, %sign3A_987 : i32
    %sign3A_989 = arith.extui %sign3A_988 : i1 to i32
    %sign3A_990 = arith.constant 0 : i32
    %sign3A_991 = arith.cmpi slt, %convert_element_type3A_978, %sign3A_990 : i32
    %sign3A_992 = arith.extui %sign3A_991 : i1 to i32
    %sign3A_993 = arith.subi %sign3A_989, %sign3A_992 : i32
    %ne3A_994 = arith.cmpi ne, %sign3A_986, %sign3A_993 : i32
    %rem3A_995 = arith.remsi %select_n3A_959, %convert_element_type3A_978 : i32
    %ne3A_996 = arith.constant 0 : i32
    %ne3A_997 = arith.cmpi ne, %rem3A_995, %ne3A_996 : i32
    %and3A_998 = arith.andi %ne3A_994, %ne3A_997 : i1
    %sub3A_999 = arith.constant 1 : i32
    %sub3A_1000 = arith.subi %div3A_979, %sub3A_999 : i32
    %select_n3A_1001 = arith.select %and3A_998, %sub3A_1000, %div3A_979 : i32
    %jit3A_1002 = arith.constant 10 : i64
    %convert_element_type3A_1003 = arith.trunci %jit3A_1002 : i64 to i32
    %eq3A_1004 = arith.constant 0 : i32
    %eq3A_1005 = arith.cmpi eq, %convert_element_type3A_1003, %eq3A_1004 : i32
    %jit3A_1006 = arith.constant 1 : i32
    %select_n3A_1007 = arith.select %eq3A_1005, %jit3A_1006, %convert_element_type3A_1003 : i32
    %rem3A_1008 = arith.remsi %select_n3A_1001, %select_n3A_1007 : i32
    %ne3A_1009 = arith.constant 0 : i32
    %ne3A_1010 = arith.cmpi ne, %rem3A_1008, %ne3A_1009 : i32
    %lt3A_1011 = arith.constant 0 : i32
    %lt3A_1012 = arith.cmpi slt, %rem3A_1008, %lt3A_1011 : i32
    %lt3A_1013 = arith.constant 0 : i32
    %lt3A_1014 = arith.cmpi slt, %select_n3A_1007, %lt3A_1013 : i32
    %ne3A_1015 = arith.xori %lt3A_1012, %lt3A_1014 : i1
    %and3A_1016 = arith.andi %ne3A_1015, %ne3A_1010 : i1
    %add3A_1017 = arith.addi %rem3A_1008, %select_n3A_1007 : i32
    %select_n3A_1018 = arith.select %and3A_1016, %add3A_1017, %rem3A_1008 : i32
    %jit3A_1019 = arith.constant 10 : i64
    %convert_element_type3A_1020 = arith.trunci %jit3A_1019 : i64 to i32
    %div3A_1021 = arith.divsi %select_n3A_1001, %convert_element_type3A_1020 : i32
    %sign3A_1022 = arith.constant 0 : i32
    %sign3A_1023 = arith.cmpi sgt, %select_n3A_1001, %sign3A_1022 : i32
    %sign3A_1024 = arith.extui %sign3A_1023 : i1 to i32
    %sign3A_1025 = arith.constant 0 : i32
    %sign3A_1026 = arith.cmpi slt, %select_n3A_1001, %sign3A_1025 : i32
    %sign3A_1027 = arith.extui %sign3A_1026 : i1 to i32
    %sign3A_1028 = arith.subi %sign3A_1024, %sign3A_1027 : i32
    %sign3A_1029 = arith.constant 0 : i32
    %sign3A_1030 = arith.cmpi sgt, %convert_element_type3A_1020, %sign3A_1029 : i32
    %sign3A_1031 = arith.extui %sign3A_1030 : i1 to i32
    %sign3A_1032 = arith.constant 0 : i32
    %sign3A_1033 = arith.cmpi slt, %convert_element_type3A_1020, %sign3A_1032 : i32
    %sign3A_1034 = arith.extui %sign3A_1033 : i1 to i32
    %sign3A_1035 = arith.subi %sign3A_1031, %sign3A_1034 : i32
    %ne3A_1036 = arith.cmpi ne, %sign3A_1028, %sign3A_1035 : i32
    %rem3A_1037 = arith.remsi %select_n3A_1001, %convert_element_type3A_1020 : i32
    %ne3A_1038 = arith.constant 0 : i32
    %ne3A_1039 = arith.cmpi ne, %rem3A_1037, %ne3A_1038 : i32
    %and3A_1040 = arith.andi %ne3A_1036, %ne3A_1039 : i1
    %sub3A_1041 = arith.constant 1 : i32
    %sub3A_1042 = arith.subi %div3A_1021, %sub3A_1041 : i32
    %select_n3A_1043 = arith.select %and3A_1040, %sub3A_1042, %div3A_1021 : i32
    %mul3A_1044 = arith.constant 8 : i32
    %mul3A_1045 = arith.muli %mul3A_1044, %select_n3A_976 : i32
    %mul3A_1046 = arith.constant 4096 : i32
    %mul3A_1047 = arith.muli %mul3A_1046, %select_n3A_934 : i32
    %add3A_1048 = arith.constant 8 : i32
    %add3A_1049 = arith.addi %mul3A_2, %add3A_1048 : i32
    %jit3A_1050 = arith.constant 4 : i64
    %convert_element_type3A_1051 = arith.trunci %jit3A_1050 : i64 to i32
    %eq3A_1052 = arith.constant 0 : i32
    %eq3A_1053 = arith.cmpi eq, %convert_element_type3A_1051, %eq3A_1052 : i32
    %jit3A_1054 = arith.constant 1 : i32
    %select_n3A_1055 = arith.select %eq3A_1053, %jit3A_1054, %convert_element_type3A_1051 : i32
    %rem3A_1056 = arith.remsi %add3A_1049, %select_n3A_1055 : i32
    %ne3A_1057 = arith.constant 0 : i32
    %ne3A_1058 = arith.cmpi ne, %rem3A_1056, %ne3A_1057 : i32
    %lt3A_1059 = arith.constant 0 : i32
    %lt3A_1060 = arith.cmpi slt, %rem3A_1056, %lt3A_1059 : i32
    %lt3A_1061 = arith.constant 0 : i32
    %lt3A_1062 = arith.cmpi slt, %select_n3A_1055, %lt3A_1061 : i32
    %ne3A_1063 = arith.xori %lt3A_1060, %lt3A_1062 : i1
    %and3A_1064 = arith.andi %ne3A_1063, %ne3A_1058 : i1
    %add3A_1065 = arith.addi %rem3A_1056, %select_n3A_1055 : i32
    %select_n3A_1066 = arith.select %and3A_1064, %add3A_1065, %rem3A_1056 : i32
    %jit3A_1067 = arith.constant 4 : i64
    %convert_element_type3A_1068 = arith.trunci %jit3A_1067 : i64 to i32
    %div3A_1069 = arith.divsi %add3A_1049, %convert_element_type3A_1068 : i32
    %sign3A_1070 = arith.constant 0 : i32
    %sign3A_1071 = arith.cmpi sgt, %add3A_1049, %sign3A_1070 : i32
    %sign3A_1072 = arith.extui %sign3A_1071 : i1 to i32
    %sign3A_1073 = arith.constant 0 : i32
    %sign3A_1074 = arith.cmpi slt, %add3A_1049, %sign3A_1073 : i32
    %sign3A_1075 = arith.extui %sign3A_1074 : i1 to i32
    %sign3A_1076 = arith.subi %sign3A_1072, %sign3A_1075 : i32
    %sign3A_1077 = arith.constant 0 : i32
    %sign3A_1078 = arith.cmpi sgt, %convert_element_type3A_1068, %sign3A_1077 : i32
    %sign3A_1079 = arith.extui %sign3A_1078 : i1 to i32
    %sign3A_1080 = arith.constant 0 : i32
    %sign3A_1081 = arith.cmpi slt, %convert_element_type3A_1068, %sign3A_1080 : i32
    %sign3A_1082 = arith.extui %sign3A_1081 : i1 to i32
    %sign3A_1083 = arith.subi %sign3A_1079, %sign3A_1082 : i32
    %ne3A_1084 = arith.cmpi ne, %sign3A_1076, %sign3A_1083 : i32
    %rem3A_1085 = arith.remsi %add3A_1049, %convert_element_type3A_1068 : i32
    %ne3A_1086 = arith.constant 0 : i32
    %ne3A_1087 = arith.cmpi ne, %rem3A_1085, %ne3A_1086 : i32
    %and3A_1088 = arith.andi %ne3A_1084, %ne3A_1087 : i1
    %sub3A_1089 = arith.constant 1 : i32
    %sub3A_1090 = arith.subi %div3A_1069, %sub3A_1089 : i32
    %select_n3A_1091 = arith.select %and3A_1088, %sub3A_1090, %div3A_1069 : i32
    %jit3A_1092 = arith.constant 4 : i64
    %convert_element_type3A_1093 = arith.trunci %jit3A_1092 : i64 to i32
    %eq3A_1094 = arith.constant 0 : i32
    %eq3A_1095 = arith.cmpi eq, %convert_element_type3A_1093, %eq3A_1094 : i32
    %jit3A_1096 = arith.constant 1 : i32
    %select_n3A_1097 = arith.select %eq3A_1095, %jit3A_1096, %convert_element_type3A_1093 : i32
    %rem3A_1098 = arith.remsi %select_n3A_1091, %select_n3A_1097 : i32
    %ne3A_1099 = arith.constant 0 : i32
    %ne3A_1100 = arith.cmpi ne, %rem3A_1098, %ne3A_1099 : i32
    %lt3A_1101 = arith.constant 0 : i32
    %lt3A_1102 = arith.cmpi slt, %rem3A_1098, %lt3A_1101 : i32
    %lt3A_1103 = arith.constant 0 : i32
    %lt3A_1104 = arith.cmpi slt, %select_n3A_1097, %lt3A_1103 : i32
    %ne3A_1105 = arith.xori %lt3A_1102, %lt3A_1104 : i1
    %and3A_1106 = arith.andi %ne3A_1105, %ne3A_1100 : i1
    %add3A_1107 = arith.addi %rem3A_1098, %select_n3A_1097 : i32
    %select_n3A_1108 = arith.select %and3A_1106, %add3A_1107, %rem3A_1098 : i32
    %jit3A_1109 = arith.constant 4 : i64
    %convert_element_type3A_1110 = arith.trunci %jit3A_1109 : i64 to i32
    %div3A_1111 = arith.divsi %select_n3A_1091, %convert_element_type3A_1110 : i32
    %sign3A_1112 = arith.constant 0 : i32
    %sign3A_1113 = arith.cmpi sgt, %select_n3A_1091, %sign3A_1112 : i32
    %sign3A_1114 = arith.extui %sign3A_1113 : i1 to i32
    %sign3A_1115 = arith.constant 0 : i32
    %sign3A_1116 = arith.cmpi slt, %select_n3A_1091, %sign3A_1115 : i32
    %sign3A_1117 = arith.extui %sign3A_1116 : i1 to i32
    %sign3A_1118 = arith.subi %sign3A_1114, %sign3A_1117 : i32
    %sign3A_1119 = arith.constant 0 : i32
    %sign3A_1120 = arith.cmpi sgt, %convert_element_type3A_1110, %sign3A_1119 : i32
    %sign3A_1121 = arith.extui %sign3A_1120 : i1 to i32
    %sign3A_1122 = arith.constant 0 : i32
    %sign3A_1123 = arith.cmpi slt, %convert_element_type3A_1110, %sign3A_1122 : i32
    %sign3A_1124 = arith.extui %sign3A_1123 : i1 to i32
    %sign3A_1125 = arith.subi %sign3A_1121, %sign3A_1124 : i32
    %ne3A_1126 = arith.cmpi ne, %sign3A_1118, %sign3A_1125 : i32
    %rem3A_1127 = arith.remsi %select_n3A_1091, %convert_element_type3A_1110 : i32
    %ne3A_1128 = arith.constant 0 : i32
    %ne3A_1129 = arith.cmpi ne, %rem3A_1127, %ne3A_1128 : i32
    %and3A_1130 = arith.andi %ne3A_1126, %ne3A_1129 : i1
    %sub3A_1131 = arith.constant 1 : i32
    %sub3A_1132 = arith.subi %div3A_1111, %sub3A_1131 : i32
    %select_n3A_1133 = arith.select %and3A_1130, %sub3A_1132, %div3A_1111 : i32
    %jit3A_1134 = arith.constant 10 : i64
    %convert_element_type3A_1135 = arith.trunci %jit3A_1134 : i64 to i32
    %eq3A_1136 = arith.constant 0 : i32
    %eq3A_1137 = arith.cmpi eq, %convert_element_type3A_1135, %eq3A_1136 : i32
    %jit3A_1138 = arith.constant 1 : i32
    %select_n3A_1139 = arith.select %eq3A_1137, %jit3A_1138, %convert_element_type3A_1135 : i32
    %rem3A_1140 = arith.remsi %select_n3A_1133, %select_n3A_1139 : i32
    %ne3A_1141 = arith.constant 0 : i32
    %ne3A_1142 = arith.cmpi ne, %rem3A_1140, %ne3A_1141 : i32
    %lt3A_1143 = arith.constant 0 : i32
    %lt3A_1144 = arith.cmpi slt, %rem3A_1140, %lt3A_1143 : i32
    %lt3A_1145 = arith.constant 0 : i32
    %lt3A_1146 = arith.cmpi slt, %select_n3A_1139, %lt3A_1145 : i32
    %ne3A_1147 = arith.xori %lt3A_1144, %lt3A_1146 : i1
    %and3A_1148 = arith.andi %ne3A_1147, %ne3A_1142 : i1
    %add3A_1149 = arith.addi %rem3A_1140, %select_n3A_1139 : i32
    %select_n3A_1150 = arith.select %and3A_1148, %add3A_1149, %rem3A_1140 : i32
    %jit3A_1151 = arith.constant 10 : i64
    %convert_element_type3A_1152 = arith.trunci %jit3A_1151 : i64 to i32
    %div3A_1153 = arith.divsi %select_n3A_1133, %convert_element_type3A_1152 : i32
    %sign3A_1154 = arith.constant 0 : i32
    %sign3A_1155 = arith.cmpi sgt, %select_n3A_1133, %sign3A_1154 : i32
    %sign3A_1156 = arith.extui %sign3A_1155 : i1 to i32
    %sign3A_1157 = arith.constant 0 : i32
    %sign3A_1158 = arith.cmpi slt, %select_n3A_1133, %sign3A_1157 : i32
    %sign3A_1159 = arith.extui %sign3A_1158 : i1 to i32
    %sign3A_1160 = arith.subi %sign3A_1156, %sign3A_1159 : i32
    %sign3A_1161 = arith.constant 0 : i32
    %sign3A_1162 = arith.cmpi sgt, %convert_element_type3A_1152, %sign3A_1161 : i32
    %sign3A_1163 = arith.extui %sign3A_1162 : i1 to i32
    %sign3A_1164 = arith.constant 0 : i32
    %sign3A_1165 = arith.cmpi slt, %convert_element_type3A_1152, %sign3A_1164 : i32
    %sign3A_1166 = arith.extui %sign3A_1165 : i1 to i32
    %sign3A_1167 = arith.subi %sign3A_1163, %sign3A_1166 : i32
    %ne3A_1168 = arith.cmpi ne, %sign3A_1160, %sign3A_1167 : i32
    %rem3A_1169 = arith.remsi %select_n3A_1133, %convert_element_type3A_1152 : i32
    %ne3A_1170 = arith.constant 0 : i32
    %ne3A_1171 = arith.cmpi ne, %rem3A_1169, %ne3A_1170 : i32
    %and3A_1172 = arith.andi %ne3A_1168, %ne3A_1171 : i1
    %sub3A_1173 = arith.constant 1 : i32
    %sub3A_1174 = arith.subi %div3A_1153, %sub3A_1173 : i32
    %select_n3A_1175 = arith.select %and3A_1172, %sub3A_1174, %div3A_1153 : i32
    %mul3A_1176 = arith.constant 8 : i32
    %mul3A_1177 = arith.muli %mul3A_1176, %select_n3A_1108 : i32
    %mul3A_1178 = arith.constant 4096 : i32
    %mul3A_1179 = arith.muli %mul3A_1178, %select_n3A_1066 : i32
    %add3A_1180 = arith.constant 9 : i32
    %add3A_1181 = arith.addi %mul3A_2, %add3A_1180 : i32
    %jit3A_1182 = arith.constant 4 : i64
    %convert_element_type3A_1183 = arith.trunci %jit3A_1182 : i64 to i32
    %eq3A_1184 = arith.constant 0 : i32
    %eq3A_1185 = arith.cmpi eq, %convert_element_type3A_1183, %eq3A_1184 : i32
    %jit3A_1186 = arith.constant 1 : i32
    %select_n3A_1187 = arith.select %eq3A_1185, %jit3A_1186, %convert_element_type3A_1183 : i32
    %rem3A_1188 = arith.remsi %add3A_1181, %select_n3A_1187 : i32
    %ne3A_1189 = arith.constant 0 : i32
    %ne3A_1190 = arith.cmpi ne, %rem3A_1188, %ne3A_1189 : i32
    %lt3A_1191 = arith.constant 0 : i32
    %lt3A_1192 = arith.cmpi slt, %rem3A_1188, %lt3A_1191 : i32
    %lt3A_1193 = arith.constant 0 : i32
    %lt3A_1194 = arith.cmpi slt, %select_n3A_1187, %lt3A_1193 : i32
    %ne3A_1195 = arith.xori %lt3A_1192, %lt3A_1194 : i1
    %and3A_1196 = arith.andi %ne3A_1195, %ne3A_1190 : i1
    %add3A_1197 = arith.addi %rem3A_1188, %select_n3A_1187 : i32
    %select_n3A_1198 = arith.select %and3A_1196, %add3A_1197, %rem3A_1188 : i32
    %jit3A_1199 = arith.constant 4 : i64
    %convert_element_type3A_1200 = arith.trunci %jit3A_1199 : i64 to i32
    %div3A_1201 = arith.divsi %add3A_1181, %convert_element_type3A_1200 : i32
    %sign3A_1202 = arith.constant 0 : i32
    %sign3A_1203 = arith.cmpi sgt, %add3A_1181, %sign3A_1202 : i32
    %sign3A_1204 = arith.extui %sign3A_1203 : i1 to i32
    %sign3A_1205 = arith.constant 0 : i32
    %sign3A_1206 = arith.cmpi slt, %add3A_1181, %sign3A_1205 : i32
    %sign3A_1207 = arith.extui %sign3A_1206 : i1 to i32
    %sign3A_1208 = arith.subi %sign3A_1204, %sign3A_1207 : i32
    %sign3A_1209 = arith.constant 0 : i32
    %sign3A_1210 = arith.cmpi sgt, %convert_element_type3A_1200, %sign3A_1209 : i32
    %sign3A_1211 = arith.extui %sign3A_1210 : i1 to i32
    %sign3A_1212 = arith.constant 0 : i32
    %sign3A_1213 = arith.cmpi slt, %convert_element_type3A_1200, %sign3A_1212 : i32
    %sign3A_1214 = arith.extui %sign3A_1213 : i1 to i32
    %sign3A_1215 = arith.subi %sign3A_1211, %sign3A_1214 : i32
    %ne3A_1216 = arith.cmpi ne, %sign3A_1208, %sign3A_1215 : i32
    %rem3A_1217 = arith.remsi %add3A_1181, %convert_element_type3A_1200 : i32
    %ne3A_1218 = arith.constant 0 : i32
    %ne3A_1219 = arith.cmpi ne, %rem3A_1217, %ne3A_1218 : i32
    %and3A_1220 = arith.andi %ne3A_1216, %ne3A_1219 : i1
    %sub3A_1221 = arith.constant 1 : i32
    %sub3A_1222 = arith.subi %div3A_1201, %sub3A_1221 : i32
    %select_n3A_1223 = arith.select %and3A_1220, %sub3A_1222, %div3A_1201 : i32
    %jit3A_1224 = arith.constant 4 : i64
    %convert_element_type3A_1225 = arith.trunci %jit3A_1224 : i64 to i32
    %eq3A_1226 = arith.constant 0 : i32
    %eq3A_1227 = arith.cmpi eq, %convert_element_type3A_1225, %eq3A_1226 : i32
    %jit3A_1228 = arith.constant 1 : i32
    %select_n3A_1229 = arith.select %eq3A_1227, %jit3A_1228, %convert_element_type3A_1225 : i32
    %rem3A_1230 = arith.remsi %select_n3A_1223, %select_n3A_1229 : i32
    %ne3A_1231 = arith.constant 0 : i32
    %ne3A_1232 = arith.cmpi ne, %rem3A_1230, %ne3A_1231 : i32
    %lt3A_1233 = arith.constant 0 : i32
    %lt3A_1234 = arith.cmpi slt, %rem3A_1230, %lt3A_1233 : i32
    %lt3A_1235 = arith.constant 0 : i32
    %lt3A_1236 = arith.cmpi slt, %select_n3A_1229, %lt3A_1235 : i32
    %ne3A_1237 = arith.xori %lt3A_1234, %lt3A_1236 : i1
    %and3A_1238 = arith.andi %ne3A_1237, %ne3A_1232 : i1
    %add3A_1239 = arith.addi %rem3A_1230, %select_n3A_1229 : i32
    %select_n3A_1240 = arith.select %and3A_1238, %add3A_1239, %rem3A_1230 : i32
    %jit3A_1241 = arith.constant 4 : i64
    %convert_element_type3A_1242 = arith.trunci %jit3A_1241 : i64 to i32
    %div3A_1243 = arith.divsi %select_n3A_1223, %convert_element_type3A_1242 : i32
    %sign3A_1244 = arith.constant 0 : i32
    %sign3A_1245 = arith.cmpi sgt, %select_n3A_1223, %sign3A_1244 : i32
    %sign3A_1246 = arith.extui %sign3A_1245 : i1 to i32
    %sign3A_1247 = arith.constant 0 : i32
    %sign3A_1248 = arith.cmpi slt, %select_n3A_1223, %sign3A_1247 : i32
    %sign3A_1249 = arith.extui %sign3A_1248 : i1 to i32
    %sign3A_1250 = arith.subi %sign3A_1246, %sign3A_1249 : i32
    %sign3A_1251 = arith.constant 0 : i32
    %sign3A_1252 = arith.cmpi sgt, %convert_element_type3A_1242, %sign3A_1251 : i32
    %sign3A_1253 = arith.extui %sign3A_1252 : i1 to i32
    %sign3A_1254 = arith.constant 0 : i32
    %sign3A_1255 = arith.cmpi slt, %convert_element_type3A_1242, %sign3A_1254 : i32
    %sign3A_1256 = arith.extui %sign3A_1255 : i1 to i32
    %sign3A_1257 = arith.subi %sign3A_1253, %sign3A_1256 : i32
    %ne3A_1258 = arith.cmpi ne, %sign3A_1250, %sign3A_1257 : i32
    %rem3A_1259 = arith.remsi %select_n3A_1223, %convert_element_type3A_1242 : i32
    %ne3A_1260 = arith.constant 0 : i32
    %ne3A_1261 = arith.cmpi ne, %rem3A_1259, %ne3A_1260 : i32
    %and3A_1262 = arith.andi %ne3A_1258, %ne3A_1261 : i1
    %sub3A_1263 = arith.constant 1 : i32
    %sub3A_1264 = arith.subi %div3A_1243, %sub3A_1263 : i32
    %select_n3A_1265 = arith.select %and3A_1262, %sub3A_1264, %div3A_1243 : i32
    %jit3A_1266 = arith.constant 10 : i64
    %convert_element_type3A_1267 = arith.trunci %jit3A_1266 : i64 to i32
    %eq3A_1268 = arith.constant 0 : i32
    %eq3A_1269 = arith.cmpi eq, %convert_element_type3A_1267, %eq3A_1268 : i32
    %jit3A_1270 = arith.constant 1 : i32
    %select_n3A_1271 = arith.select %eq3A_1269, %jit3A_1270, %convert_element_type3A_1267 : i32
    %rem3A_1272 = arith.remsi %select_n3A_1265, %select_n3A_1271 : i32
    %ne3A_1273 = arith.constant 0 : i32
    %ne3A_1274 = arith.cmpi ne, %rem3A_1272, %ne3A_1273 : i32
    %lt3A_1275 = arith.constant 0 : i32
    %lt3A_1276 = arith.cmpi slt, %rem3A_1272, %lt3A_1275 : i32
    %lt3A_1277 = arith.constant 0 : i32
    %lt3A_1278 = arith.cmpi slt, %select_n3A_1271, %lt3A_1277 : i32
    %ne3A_1279 = arith.xori %lt3A_1276, %lt3A_1278 : i1
    %and3A_1280 = arith.andi %ne3A_1279, %ne3A_1274 : i1
    %add3A_1281 = arith.addi %rem3A_1272, %select_n3A_1271 : i32
    %select_n3A_1282 = arith.select %and3A_1280, %add3A_1281, %rem3A_1272 : i32
    %jit3A_1283 = arith.constant 10 : i64
    %convert_element_type3A_1284 = arith.trunci %jit3A_1283 : i64 to i32
    %div3A_1285 = arith.divsi %select_n3A_1265, %convert_element_type3A_1284 : i32
    %sign3A_1286 = arith.constant 0 : i32
    %sign3A_1287 = arith.cmpi sgt, %select_n3A_1265, %sign3A_1286 : i32
    %sign3A_1288 = arith.extui %sign3A_1287 : i1 to i32
    %sign3A_1289 = arith.constant 0 : i32
    %sign3A_1290 = arith.cmpi slt, %select_n3A_1265, %sign3A_1289 : i32
    %sign3A_1291 = arith.extui %sign3A_1290 : i1 to i32
    %sign3A_1292 = arith.subi %sign3A_1288, %sign3A_1291 : i32
    %sign3A_1293 = arith.constant 0 : i32
    %sign3A_1294 = arith.cmpi sgt, %convert_element_type3A_1284, %sign3A_1293 : i32
    %sign3A_1295 = arith.extui %sign3A_1294 : i1 to i32
    %sign3A_1296 = arith.constant 0 : i32
    %sign3A_1297 = arith.cmpi slt, %convert_element_type3A_1284, %sign3A_1296 : i32
    %sign3A_1298 = arith.extui %sign3A_1297 : i1 to i32
    %sign3A_1299 = arith.subi %sign3A_1295, %sign3A_1298 : i32
    %ne3A_1300 = arith.cmpi ne, %sign3A_1292, %sign3A_1299 : i32
    %rem3A_1301 = arith.remsi %select_n3A_1265, %convert_element_type3A_1284 : i32
    %ne3A_1302 = arith.constant 0 : i32
    %ne3A_1303 = arith.cmpi ne, %rem3A_1301, %ne3A_1302 : i32
    %and3A_1304 = arith.andi %ne3A_1300, %ne3A_1303 : i1
    %sub3A_1305 = arith.constant 1 : i32
    %sub3A_1306 = arith.subi %div3A_1285, %sub3A_1305 : i32
    %select_n3A_1307 = arith.select %and3A_1304, %sub3A_1306, %div3A_1285 : i32
    %mul3A_1308 = arith.constant 8 : i32
    %mul3A_1309 = arith.muli %mul3A_1308, %select_n3A_1240 : i32
    %mul3A_1310 = arith.constant 4096 : i32
    %mul3A_1311 = arith.muli %mul3A_1310, %select_n3A_1198 : i32
    %dma_start3A = tpu.memref_slice %arg2[%select_n3A_119, %select_n3A_94, %mul3A_121, %mul3A_123] : memref<2x20x32x16384xi32, #tpu.memory_space<hbm>> -> memref<1x1x8x4096xi32, #tpu.memory_space<hbm>>
    %dma_start3A_1312 = tpu.memref_squeeze %dma_start3A : memref<1x1x8x4096xi32, #tpu.memory_space<hbm>> -> memref<8x4096xi32, #tpu.memory_space<hbm>>
    %dma_start3A_1313 = tpu.memref_slice %arg2[%select_n3A_119, %select_n3A_94, %mul3A_121, %mul3A_123] : memref<2x20x32x16384xi32, #tpu.memory_space<hbm>> -> memref<1x1x8x4096xi32, #tpu.memory_space<hbm>>
    %dma_start3A_1314 = tpu.memref_squeeze %dma_start3A_1313 : memref<1x1x8x4096xi32, #tpu.memory_space<hbm>> -> memref<8x4096xi32, #tpu.memory_space<hbm>>
    tpu.enqueue_dma source(%dma_start3A_1314 : memref<8x4096xi32, #tpu.memory_space<hbm>>) target(%arg4 : memref<8x4096xi32, #tpu.memory_space<vmem>>) target_semaphore(%arg7 : memref<!tpu.dma_semaphore, #tpu.memory_space<semaphore_mem>>)
    %dma_start3A_1315 = tpu.memref_slice %arg2[%select_n3A_251, %select_n3A_226, %mul3A_253, %mul3A_255] : memref<2x20x32x16384xi32, #tpu.memory_space<hbm>> -> memref<1x1x8x4096xi32, #tpu.memory_space<hbm>>
    %dma_start3A_1316 = tpu.memref_squeeze %dma_start3A_1315 : memref<1x1x8x4096xi32, #tpu.memory_space<hbm>> -> memref<8x4096xi32, #tpu.memory_space<hbm>>
    %dma_start3A_1317 = tpu.memref_slice %arg2[%select_n3A_251, %select_n3A_226, %mul3A_253, %mul3A_255] : memref<2x20x32x16384xi32, #tpu.memory_space<hbm>> -> memref<1x1x8x4096xi32, #tpu.memory_space<hbm>>
    %dma_start3A_1318 = tpu.memref_squeeze %dma_start3A_1317 : memref<1x1x8x4096xi32, #tpu.memory_space<hbm>> -> memref<8x4096xi32, #tpu.memory_space<hbm>>
    tpu.enqueue_dma source(%dma_start3A_1318 : memref<8x4096xi32, #tpu.memory_space<hbm>>) target(%arg5 : memref<8x4096xi32, #tpu.memory_space<vmem>>) target_semaphore(%arg8 : memref<!tpu.dma_semaphore, #tpu.memory_space<semaphore_mem>>)
    %dma_start3A_1319 = tpu.memref_slice %arg2[%select_n3A_383, %select_n3A_358, %mul3A_385, %mul3A_387] : memref<2x20x32x16384xi32, #tpu.memory_space<hbm>> -> memref<1x1x8x4096xi32, #tpu.memory_space<hbm>>
    %dma_start3A_1320 = tpu.memref_squeeze %dma_start3A_1319 : memref<1x1x8x4096xi32, #tpu.memory_space<hbm>> -> memref<8x4096xi32, #tpu.memory_space<hbm>>
    %dma_start3A_1321 = tpu.memref_slice %arg2[%select_n3A_383, %select_n3A_358, %mul3A_385, %mul3A_387] : memref<2x20x32x16384xi32, #tpu.memory_space<hbm>> -> memref<1x1x8x4096xi32, #tpu.memory_space<hbm>>
    %dma_start3A_1322 = tpu.memref_squeeze %dma_start3A_1321 : memref<1x1x8x4096xi32, #tpu.memory_space<hbm>> -> memref<8x4096xi32, #tpu.memory_space<hbm>>
    tpu.enqueue_dma source(%dma_start3A_1322 : memref<8x4096xi32, #tpu.memory_space<hbm>>) target(%arg6 : memref<8x4096xi32, #tpu.memory_space<vmem>>) target_semaphore(%arg9 : memref<!tpu.dma_semaphore, #tpu.memory_space<semaphore_mem>>)
    %dma_wait3A = tpu.memref_slice %arg2[%select_n3A_119, %select_n3A_94, %mul3A_121, %mul3A_123] : memref<2x20x32x16384xi32, #tpu.memory_space<hbm>> -> memref<1x1x8x4096xi32, #tpu.memory_space<hbm>>
    %dma_wait3A_1323 = tpu.memref_squeeze %dma_wait3A : memref<1x1x8x4096xi32, #tpu.memory_space<hbm>> -> memref<8x4096xi32, #tpu.memory_space<hbm>>
    %dma_wait3A_1324 = tpu.memref_slice %arg2[%select_n3A_119, %select_n3A_94, %mul3A_121, %mul3A_123] : memref<2x20x32x16384xi32, #tpu.memory_space<hbm>> -> memref<1x1x8x4096xi32, #tpu.memory_space<hbm>>
    %dma_wait3A_1325 = tpu.memref_squeeze %dma_wait3A_1324 : memref<1x1x8x4096xi32, #tpu.memory_space<hbm>> -> memref<8x4096xi32, #tpu.memory_space<hbm>>
    tpu.wait_dma2 semaphore(%arg7 : memref<!tpu.dma_semaphore, #tpu.memory_space<semaphore_mem>>) src(%dma_wait3A_1325 : memref<8x4096xi32, #tpu.memory_space<hbm>>) dst(%arg4 : memref<8x4096xi32, #tpu.memory_space<vmem>>)
    %dma_start3A_1326 = tpu.memref_slice %arg3[%select_n3A_119, %select_n3A_94, %mul3A_121, %mul3A_123] : memref<2x10x32x16384xi32, #tpu.memory_space<hbm>> -> memref<1x1x8x4096xi32, #tpu.memory_space<hbm>>
    %dma_start3A_1327 = tpu.memref_squeeze %dma_start3A_1326 : memref<1x1x8x4096xi32, #tpu.memory_space<hbm>> -> memref<8x4096xi32, #tpu.memory_space<hbm>>
    %dma_start3A_1328 = tpu.memref_slice %arg3[%select_n3A_119, %select_n3A_94, %mul3A_121, %mul3A_123] : memref<2x10x32x16384xi32, #tpu.memory_space<hbm>> -> memref<1x1x8x4096xi32, #tpu.memory_space<hbm>>
    %dma_start3A_1329 = tpu.memref_squeeze %dma_start3A_1328 : memref<1x1x8x4096xi32, #tpu.memory_space<hbm>> -> memref<8x4096xi32, #tpu.memory_space<hbm>>
    tpu.enqueue_dma source(%arg4 : memref<8x4096xi32, #tpu.memory_space<vmem>>) target(%dma_start3A_1329 : memref<8x4096xi32, #tpu.memory_space<hbm>>) target_semaphore(%arg10 : memref<!tpu.dma_semaphore, #tpu.memory_space<semaphore_mem>>)
    %dma_wait3A_1330 = tpu.memref_slice %arg3[%select_n3A_119, %select_n3A_94, %mul3A_121, %mul3A_123] : memref<2x10x32x16384xi32, #tpu.memory_space<hbm>> -> memref<1x1x8x4096xi32, #tpu.memory_space<hbm>>
    %dma_wait3A_1331 = tpu.memref_squeeze %dma_wait3A_1330 : memref<1x1x8x4096xi32, #tpu.memory_space<hbm>> -> memref<8x4096xi32, #tpu.memory_space<hbm>>
    %dma_wait3A_1332 = tpu.memref_slice %arg3[%select_n3A_119, %select_n3A_94, %mul3A_121, %mul3A_123] : memref<2x10x32x16384xi32, #tpu.memory_space<hbm>> -> memref<1x1x8x4096xi32, #tpu.memory_space<hbm>>
    %dma_wait3A_1333 = tpu.memref_squeeze %dma_wait3A_1332 : memref<1x1x8x4096xi32, #tpu.memory_space<hbm>> -> memref<8x4096xi32, #tpu.memory_space<hbm>>
    tpu.wait_dma2 semaphore(%arg10 : memref<!tpu.dma_semaphore, #tpu.memory_space<semaphore_mem>>) src(%arg4 : memref<8x4096xi32, #tpu.memory_space<vmem>>) dst(%dma_wait3A_1333 : memref<8x4096xi32, #tpu.memory_space<hbm>>)
    %dma_start3A_1334 = tpu.memref_slice %arg2[%select_n3A_515, %select_n3A_490, %mul3A_517, %mul3A_519] : memref<2x20x32x16384xi32, #tpu.memory_space<hbm>> -> memref<1x1x8x4096xi32, #tpu.memory_space<hbm>>
    %dma_start3A_1335 = tpu.memref_squeeze %dma_start3A_1334 : memref<1x1x8x4096xi32, #tpu.memory_space<hbm>> -> memref<8x4096xi32, #tpu.memory_space<hbm>>
    %dma_start3A_1336 = tpu.memref_slice %arg2[%select_n3A_515, %select_n3A_490, %mul3A_517, %mul3A_519] : memref<2x20x32x16384xi32, #tpu.memory_space<hbm>> -> memref<1x1x8x4096xi32, #tpu.memory_space<hbm>>
    %dma_start3A_1337 = tpu.memref_squeeze %dma_start3A_1336 : memref<1x1x8x4096xi32, #tpu.memory_space<hbm>> -> memref<8x4096xi32, #tpu.memory_space<hbm>>
    tpu.enqueue_dma source(%dma_start3A_1337 : memref<8x4096xi32, #tpu.memory_space<hbm>>) target(%arg4 : memref<8x4096xi32, #tpu.memory_space<vmem>>) target_semaphore(%arg7 : memref<!tpu.dma_semaphore, #tpu.memory_space<semaphore_mem>>)
    %dma_wait3A_1338 = tpu.memref_slice %arg2[%select_n3A_251, %select_n3A_226, %mul3A_253, %mul3A_255] : memref<2x20x32x16384xi32, #tpu.memory_space<hbm>> -> memref<1x1x8x4096xi32, #tpu.memory_space<hbm>>
    %dma_wait3A_1339 = tpu.memref_squeeze %dma_wait3A_1338 : memref<1x1x8x4096xi32, #tpu.memory_space<hbm>> -> memref<8x4096xi32, #tpu.memory_space<hbm>>
    %dma_wait3A_1340 = tpu.memref_slice %arg2[%select_n3A_251, %select_n3A_226, %mul3A_253, %mul3A_255] : memref<2x20x32x16384xi32, #tpu.memory_space<hbm>> -> memref<1x1x8x4096xi32, #tpu.memory_space<hbm>>
    %dma_wait3A_1341 = tpu.memref_squeeze %dma_wait3A_1340 : memref<1x1x8x4096xi32, #tpu.memory_space<hbm>> -> memref<8x4096xi32, #tpu.memory_space<hbm>>
    tpu.wait_dma2 semaphore(%arg8 : memref<!tpu.dma_semaphore, #tpu.memory_space<semaphore_mem>>) src(%dma_wait3A_1341 : memref<8x4096xi32, #tpu.memory_space<hbm>>) dst(%arg5 : memref<8x4096xi32, #tpu.memory_space<vmem>>)
    %dma_start3A_1342 = tpu.memref_slice %arg3[%select_n3A_251, %select_n3A_226, %mul3A_253, %mul3A_255] : memref<2x10x32x16384xi32, #tpu.memory_space<hbm>> -> memref<1x1x8x4096xi32, #tpu.memory_space<hbm>>
    %dma_start3A_1343 = tpu.memref_squeeze %dma_start3A_1342 : memref<1x1x8x4096xi32, #tpu.memory_space<hbm>> -> memref<8x4096xi32, #tpu.memory_space<hbm>>
    %dma_start3A_1344 = tpu.memref_slice %arg3[%select_n3A_251, %select_n3A_226, %mul3A_253, %mul3A_255] : memref<2x10x32x16384xi32, #tpu.memory_space<hbm>> -> memref<1x1x8x4096xi32, #tpu.memory_space<hbm>>
    %dma_start3A_1345 = tpu.memref_squeeze %dma_start3A_1344 : memref<1x1x8x4096xi32, #tpu.memory_space<hbm>> -> memref<8x4096xi32, #tpu.memory_space<hbm>>
    tpu.enqueue_dma source(%arg5 : memref<8x4096xi32, #tpu.memory_space<vmem>>) target(%dma_start3A_1345 : memref<8x4096xi32, #tpu.memory_space<hbm>>) target_semaphore(%arg11 : memref<!tpu.dma_semaphore, #tpu.memory_space<semaphore_mem>>)
    %dma_wait3A_1346 = tpu.memref_slice %arg3[%select_n3A_251, %select_n3A_226, %mul3A_253, %mul3A_255] : memref<2x10x32x16384xi32, #tpu.memory_space<hbm>> -> memref<1x1x8x4096xi32, #tpu.memory_space<hbm>>
    %dma_wait3A_1347 = tpu.memref_squeeze %dma_wait3A_1346 : memref<1x1x8x4096xi32, #tpu.memory_space<hbm>> -> memref<8x4096xi32, #tpu.memory_space<hbm>>
    %dma_wait3A_1348 = tpu.memref_slice %arg3[%select_n3A_251, %select_n3A_226, %mul3A_253, %mul3A_255] : memref<2x10x32x16384xi32, #tpu.memory_space<hbm>> -> memref<1x1x8x4096xi32, #tpu.memory_space<hbm>>
    %dma_wait3A_1349 = tpu.memref_squeeze %dma_wait3A_1348 : memref<1x1x8x4096xi32, #tpu.memory_space<hbm>> -> memref<8x4096xi32, #tpu.memory_space<hbm>>
    tpu.wait_dma2 semaphore(%arg11 : memref<!tpu.dma_semaphore, #tpu.memory_space<semaphore_mem>>) src(%arg5 : memref<8x4096xi32, #tpu.memory_space<vmem>>) dst(%dma_wait3A_1349 : memref<8x4096xi32, #tpu.memory_space<hbm>>)
    %dma_start3A_1350 = tpu.memref_slice %arg2[%select_n3A_647, %select_n3A_622, %mul3A_649, %mul3A_651] : memref<2x20x32x16384xi32, #tpu.memory_space<hbm>> -> memref<1x1x8x4096xi32, #tpu.memory_space<hbm>>
    %dma_start3A_1351 = tpu.memref_squeeze %dma_start3A_1350 : memref<1x1x8x4096xi32, #tpu.memory_space<hbm>> -> memref<8x4096xi32, #tpu.memory_space<hbm>>
    %dma_start3A_1352 = tpu.memref_slice %arg2[%select_n3A_647, %select_n3A_622, %mul3A_649, %mul3A_651] : memref<2x20x32x16384xi32, #tpu.memory_space<hbm>> -> memref<1x1x8x4096xi32, #tpu.memory_space<hbm>>
    %dma_start3A_1353 = tpu.memref_squeeze %dma_start3A_1352 : memref<1x1x8x4096xi32, #tpu.memory_space<hbm>> -> memref<8x4096xi32, #tpu.memory_space<hbm>>
    tpu.enqueue_dma source(%dma_start3A_1353 : memref<8x4096xi32, #tpu.memory_space<hbm>>) target(%arg5 : memref<8x4096xi32, #tpu.memory_space<vmem>>) target_semaphore(%arg8 : memref<!tpu.dma_semaphore, #tpu.memory_space<semaphore_mem>>)
    %dma_wait3A_1354 = tpu.memref_slice %arg2[%select_n3A_383, %select_n3A_358, %mul3A_385, %mul3A_387] : memref<2x20x32x16384xi32, #tpu.memory_space<hbm>> -> memref<1x1x8x4096xi32, #tpu.memory_space<hbm>>
    %dma_wait3A_1355 = tpu.memref_squeeze %dma_wait3A_1354 : memref<1x1x8x4096xi32, #tpu.memory_space<hbm>> -> memref<8x4096xi32, #tpu.memory_space<hbm>>
    %dma_wait3A_1356 = tpu.memref_slice %arg2[%select_n3A_383, %select_n3A_358, %mul3A_385, %mul3A_387] : memref<2x20x32x16384xi32, #tpu.memory_space<hbm>> -> memref<1x1x8x4096xi32, #tpu.memory_space<hbm>>
    %dma_wait3A_1357 = tpu.memref_squeeze %dma_wait3A_1356 : memref<1x1x8x4096xi32, #tpu.memory_space<hbm>> -> memref<8x4096xi32, #tpu.memory_space<hbm>>
    tpu.wait_dma2 semaphore(%arg9 : memref<!tpu.dma_semaphore, #tpu.memory_space<semaphore_mem>>) src(%dma_wait3A_1357 : memref<8x4096xi32, #tpu.memory_space<hbm>>) dst(%arg6 : memref<8x4096xi32, #tpu.memory_space<vmem>>)
    %dma_start3A_1358 = tpu.memref_slice %arg3[%select_n3A_383, %select_n3A_358, %mul3A_385, %mul3A_387] : memref<2x10x32x16384xi32, #tpu.memory_space<hbm>> -> memref<1x1x8x4096xi32, #tpu.memory_space<hbm>>
    %dma_start3A_1359 = tpu.memref_squeeze %dma_start3A_1358 : memref<1x1x8x4096xi32, #tpu.memory_space<hbm>> -> memref<8x4096xi32, #tpu.memory_space<hbm>>
    %dma_start3A_1360 = tpu.memref_slice %arg3[%select_n3A_383, %select_n3A_358, %mul3A_385, %mul3A_387] : memref<2x10x32x16384xi32, #tpu.memory_space<hbm>> -> memref<1x1x8x4096xi32, #tpu.memory_space<hbm>>
    %dma_start3A_1361 = tpu.memref_squeeze %dma_start3A_1360 : memref<1x1x8x4096xi32, #tpu.memory_space<hbm>> -> memref<8x4096xi32, #tpu.memory_space<hbm>>
    tpu.enqueue_dma source(%arg6 : memref<8x4096xi32, #tpu.memory_space<vmem>>) target(%dma_start3A_1361 : memref<8x4096xi32, #tpu.memory_space<hbm>>) target_semaphore(%arg12 : memref<!tpu.dma_semaphore, #tpu.memory_space<semaphore_mem>>)
    %dma_wait3A_1362 = tpu.memref_slice %arg3[%select_n3A_383, %select_n3A_358, %mul3A_385, %mul3A_387] : memref<2x10x32x16384xi32, #tpu.memory_space<hbm>> -> memref<1x1x8x4096xi32, #tpu.memory_space<hbm>>
    %dma_wait3A_1363 = tpu.memref_squeeze %dma_wait3A_1362 : memref<1x1x8x4096xi32, #tpu.memory_space<hbm>> -> memref<8x4096xi32, #tpu.memory_space<hbm>>
    %dma_wait3A_1364 = tpu.memref_slice %arg3[%select_n3A_383, %select_n3A_358, %mul3A_385, %mul3A_387] : memref<2x10x32x16384xi32, #tpu.memory_space<hbm>> -> memref<1x1x8x4096xi32, #tpu.memory_space<hbm>>
    %dma_wait3A_1365 = tpu.memref_squeeze %dma_wait3A_1364 : memref<1x1x8x4096xi32, #tpu.memory_space<hbm>> -> memref<8x4096xi32, #tpu.memory_space<hbm>>
    tpu.wait_dma2 semaphore(%arg12 : memref<!tpu.dma_semaphore, #tpu.memory_space<semaphore_mem>>) src(%arg6 : memref<8x4096xi32, #tpu.memory_space<vmem>>) dst(%dma_wait3A_1365 : memref<8x4096xi32, #tpu.memory_space<hbm>>)
    %dma_start3A_1366 = tpu.memref_slice %arg2[%select_n3A_779, %select_n3A_754, %mul3A_781, %mul3A_783] : memref<2x20x32x16384xi32, #tpu.memory_space<hbm>> -> memref<1x1x8x4096xi32, #tpu.memory_space<hbm>>
    %dma_start3A_1367 = tpu.memref_squeeze %dma_start3A_1366 : memref<1x1x8x4096xi32, #tpu.memory_space<hbm>> -> memref<8x4096xi32, #tpu.memory_space<hbm>>
    %dma_start3A_1368 = tpu.memref_slice %arg2[%select_n3A_779, %select_n3A_754, %mul3A_781, %mul3A_783] : memref<2x20x32x16384xi32, #tpu.memory_space<hbm>> -> memref<1x1x8x4096xi32, #tpu.memory_space<hbm>>
    %dma_start3A_1369 = tpu.memref_squeeze %dma_start3A_1368 : memref<1x1x8x4096xi32, #tpu.memory_space<hbm>> -> memref<8x4096xi32, #tpu.memory_space<hbm>>
    tpu.enqueue_dma source(%dma_start3A_1369 : memref<8x4096xi32, #tpu.memory_space<hbm>>) target(%arg6 : memref<8x4096xi32, #tpu.memory_space<vmem>>) target_semaphore(%arg9 : memref<!tpu.dma_semaphore, #tpu.memory_space<semaphore_mem>>)
    %dma_wait3A_1370 = tpu.memref_slice %arg2[%select_n3A_515, %select_n3A_490, %mul3A_517, %mul3A_519] : memref<2x20x32x16384xi32, #tpu.memory_space<hbm>> -> memref<1x1x8x4096xi32, #tpu.memory_space<hbm>>
    %dma_wait3A_1371 = tpu.memref_squeeze %dma_wait3A_1370 : memref<1x1x8x4096xi32, #tpu.memory_space<hbm>> -> memref<8x4096xi32, #tpu.memory_space<hbm>>
    %dma_wait3A_1372 = tpu.memref_slice %arg2[%select_n3A_515, %select_n3A_490, %mul3A_517, %mul3A_519] : memref<2x20x32x16384xi32, #tpu.memory_space<hbm>> -> memref<1x1x8x4096xi32, #tpu.memory_space<hbm>>
    %dma_wait3A_1373 = tpu.memref_squeeze %dma_wait3A_1372 : memref<1x1x8x4096xi32, #tpu.memory_space<hbm>> -> memref<8x4096xi32, #tpu.memory_space<hbm>>
    tpu.wait_dma2 semaphore(%arg7 : memref<!tpu.dma_semaphore, #tpu.memory_space<semaphore_mem>>) src(%dma_wait3A_1373 : memref<8x4096xi32, #tpu.memory_space<hbm>>) dst(%arg4 : memref<8x4096xi32, #tpu.memory_space<vmem>>)
    %dma_start3A_1374 = tpu.memref_slice %arg3[%select_n3A_515, %select_n3A_490, %mul3A_517, %mul3A_519] : memref<2x10x32x16384xi32, #tpu.memory_space<hbm>> -> memref<1x1x8x4096xi32, #tpu.memory_space<hbm>>
    %dma_start3A_1375 = tpu.memref_squeeze %dma_start3A_1374 : memref<1x1x8x4096xi32, #tpu.memory_space<hbm>> -> memref<8x4096xi32, #tpu.memory_space<hbm>>
    %dma_start3A_1376 = tpu.memref_slice %arg3[%select_n3A_515, %select_n3A_490, %mul3A_517, %mul3A_519] : memref<2x10x32x16384xi32, #tpu.memory_space<hbm>> -> memref<1x1x8x4096xi32, #tpu.memory_space<hbm>>
    %dma_start3A_1377 = tpu.memref_squeeze %dma_start3A_1376 : memref<1x1x8x4096xi32, #tpu.memory_space<hbm>> -> memref<8x4096xi32, #tpu.memory_space<hbm>>
    tpu.enqueue_dma source(%arg4 : memref<8x4096xi32, #tpu.memory_space<vmem>>) target(%dma_start3A_1377 : memref<8x4096xi32, #tpu.memory_space<hbm>>) target_semaphore(%arg10 : memref<!tpu.dma_semaphore, #tpu.memory_space<semaphore_mem>>)
    %dma_wait3A_1378 = tpu.memref_slice %arg3[%select_n3A_515, %select_n3A_490, %mul3A_517, %mul3A_519] : memref<2x10x32x16384xi32, #tpu.memory_space<hbm>> -> memref<1x1x8x4096xi32, #tpu.memory_space<hbm>>
    %dma_wait3A_1379 = tpu.memref_squeeze %dma_wait3A_1378 : memref<1x1x8x4096xi32, #tpu.memory_space<hbm>> -> memref<8x4096xi32, #tpu.memory_space<hbm>>
    %dma_wait3A_1380 = tpu.memref_slice %arg3[%select_n3A_515, %select_n3A_490, %mul3A_517, %mul3A_519] : memref<2x10x32x16384xi32, #tpu.memory_space<hbm>> -> memref<1x1x8x4096xi32, #tpu.memory_space<hbm>>
    %dma_wait3A_1381 = tpu.memref_squeeze %dma_wait3A_1380 : memref<1x1x8x4096xi32, #tpu.memory_space<hbm>> -> memref<8x4096xi32, #tpu.memory_space<hbm>>
    tpu.wait_dma2 semaphore(%arg10 : memref<!tpu.dma_semaphore, #tpu.memory_space<semaphore_mem>>) src(%arg4 : memref<8x4096xi32, #tpu.memory_space<vmem>>) dst(%dma_wait3A_1381 : memref<8x4096xi32, #tpu.memory_space<hbm>>)
    %dma_start3A_1382 = tpu.memref_slice %arg2[%select_n3A_911, %select_n3A_886, %mul3A_913, %mul3A_915] : memref<2x20x32x16384xi32, #tpu.memory_space<hbm>> -> memref<1x1x8x4096xi32, #tpu.memory_space<hbm>>
    %dma_start3A_1383 = tpu.memref_squeeze %dma_start3A_1382 : memref<1x1x8x4096xi32, #tpu.memory_space<hbm>> -> memref<8x4096xi32, #tpu.memory_space<hbm>>
    %dma_start3A_1384 = tpu.memref_slice %arg2[%select_n3A_911, %select_n3A_886, %mul3A_913, %mul3A_915] : memref<2x20x32x16384xi32, #tpu.memory_space<hbm>> -> memref<1x1x8x4096xi32, #tpu.memory_space<hbm>>
    %dma_start3A_1385 = tpu.memref_squeeze %dma_start3A_1384 : memref<1x1x8x4096xi32, #tpu.memory_space<hbm>> -> memref<8x4096xi32, #tpu.memory_space<hbm>>
    tpu.enqueue_dma source(%dma_start3A_1385 : memref<8x4096xi32, #tpu.memory_space<hbm>>) target(%arg4 : memref<8x4096xi32, #tpu.memory_space<vmem>>) target_semaphore(%arg7 : memref<!tpu.dma_semaphore, #tpu.memory_space<semaphore_mem>>)
    %dma_wait3A_1386 = tpu.memref_slice %arg2[%select_n3A_647, %select_n3A_622, %mul3A_649, %mul3A_651] : memref<2x20x32x16384xi32, #tpu.memory_space<hbm>> -> memref<1x1x8x4096xi32, #tpu.memory_space<hbm>>
    %dma_wait3A_1387 = tpu.memref_squeeze %dma_wait3A_1386 : memref<1x1x8x4096xi32, #tpu.memory_space<hbm>> -> memref<8x4096xi32, #tpu.memory_space<hbm>>
    %dma_wait3A_1388 = tpu.memref_slice %arg2[%select_n3A_647, %select_n3A_622, %mul3A_649, %mul3A_651] : memref<2x20x32x16384xi32, #tpu.memory_space<hbm>> -> memref<1x1x8x4096xi32, #tpu.memory_space<hbm>>
    %dma_wait3A_1389 = tpu.memref_squeeze %dma_wait3A_1388 : memref<1x1x8x4096xi32, #tpu.memory_space<hbm>> -> memref<8x4096xi32, #tpu.memory_space<hbm>>
    tpu.wait_dma2 semaphore(%arg8 : memref<!tpu.dma_semaphore, #tpu.memory_space<semaphore_mem>>) src(%dma_wait3A_1389 : memref<8x4096xi32, #tpu.memory_space<hbm>>) dst(%arg5 : memref<8x4096xi32, #tpu.memory_space<vmem>>)
    %dma_start3A_1390 = tpu.memref_slice %arg3[%select_n3A_647, %select_n3A_622, %mul3A_649, %mul3A_651] : memref<2x10x32x16384xi32, #tpu.memory_space<hbm>> -> memref<1x1x8x4096xi32, #tpu.memory_space<hbm>>
    %dma_start3A_1391 = tpu.memref_squeeze %dma_start3A_1390 : memref<1x1x8x4096xi32, #tpu.memory_space<hbm>> -> memref<8x4096xi32, #tpu.memory_space<hbm>>
    %dma_start3A_1392 = tpu.memref_slice %arg3[%select_n3A_647, %select_n3A_622, %mul3A_649, %mul3A_651] : memref<2x10x32x16384xi32, #tpu.memory_space<hbm>> -> memref<1x1x8x4096xi32, #tpu.memory_space<hbm>>
    %dma_start3A_1393 = tpu.memref_squeeze %dma_start3A_1392 : memref<1x1x8x4096xi32, #tpu.memory_space<hbm>> -> memref<8x4096xi32, #tpu.memory_space<hbm>>
    tpu.enqueue_dma source(%arg5 : memref<8x4096xi32, #tpu.memory_space<vmem>>) target(%dma_start3A_1393 : memref<8x4096xi32, #tpu.memory_space<hbm>>) target_semaphore(%arg11 : memref<!tpu.dma_semaphore, #tpu.memory_space<semaphore_mem>>)
    %dma_wait3A_1394 = tpu.memref_slice %arg3[%select_n3A_647, %select_n3A_622, %mul3A_649, %mul3A_651] : memref<2x10x32x16384xi32, #tpu.memory_space<hbm>> -> memref<1x1x8x4096xi32, #tpu.memory_space<hbm>>
    %dma_wait3A_1395 = tpu.memref_squeeze %dma_wait3A_1394 : memref<1x1x8x4096xi32, #tpu.memory_space<hbm>> -> memref<8x4096xi32, #tpu.memory_space<hbm>>
    %dma_wait3A_1396 = tpu.memref_slice %arg3[%select_n3A_647, %select_n3A_622, %mul3A_649, %mul3A_651] : memref<2x10x32x16384xi32, #tpu.memory_space<hbm>> -> memref<1x1x8x4096xi32, #tpu.memory_space<hbm>>
    %dma_wait3A_1397 = tpu.memref_squeeze %dma_wait3A_1396 : memref<1x1x8x4096xi32, #tpu.memory_space<hbm>> -> memref<8x4096xi32, #tpu.memory_space<hbm>>
    tpu.wait_dma2 semaphore(%arg11 : memref<!tpu.dma_semaphore, #tpu.memory_space<semaphore_mem>>) src(%arg5 : memref<8x4096xi32, #tpu.memory_space<vmem>>) dst(%dma_wait3A_1397 : memref<8x4096xi32, #tpu.memory_space<hbm>>)
    %dma_start3A_1398 = tpu.memref_slice %arg2[%select_n3A_1043, %select_n3A_1018, %mul3A_1045, %mul3A_1047] : memref<2x20x32x16384xi32, #tpu.memory_space<hbm>> -> memref<1x1x8x4096xi32, #tpu.memory_space<hbm>>
    %dma_start3A_1399 = tpu.memref_squeeze %dma_start3A_1398 : memref<1x1x8x4096xi32, #tpu.memory_space<hbm>> -> memref<8x4096xi32, #tpu.memory_space<hbm>>
    %dma_start3A_1400 = tpu.memref_slice %arg2[%select_n3A_1043, %select_n3A_1018, %mul3A_1045, %mul3A_1047] : memref<2x20x32x16384xi32, #tpu.memory_space<hbm>> -> memref<1x1x8x4096xi32, #tpu.memory_space<hbm>>
    %dma_start3A_1401 = tpu.memref_squeeze %dma_start3A_1400 : memref<1x1x8x4096xi32, #tpu.memory_space<hbm>> -> memref<8x4096xi32, #tpu.memory_space<hbm>>
    tpu.enqueue_dma source(%dma_start3A_1401 : memref<8x4096xi32, #tpu.memory_space<hbm>>) target(%arg5 : memref<8x4096xi32, #tpu.memory_space<vmem>>) target_semaphore(%arg8 : memref<!tpu.dma_semaphore, #tpu.memory_space<semaphore_mem>>)
    %dma_wait3A_1402 = tpu.memref_slice %arg2[%select_n3A_779, %select_n3A_754, %mul3A_781, %mul3A_783] : memref<2x20x32x16384xi32, #tpu.memory_space<hbm>> -> memref<1x1x8x4096xi32, #tpu.memory_space<hbm>>
    %dma_wait3A_1403 = tpu.memref_squeeze %dma_wait3A_1402 : memref<1x1x8x4096xi32, #tpu.memory_space<hbm>> -> memref<8x4096xi32, #tpu.memory_space<hbm>>
    %dma_wait3A_1404 = tpu.memref_slice %arg2[%select_n3A_779, %select_n3A_754, %mul3A_781, %mul3A_783] : memref<2x20x32x16384xi32, #tpu.memory_space<hbm>> -> memref<1x1x8x4096xi32, #tpu.memory_space<hbm>>
    %dma_wait3A_1405 = tpu.memref_squeeze %dma_wait3A_1404 : memref<1x1x8x4096xi32, #tpu.memory_space<hbm>> -> memref<8x4096xi32, #tpu.memory_space<hbm>>
    tpu.wait_dma2 semaphore(%arg9 : memref<!tpu.dma_semaphore, #tpu.memory_space<semaphore_mem>>) src(%dma_wait3A_1405 : memref<8x4096xi32, #tpu.memory_space<hbm>>) dst(%arg6 : memref<8x4096xi32, #tpu.memory_space<vmem>>)
    %dma_start3A_1406 = tpu.memref_slice %arg3[%select_n3A_779, %select_n3A_754, %mul3A_781, %mul3A_783] : memref<2x10x32x16384xi32, #tpu.memory_space<hbm>> -> memref<1x1x8x4096xi32, #tpu.memory_space<hbm>>
    %dma_start3A_1407 = tpu.memref_squeeze %dma_start3A_1406 : memref<1x1x8x4096xi32, #tpu.memory_space<hbm>> -> memref<8x4096xi32, #tpu.memory_space<hbm>>
    %dma_start3A_1408 = tpu.memref_slice %arg3[%select_n3A_779, %select_n3A_754, %mul3A_781, %mul3A_783] : memref<2x10x32x16384xi32, #tpu.memory_space<hbm>> -> memref<1x1x8x4096xi32, #tpu.memory_space<hbm>>
    %dma_start3A_1409 = tpu.memref_squeeze %dma_start3A_1408 : memref<1x1x8x4096xi32, #tpu.memory_space<hbm>> -> memref<8x4096xi32, #tpu.memory_space<hbm>>
    tpu.enqueue_dma source(%arg6 : memref<8x4096xi32, #tpu.memory_space<vmem>>) target(%dma_start3A_1409 : memref<8x4096xi32, #tpu.memory_space<hbm>>) target_semaphore(%arg12 : memref<!tpu.dma_semaphore, #tpu.memory_space<semaphore_mem>>)
    %dma_wait3A_1410 = tpu.memref_slice %arg3[%select_n3A_779, %select_n3A_754, %mul3A_781, %mul3A_783] : memref<2x10x32x16384xi32, #tpu.memory_space<hbm>> -> memref<1x1x8x4096xi32, #tpu.memory_space<hbm>>
    %dma_wait3A_1411 = tpu.memref_squeeze %dma_wait3A_1410 : memref<1x1x8x4096xi32, #tpu.memory_space<hbm>> -> memref<8x4096xi32, #tpu.memory_space<hbm>>
    %dma_wait3A_1412 = tpu.memref_slice %arg3[%select_n3A_779, %select_n3A_754, %mul3A_781, %mul3A_783] : memref<2x10x32x16384xi32, #tpu.memory_space<hbm>> -> memref<1x1x8x4096xi32, #tpu.memory_space<hbm>>
    %dma_wait3A_1413 = tpu.memref_squeeze %dma_wait3A_1412 : memref<1x1x8x4096xi32, #tpu.memory_space<hbm>> -> memref<8x4096xi32, #tpu.memory_space<hbm>>
    tpu.wait_dma2 semaphore(%arg12 : memref<!tpu.dma_semaphore, #tpu.memory_space<semaphore_mem>>) src(%arg6 : memref<8x4096xi32, #tpu.memory_space<vmem>>) dst(%dma_wait3A_1413 : memref<8x4096xi32, #tpu.memory_space<hbm>>)
    %dma_start3A_1414 = tpu.memref_slice %arg2[%select_n3A_1175, %select_n3A_1150, %mul3A_1177, %mul3A_1179] : memref<2x20x32x16384xi32, #tpu.memory_space<hbm>> -> memref<1x1x8x4096xi32, #tpu.memory_space<hbm>>
    %dma_start3A_1415 = tpu.memref_squeeze %dma_start3A_1414 : memref<1x1x8x4096xi32, #tpu.memory_space<hbm>> -> memref<8x4096xi32, #tpu.memory_space<hbm>>
    %dma_start3A_1416 = tpu.memref_slice %arg2[%select_n3A_1175, %select_n3A_1150, %mul3A_1177, %mul3A_1179] : memref<2x20x32x16384xi32, #tpu.memory_space<hbm>> -> memref<1x1x8x4096xi32, #tpu.memory_space<hbm>>
    %dma_start3A_1417 = tpu.memref_squeeze %dma_start3A_1416 : memref<1x1x8x4096xi32, #tpu.memory_space<hbm>> -> memref<8x4096xi32, #tpu.memory_space<hbm>>
    tpu.enqueue_dma source(%dma_start3A_1417 : memref<8x4096xi32, #tpu.memory_space<hbm>>) target(%arg6 : memref<8x4096xi32, #tpu.memory_space<vmem>>) target_semaphore(%arg9 : memref<!tpu.dma_semaphore, #tpu.memory_space<semaphore_mem>>)
    %dma_wait3A_1418 = tpu.memref_slice %arg2[%select_n3A_911, %select_n3A_886, %mul3A_913, %mul3A_915] : memref<2x20x32x16384xi32, #tpu.memory_space<hbm>> -> memref<1x1x8x4096xi32, #tpu.memory_space<hbm>>
    %dma_wait3A_1419 = tpu.memref_squeeze %dma_wait3A_1418 : memref<1x1x8x4096xi32, #tpu.memory_space<hbm>> -> memref<8x4096xi32, #tpu.memory_space<hbm>>
    %dma_wait3A_1420 = tpu.memref_slice %arg2[%select_n3A_911, %select_n3A_886, %mul3A_913, %mul3A_915] : memref<2x20x32x16384xi32, #tpu.memory_space<hbm>> -> memref<1x1x8x4096xi32, #tpu.memory_space<hbm>>
    %dma_wait3A_1421 = tpu.memref_squeeze %dma_wait3A_1420 : memref<1x1x8x4096xi32, #tpu.memory_space<hbm>> -> memref<8x4096xi32, #tpu.memory_space<hbm>>
    tpu.wait_dma2 semaphore(%arg7 : memref<!tpu.dma_semaphore, #tpu.memory_space<semaphore_mem>>) src(%dma_wait3A_1421 : memref<8x4096xi32, #tpu.memory_space<hbm>>) dst(%arg4 : memref<8x4096xi32, #tpu.memory_space<vmem>>)
    %dma_start3A_1422 = tpu.memref_slice %arg3[%select_n3A_911, %select_n3A_886, %mul3A_913, %mul3A_915] : memref<2x10x32x16384xi32, #tpu.memory_space<hbm>> -> memref<1x1x8x4096xi32, #tpu.memory_space<hbm>>
    %dma_start3A_1423 = tpu.memref_squeeze %dma_start3A_1422 : memref<1x1x8x4096xi32, #tpu.memory_space<hbm>> -> memref<8x4096xi32, #tpu.memory_space<hbm>>
    %dma_start3A_1424 = tpu.memref_slice %arg3[%select_n3A_911, %select_n3A_886, %mul3A_913, %mul3A_915] : memref<2x10x32x16384xi32, #tpu.memory_space<hbm>> -> memref<1x1x8x4096xi32, #tpu.memory_space<hbm>>
    %dma_start3A_1425 = tpu.memref_squeeze %dma_start3A_1424 : memref<1x1x8x4096xi32, #tpu.memory_space<hbm>> -> memref<8x4096xi32, #tpu.memory_space<hbm>>
    tpu.enqueue_dma source(%arg4 : memref<8x4096xi32, #tpu.memory_space<vmem>>) target(%dma_start3A_1425 : memref<8x4096xi32, #tpu.memory_space<hbm>>) target_semaphore(%arg10 : memref<!tpu.dma_semaphore, #tpu.memory_space<semaphore_mem>>)
    %dma_wait3A_1426 = tpu.memref_slice %arg3[%select_n3A_911, %select_n3A_886, %mul3A_913, %mul3A_915] : memref<2x10x32x16384xi32, #tpu.memory_space<hbm>> -> memref<1x1x8x4096xi32, #tpu.memory_space<hbm>>
    %dma_wait3A_1427 = tpu.memref_squeeze %dma_wait3A_1426 : memref<1x1x8x4096xi32, #tpu.memory_space<hbm>> -> memref<8x4096xi32, #tpu.memory_space<hbm>>
    %dma_wait3A_1428 = tpu.memref_slice %arg3[%select_n3A_911, %select_n3A_886, %mul3A_913, %mul3A_915] : memref<2x10x32x16384xi32, #tpu.memory_space<hbm>> -> memref<1x1x8x4096xi32, #tpu.memory_space<hbm>>
    %dma_wait3A_1429 = tpu.memref_squeeze %dma_wait3A_1428 : memref<1x1x8x4096xi32, #tpu.memory_space<hbm>> -> memref<8x4096xi32, #tpu.memory_space<hbm>>
    tpu.wait_dma2 semaphore(%arg10 : memref<!tpu.dma_semaphore, #tpu.memory_space<semaphore_mem>>) src(%arg4 : memref<8x4096xi32, #tpu.memory_space<vmem>>) dst(%dma_wait3A_1429 : memref<8x4096xi32, #tpu.memory_space<hbm>>)
    %dma_start3A_1430 = tpu.memref_slice %arg2[%select_n3A_1307, %select_n3A_1282, %mul3A_1309, %mul3A_1311] : memref<2x20x32x16384xi32, #tpu.memory_space<hbm>> -> memref<1x1x8x4096xi32, #tpu.memory_space<hbm>>
    %dma_start3A_1431 = tpu.memref_squeeze %dma_start3A_1430 : memref<1x1x8x4096xi32, #tpu.memory_space<hbm>> -> memref<8x4096xi32, #tpu.memory_space<hbm>>
    %dma_start3A_1432 = tpu.memref_slice %arg2[%select_n3A_1307, %select_n3A_1282, %mul3A_1309, %mul3A_1311] : memref<2x20x32x16384xi32, #tpu.memory_space<hbm>> -> memref<1x1x8x4096xi32, #tpu.memory_space<hbm>>
    %dma_start3A_1433 = tpu.memref_squeeze %dma_start3A_1432 : memref<1x1x8x4096xi32, #tpu.memory_space<hbm>> -> memref<8x4096xi32, #tpu.memory_space<hbm>>
    tpu.enqueue_dma source(%dma_start3A_1433 : memref<8x4096xi32, #tpu.memory_space<hbm>>) target(%arg4 : memref<8x4096xi32, #tpu.memory_space<vmem>>) target_semaphore(%arg7 : memref<!tpu.dma_semaphore, #tpu.memory_space<semaphore_mem>>)
    %dma_wait3A_1434 = tpu.memref_slice %arg2[%select_n3A_1043, %select_n3A_1018, %mul3A_1045, %mul3A_1047] : memref<2x20x32x16384xi32, #tpu.memory_space<hbm>> -> memref<1x1x8x4096xi32, #tpu.memory_space<hbm>>
    %dma_wait3A_1435 = tpu.memref_squeeze %dma_wait3A_1434 : memref<1x1x8x4096xi32, #tpu.memory_space<hbm>> -> memref<8x4096xi32, #tpu.memory_space<hbm>>
    %dma_wait3A_1436 = tpu.memref_slice %arg2[%select_n3A_1043, %select_n3A_1018, %mul3A_1045, %mul3A_1047] : memref<2x20x32x16384xi32, #tpu.memory_space<hbm>> -> memref<1x1x8x4096xi32, #tpu.memory_space<hbm>>
    %dma_wait3A_1437 = tpu.memref_squeeze %dma_wait3A_1436 : memref<1x1x8x4096xi32, #tpu.memory_space<hbm>> -> memref<8x4096xi32, #tpu.memory_space<hbm>>
    tpu.wait_dma2 semaphore(%arg8 : memref<!tpu.dma_semaphore, #tpu.memory_space<semaphore_mem>>) src(%dma_wait3A_1437 : memref<8x4096xi32, #tpu.memory_space<hbm>>) dst(%arg5 : memref<8x4096xi32, #tpu.memory_space<vmem>>)
    %dma_start3A_1438 = tpu.memref_slice %arg3[%select_n3A_1043, %select_n3A_1018, %mul3A_1045, %mul3A_1047] : memref<2x10x32x16384xi32, #tpu.memory_space<hbm>> -> memref<1x1x8x4096xi32, #tpu.memory_space<hbm>>
    %dma_start3A_1439 = tpu.memref_squeeze %dma_start3A_1438 : memref<1x1x8x4096xi32, #tpu.memory_space<hbm>> -> memref<8x4096xi32, #tpu.memory_space<hbm>>
    %dma_start3A_1440 = tpu.memref_slice %arg3[%select_n3A_1043, %select_n3A_1018, %mul3A_1045, %mul3A_1047] : memref<2x10x32x16384xi32, #tpu.memory_space<hbm>> -> memref<1x1x8x4096xi32, #tpu.memory_space<hbm>>
    %dma_start3A_1441 = tpu.memref_squeeze %dma_start3A_1440 : memref<1x1x8x4096xi32, #tpu.memory_space<hbm>> -> memref<8x4096xi32, #tpu.memory_space<hbm>>
    tpu.enqueue_dma source(%arg5 : memref<8x4096xi32, #tpu.memory_space<vmem>>) target(%dma_start3A_1441 : memref<8x4096xi32, #tpu.memory_space<hbm>>) target_semaphore(%arg11 : memref<!tpu.dma_semaphore, #tpu.memory_space<semaphore_mem>>)
    %dma_wait3A_1442 = tpu.memref_slice %arg2[%select_n3A_1175, %select_n3A_1150, %mul3A_1177, %mul3A_1179] : memref<2x20x32x16384xi32, #tpu.memory_space<hbm>> -> memref<1x1x8x4096xi32, #tpu.memory_space<hbm>>
    %dma_wait3A_1443 = tpu.memref_squeeze %dma_wait3A_1442 : memref<1x1x8x4096xi32, #tpu.memory_space<hbm>> -> memref<8x4096xi32, #tpu.memory_space<hbm>>
    %dma_wait3A_1444 = tpu.memref_slice %arg2[%select_n3A_1175, %select_n3A_1150, %mul3A_1177, %mul3A_1179] : memref<2x20x32x16384xi32, #tpu.memory_space<hbm>> -> memref<1x1x8x4096xi32, #tpu.memory_space<hbm>>
    %dma_wait3A_1445 = tpu.memref_squeeze %dma_wait3A_1444 : memref<1x1x8x4096xi32, #tpu.memory_space<hbm>> -> memref<8x4096xi32, #tpu.memory_space<hbm>>
    tpu.wait_dma2 semaphore(%arg9 : memref<!tpu.dma_semaphore, #tpu.memory_space<semaphore_mem>>) src(%dma_wait3A_1445 : memref<8x4096xi32, #tpu.memory_space<hbm>>) dst(%arg6 : memref<8x4096xi32, #tpu.memory_space<vmem>>)
    %dma_start3A_1446 = tpu.memref_slice %arg3[%select_n3A_1175, %select_n3A_1150, %mul3A_1177, %mul3A_1179] : memref<2x10x32x16384xi32, #tpu.memory_space<hbm>> -> memref<1x1x8x4096xi32, #tpu.memory_space<hbm>>
    %dma_start3A_1447 = tpu.memref_squeeze %dma_start3A_1446 : memref<1x1x8x4096xi32, #tpu.memory_space<hbm>> -> memref<8x4096xi32, #tpu.memory_space<hbm>>
    %dma_start3A_1448 = tpu.memref_slice %arg3[%select_n3A_1175, %select_n3A_1150, %mul3A_1177, %mul3A_1179] : memref<2x10x32x16384xi32, #tpu.memory_space<hbm>> -> memref<1x1x8x4096xi32, #tpu.memory_space<hbm>>
    %dma_start3A_1449 = tpu.memref_squeeze %dma_start3A_1448 : memref<1x1x8x4096xi32, #tpu.memory_space<hbm>> -> memref<8x4096xi32, #tpu.memory_space<hbm>>
    tpu.enqueue_dma source(%arg6 : memref<8x4096xi32, #tpu.memory_space<vmem>>) target(%dma_start3A_1449 : memref<8x4096xi32, #tpu.memory_space<hbm>>) target_semaphore(%arg12 : memref<!tpu.dma_semaphore, #tpu.memory_space<semaphore_mem>>)
    %dma_wait3A_1450 = tpu.memref_slice %arg2[%select_n3A_1307, %select_n3A_1282, %mul3A_1309, %mul3A_1311] : memref<2x20x32x16384xi32, #tpu.memory_space<hbm>> -> memref<1x1x8x4096xi32, #tpu.memory_space<hbm>>
    %dma_wait3A_1451 = tpu.memref_squeeze %dma_wait3A_1450 : memref<1x1x8x4096xi32, #tpu.memory_space<hbm>> -> memref<8x4096xi32, #tpu.memory_space<hbm>>
    %dma_wait3A_1452 = tpu.memref_slice %arg2[%select_n3A_1307, %select_n3A_1282, %mul3A_1309, %mul3A_1311] : memref<2x20x32x16384xi32, #tpu.memory_space<hbm>> -> memref<1x1x8x4096xi32, #tpu.memory_space<hbm>>
    %dma_wait3A_1453 = tpu.memref_squeeze %dma_wait3A_1452 : memref<1x1x8x4096xi32, #tpu.memory_space<hbm>> -> memref<8x4096xi32, #tpu.memory_space<hbm>>
    tpu.wait_dma2 semaphore(%arg7 : memref<!tpu.dma_semaphore, #tpu.memory_space<semaphore_mem>>) src(%dma_wait3A_1453 : memref<8x4096xi32, #tpu.memory_space<hbm>>) dst(%arg4 : memref<8x4096xi32, #tpu.memory_space<vmem>>)
    %dma_start3A_1454 = tpu.memref_slice %arg3[%select_n3A_1307, %select_n3A_1282, %mul3A_1309, %mul3A_1311] : memref<2x10x32x16384xi32, #tpu.memory_space<hbm>> -> memref<1x1x8x4096xi32, #tpu.memory_space<hbm>>
    %dma_start3A_1455 = tpu.memref_squeeze %dma_start3A_1454 : memref<1x1x8x4096xi32, #tpu.memory_space<hbm>> -> memref<8x4096xi32, #tpu.memory_space<hbm>>
    %dma_start3A_1456 = tpu.memref_slice %arg3[%select_n3A_1307, %select_n3A_1282, %mul3A_1309, %mul3A_1311] : memref<2x10x32x16384xi32, #tpu.memory_space<hbm>> -> memref<1x1x8x4096xi32, #tpu.memory_space<hbm>>
    %dma_start3A_1457 = tpu.memref_squeeze %dma_start3A_1456 : memref<1x1x8x4096xi32, #tpu.memory_space<hbm>> -> memref<8x4096xi32, #tpu.memory_space<hbm>>
    tpu.enqueue_dma source(%arg4 : memref<8x4096xi32, #tpu.memory_space<vmem>>) target(%dma_start3A_1457 : memref<8x4096xi32, #tpu.memory_space<hbm>>) target_semaphore(%arg10 : memref<!tpu.dma_semaphore, #tpu.memory_space<semaphore_mem>>)
    %dma_wait3A_1458 = tpu.memref_slice %arg3[%select_n3A_1307, %select_n3A_1282, %mul3A_1309, %mul3A_1311] : memref<2x10x32x16384xi32, #tpu.memory_space<hbm>> -> memref<1x1x8x4096xi32, #tpu.memory_space<hbm>>
    %dma_wait3A_1459 = tpu.memref_squeeze %dma_wait3A_1458 : memref<1x1x8x4096xi32, #tpu.memory_space<hbm>> -> memref<8x4096xi32, #tpu.memory_space<hbm>>
    %dma_wait3A_1460 = tpu.memref_slice %arg3[%select_n3A_1307, %select_n3A_1282, %mul3A_1309, %mul3A_1311] : memref<2x10x32x16384xi32, #tpu.memory_space<hbm>> -> memref<1x1x8x4096xi32, #tpu.memory_space<hbm>>
    %dma_wait3A_1461 = tpu.memref_squeeze %dma_wait3A_1460 : memref<1x1x8x4096xi32, #tpu.memory_space<hbm>> -> memref<8x4096xi32, #tpu.memory_space<hbm>>
    tpu.wait_dma2 semaphore(%arg10 : memref<!tpu.dma_semaphore, #tpu.memory_space<semaphore_mem>>) src(%arg4 : memref<8x4096xi32, #tpu.memory_space<vmem>>) dst(%dma_wait3A_1461 : memref<8x4096xi32, #tpu.memory_space<hbm>>)
    return
  }
}

#map = affine_map<(d0, d1) -> (0, 0, 0, 0)>
module attributes {stable_mosaic.version = 14 : i64} {
  func.func @plane_kernel(%arg0: i32, %arg1: i32, %arg2: memref<2x20x32x16384xi32, #tpu.memory_space<hbm>>, %arg3: memref<2x10x32x16384xi32, #tpu.memory_space<hbm>>, %arg4: memref<8x4096xi32, #tpu.memory_space<vmem>>, %arg5: memref<8x4096xi32, #tpu.memory_space<vmem>>, %arg6: memref<8x4096xi32, #tpu.memory_space<vmem>>, %arg7: memref<!tpu.dma_semaphore, #tpu.memory_space<semaphore_mem>>, %arg8: memref<!tpu.dma_semaphore, #tpu.memory_space<semaphore_mem>>, %arg9: memref<!tpu.dma_semaphore, #tpu.memory_space<semaphore_mem>>, %arg10: memref<!tpu.dma_semaphore, #tpu.memory_space<semaphore_mem>>, %arg11: memref<!tpu.dma_semaphore, #tpu.memory_space<semaphore_mem>>, %arg12: memref<!tpu.dma_semaphore, #tpu.memory_space<semaphore_mem>>) attributes {dimension_semantics = [#tpu.dimension_semantics<core_parallel>, #tpu.dimension_semantics<subcore_parallel>], iteration_bounds = array<i64: 2, 16>, scalar_prefetch = 0 : i64, scratch_operands = 9 : i64, tpu.core_type = #tpu.core_type<sc_vector_subcore>, window_params = [{transform_indices = #map}, {transform_indices = #map}]} {
    %mul3A = arith.constant 2 : i32
    %mul3A_0 = arith.muli %arg1, %mul3A : i32
    %add3A = arith.addi %mul3A_0, %arg0 : i32
    %mul3A_1 = arith.constant 10 : i32
    %mul3A_2 = arith.muli %add3A, %mul3A_1 : i32
    %add3A_3 = arith.constant 0 : i32
    %add3A_4 = arith.addi %mul3A_2, %add3A_3 : i32
    %jit3A = arith.constant 4 : i64
    %convert_element_type3A = arith.trunci %jit3A : i64 to i32
    %eq3A = arith.constant 0 : i32
    %eq3A_5 = arith.cmpi eq, %convert_element_type3A, %eq3A : i32
    %jit3A_6 = arith.constant 1 : i32
    %select_n3A = arith.select %eq3A_5, %jit3A_6, %convert_element_type3A : i32
    %rem3A = arith.remsi %add3A_4, %select_n3A : i32
    %ne3A = arith.constant 0 : i32
    %ne3A_7 = arith.cmpi ne, %rem3A, %ne3A : i32
    %lt3A = arith.constant 0 : i32
    %lt3A_8 = arith.cmpi slt, %rem3A, %lt3A : i32
    %lt3A_9 = arith.constant 0 : i32
    %lt3A_10 = arith.cmpi slt, %select_n3A, %lt3A_9 : i32
    %ne3A_11 = arith.xori %lt3A_8, %lt3A_10 : i1
    %and3A = arith.andi %ne3A_11, %ne3A_7 : i1
    %add3A_12 = arith.addi %rem3A, %select_n3A : i32
    %select_n3A_13 = arith.select %and3A, %add3A_12, %rem3A : i32
    %jit3A_14 = arith.constant 4 : i64
    %convert_element_type3A_15 = arith.trunci %jit3A_14 : i64 to i32
    %div3A = arith.divsi %add3A_4, %convert_element_type3A_15 : i32
    %sign3A = arith.constant 0 : i32
    %sign3A_16 = arith.cmpi sgt, %add3A_4, %sign3A : i32
    %sign3A_17 = arith.extui %sign3A_16 : i1 to i32
    %sign3A_18 = arith.constant 0 : i32
    %sign3A_19 = arith.cmpi slt, %add3A_4, %sign3A_18 : i32
    %sign3A_20 = arith.extui %sign3A_19 : i1 to i32
    %sign3A_21 = arith.subi %sign3A_17, %sign3A_20 : i32
    %sign3A_22 = arith.constant 0 : i32
    %sign3A_23 = arith.cmpi sgt, %convert_element_type3A_15, %sign3A_22 : i32
    %sign3A_24 = arith.extui %sign3A_23 : i1 to i32
    %sign3A_25 = arith.constant 0 : i32
    %sign3A_26 = arith.cmpi slt, %convert_element_type3A_15, %sign3A_25 : i32
    %sign3A_27 = arith.extui %sign3A_26 : i1 to i32
    %sign3A_28 = arith.subi %sign3A_24, %sign3A_27 : i32
    %ne3A_29 = arith.cmpi ne, %sign3A_21, %sign3A_28 : i32
    %rem3A_30 = arith.remsi %add3A_4, %convert_element_type3A_15 : i32
    %ne3A_31 = arith.constant 0 : i32
    %ne3A_32 = arith.cmpi ne, %rem3A_30, %ne3A_31 : i32
    %and3A_33 = arith.andi %ne3A_29, %ne3A_32 : i1
    %sub3A = arith.constant 1 : i32
    %sub3A_34 = arith.subi %div3A, %sub3A : i32
    %select_n3A_35 = arith.select %and3A_33, %sub3A_34, %div3A : i32
    %jit3A_36 = arith.constant 4 : i64
    %convert_element_type3A_37 = arith.trunci %jit3A_36 : i64 to i32
    %eq3A_38 = arith.constant 0 : i32
    %eq3A_39 = arith.cmpi eq, %convert_element_type3A_37, %eq3A_38 : i32
    %jit3A_40 = arith.constant 1 : i32
    %select_n3A_41 = arith.select %eq3A_39, %jit3A_40, %convert_element_type3A_37 : i32
    %rem3A_42 = arith.remsi %select_n3A_35, %select_n3A_41 : i32
    %ne3A_43 = arith.constant 0 : i32
    %ne3A_44 = arith.cmpi ne, %rem3A_42, %ne3A_43 : i32
    %lt3A_45 = arith.constant 0 : i32
    %lt3A_46 = arith.cmpi slt, %rem3A_42, %lt3A_45 : i32
    %lt3A_47 = arith.constant 0 : i32
    %lt3A_48 = arith.cmpi slt, %select_n3A_41, %lt3A_47 : i32
    %ne3A_49 = arith.xori %lt3A_46, %lt3A_48 : i1
    %and3A_50 = arith.andi %ne3A_49, %ne3A_44 : i1
    %add3A_51 = arith.addi %rem3A_42, %select_n3A_41 : i32
    %select_n3A_52 = arith.select %and3A_50, %add3A_51, %rem3A_42 : i32
    %jit3A_53 = arith.constant 4 : i64
    %convert_element_type3A_54 = arith.trunci %jit3A_53 : i64 to i32
    %div3A_55 = arith.divsi %select_n3A_35, %convert_element_type3A_54 : i32
    %sign3A_56 = arith.constant 0 : i32
    %sign3A_57 = arith.cmpi sgt, %select_n3A_35, %sign3A_56 : i32
    %sign3A_58 = arith.extui %sign3A_57 : i1 to i32
    %sign3A_59 = arith.constant 0 : i32
    %sign3A_60 = arith.cmpi slt, %select_n3A_35, %sign3A_59 : i32
    %sign3A_61 = arith.extui %sign3A_60 : i1 to i32
    %sign3A_62 = arith.subi %sign3A_58, %sign3A_61 : i32
    %sign3A_63 = arith.constant 0 : i32
    %sign3A_64 = arith.cmpi sgt, %convert_element_type3A_54, %sign3A_63 : i32
    %sign3A_65 = arith.extui %sign3A_64 : i1 to i32
    %sign3A_66 = arith.constant 0 : i32
    %sign3A_67 = arith.cmpi slt, %convert_element_type3A_54, %sign3A_66 : i32
    %sign3A_68 = arith.extui %sign3A_67 : i1 to i32
    %sign3A_69 = arith.subi %sign3A_65, %sign3A_68 : i32
    %ne3A_70 = arith.cmpi ne, %sign3A_62, %sign3A_69 : i32
    %rem3A_71 = arith.remsi %select_n3A_35, %convert_element_type3A_54 : i32
    %ne3A_72 = arith.constant 0 : i32
    %ne3A_73 = arith.cmpi ne, %rem3A_71, %ne3A_72 : i32
    %and3A_74 = arith.andi %ne3A_70, %ne3A_73 : i1
    %sub3A_75 = arith.constant 1 : i32
    %sub3A_76 = arith.subi %div3A_55, %sub3A_75 : i32
    %select_n3A_77 = arith.select %and3A_74, %sub3A_76, %div3A_55 : i32
    %jit3A_78 = arith.constant 10 : i64
    %convert_element_type3A_79 = arith.trunci %jit3A_78 : i64 to i32
    %eq3A_80 = arith.constant 0 : i32
    %eq3A_81 = arith.cmpi eq, %convert_element_type3A_79, %eq3A_80 : i32
    %jit3A_82 = arith.constant 1 : i32
    %select_n3A_83 = arith.select %eq3A_81, %jit3A_82, %convert_element_type3A_79 : i32
    %rem3A_84 = arith.remsi %select_n3A_77, %select_n3A_83 : i32
    %ne3A_85 = arith.constant 0 : i32
    %ne3A_86 = arith.cmpi ne, %rem3A_84, %ne3A_85 : i32
    %lt3A_87 = arith.constant 0 : i32
    %lt3A_88 = arith.cmpi slt, %rem3A_84, %lt3A_87 : i32
    %lt3A_89 = arith.constant 0 : i32
    %lt3A_90 = arith.cmpi slt, %select_n3A_83, %lt3A_89 : i32
    %ne3A_91 = arith.xori %lt3A_88, %lt3A_90 : i1
    %and3A_92 = arith.andi %ne3A_91, %ne3A_86 : i1
    %add3A_93 = arith.addi %rem3A_84, %select_n3A_83 : i32
    %select_n3A_94 = arith.select %and3A_92, %add3A_93, %rem3A_84 : i32
    %jit3A_95 = arith.constant 10 : i64
    %convert_element_type3A_96 = arith.trunci %jit3A_95 : i64 to i32
    %div3A_97 = arith.divsi %select_n3A_77, %convert_element_type3A_96 : i32
    %sign3A_98 = arith.constant 0 : i32
    %sign3A_99 = arith.cmpi sgt, %select_n3A_77, %sign3A_98 : i32
    %sign3A_100 = arith.extui %sign3A_99 : i1 to i32
    %sign3A_101 = arith.constant 0 : i32
    %sign3A_102 = arith.cmpi slt, %select_n3A_77, %sign3A_101 : i32
    %sign3A_103 = arith.extui %sign3A_102 : i1 to i32
    %sign3A_104 = arith.subi %sign3A_100, %sign3A_103 : i32
    %sign3A_105 = arith.constant 0 : i32
    %sign3A_106 = arith.cmpi sgt, %convert_element_type3A_96, %sign3A_105 : i32
    %sign3A_107 = arith.extui %sign3A_106 : i1 to i32
    %sign3A_108 = arith.constant 0 : i32
    %sign3A_109 = arith.cmpi slt, %convert_element_type3A_96, %sign3A_108 : i32
    %sign3A_110 = arith.extui %sign3A_109 : i1 to i32
    %sign3A_111 = arith.subi %sign3A_107, %sign3A_110 : i32
    %ne3A_112 = arith.cmpi ne, %sign3A_104, %sign3A_111 : i32
    %rem3A_113 = arith.remsi %select_n3A_77, %convert_element_type3A_96 : i32
    %ne3A_114 = arith.constant 0 : i32
    %ne3A_115 = arith.cmpi ne, %rem3A_113, %ne3A_114 : i32
    %and3A_116 = arith.andi %ne3A_112, %ne3A_115 : i1
    %sub3A_117 = arith.constant 1 : i32
    %sub3A_118 = arith.subi %div3A_97, %sub3A_117 : i32
    %select_n3A_119 = arith.select %and3A_116, %sub3A_118, %div3A_97 : i32
    %mul3A_120 = arith.constant 8 : i32
    %mul3A_121 = arith.muli %mul3A_120, %select_n3A_52 : i32
    %mul3A_122 = arith.constant 4096 : i32
    %mul3A_123 = arith.muli %mul3A_122, %select_n3A_13 : i32
    %add3A_124 = arith.constant 1 : i32
    %add3A_125 = arith.addi %mul3A_2, %add3A_124 : i32
    %jit3A_126 = arith.constant 4 : i64
    %convert_element_type3A_127 = arith.trunci %jit3A_126 : i64 to i32
    %eq3A_128 = arith.constant 0 : i32
    %eq3A_129 = arith.cmpi eq, %convert_element_type3A_127, %eq3A_128 : i32
    %jit3A_130 = arith.constant 1 : i32
    %select_n3A_131 = arith.select %eq3A_129, %jit3A_130, %convert_element_type3A_127 : i32
    %rem3A_132 = arith.remsi %add3A_125, %select_n3A_131 : i32
    %ne3A_133 = arith.constant 0 : i32
    %ne3A_134 = arith.cmpi ne, %rem3A_132, %ne3A_133 : i32
    %lt3A_135 = arith.constant 0 : i32
    %lt3A_136 = arith.cmpi slt, %rem3A_132, %lt3A_135 : i32
    %lt3A_137 = arith.constant 0 : i32
    %lt3A_138 = arith.cmpi slt, %select_n3A_131, %lt3A_137 : i32
    %ne3A_139 = arith.xori %lt3A_136, %lt3A_138 : i1
    %and3A_140 = arith.andi %ne3A_139, %ne3A_134 : i1
    %add3A_141 = arith.addi %rem3A_132, %select_n3A_131 : i32
    %select_n3A_142 = arith.select %and3A_140, %add3A_141, %rem3A_132 : i32
    %jit3A_143 = arith.constant 4 : i64
    %convert_element_type3A_144 = arith.trunci %jit3A_143 : i64 to i32
    %div3A_145 = arith.divsi %add3A_125, %convert_element_type3A_144 : i32
    %sign3A_146 = arith.constant 0 : i32
    %sign3A_147 = arith.cmpi sgt, %add3A_125, %sign3A_146 : i32
    %sign3A_148 = arith.extui %sign3A_147 : i1 to i32
    %sign3A_149 = arith.constant 0 : i32
    %sign3A_150 = arith.cmpi slt, %add3A_125, %sign3A_149 : i32
    %sign3A_151 = arith.extui %sign3A_150 : i1 to i32
    %sign3A_152 = arith.subi %sign3A_148, %sign3A_151 : i32
    %sign3A_153 = arith.constant 0 : i32
    %sign3A_154 = arith.cmpi sgt, %convert_element_type3A_144, %sign3A_153 : i32
    %sign3A_155 = arith.extui %sign3A_154 : i1 to i32
    %sign3A_156 = arith.constant 0 : i32
    %sign3A_157 = arith.cmpi slt, %convert_element_type3A_144, %sign3A_156 : i32
    %sign3A_158 = arith.extui %sign3A_157 : i1 to i32
    %sign3A_159 = arith.subi %sign3A_155, %sign3A_158 : i32
    %ne3A_160 = arith.cmpi ne, %sign3A_152, %sign3A_159 : i32
    %rem3A_161 = arith.remsi %add3A_125, %convert_element_type3A_144 : i32
    %ne3A_162 = arith.constant 0 : i32
    %ne3A_163 = arith.cmpi ne, %rem3A_161, %ne3A_162 : i32
    %and3A_164 = arith.andi %ne3A_160, %ne3A_163 : i1
    %sub3A_165 = arith.constant 1 : i32
    %sub3A_166 = arith.subi %div3A_145, %sub3A_165 : i32
    %select_n3A_167 = arith.select %and3A_164, %sub3A_166, %div3A_145 : i32
    %jit3A_168 = arith.constant 4 : i64
    %convert_element_type3A_169 = arith.trunci %jit3A_168 : i64 to i32
    %eq3A_170 = arith.constant 0 : i32
    %eq3A_171 = arith.cmpi eq, %convert_element_type3A_169, %eq3A_170 : i32
    %jit3A_172 = arith.constant 1 : i32
    %select_n3A_173 = arith.select %eq3A_171, %jit3A_172, %convert_element_type3A_169 : i32
    %rem3A_174 = arith.remsi %select_n3A_167, %select_n3A_173 : i32
    %ne3A_175 = arith.constant 0 : i32
    %ne3A_176 = arith.cmpi ne, %rem3A_174, %ne3A_175 : i32
    %lt3A_177 = arith.constant 0 : i32
    %lt3A_178 = arith.cmpi slt, %rem3A_174, %lt3A_177 : i32
    %lt3A_179 = arith.constant 0 : i32
    %lt3A_180 = arith.cmpi slt, %select_n3A_173, %lt3A_179 : i32
    %ne3A_181 = arith.xori %lt3A_178, %lt3A_180 : i1
    %and3A_182 = arith.andi %ne3A_181, %ne3A_176 : i1
    %add3A_183 = arith.addi %rem3A_174, %select_n3A_173 : i32
    %select_n3A_184 = arith.select %and3A_182, %add3A_183, %rem3A_174 : i32
    %jit3A_185 = arith.constant 4 : i64
    %convert_element_type3A_186 = arith.trunci %jit3A_185 : i64 to i32
    %div3A_187 = arith.divsi %select_n3A_167, %convert_element_type3A_186 : i32
    %sign3A_188 = arith.constant 0 : i32
    %sign3A_189 = arith.cmpi sgt, %select_n3A_167, %sign3A_188 : i32
    %sign3A_190 = arith.extui %sign3A_189 : i1 to i32
    %sign3A_191 = arith.constant 0 : i32
    %sign3A_192 = arith.cmpi slt, %select_n3A_167, %sign3A_191 : i32
    %sign3A_193 = arith.extui %sign3A_192 : i1 to i32
    %sign3A_194 = arith.subi %sign3A_190, %sign3A_193 : i32
    %sign3A_195 = arith.constant 0 : i32
    %sign3A_196 = arith.cmpi sgt, %convert_element_type3A_186, %sign3A_195 : i32
    %sign3A_197 = arith.extui %sign3A_196 : i1 to i32
    %sign3A_198 = arith.constant 0 : i32
    %sign3A_199 = arith.cmpi slt, %convert_element_type3A_186, %sign3A_198 : i32
    %sign3A_200 = arith.extui %sign3A_199 : i1 to i32
    %sign3A_201 = arith.subi %sign3A_197, %sign3A_200 : i32
    %ne3A_202 = arith.cmpi ne, %sign3A_194, %sign3A_201 : i32
    %rem3A_203 = arith.remsi %select_n3A_167, %convert_element_type3A_186 : i32
    %ne3A_204 = arith.constant 0 : i32
    %ne3A_205 = arith.cmpi ne, %rem3A_203, %ne3A_204 : i32
    %and3A_206 = arith.andi %ne3A_202, %ne3A_205 : i1
    %sub3A_207 = arith.constant 1 : i32
    %sub3A_208 = arith.subi %div3A_187, %sub3A_207 : i32
    %select_n3A_209 = arith.select %and3A_206, %sub3A_208, %div3A_187 : i32
    %jit3A_210 = arith.constant 10 : i64
    %convert_element_type3A_211 = arith.trunci %jit3A_210 : i64 to i32
    %eq3A_212 = arith.constant 0 : i32
    %eq3A_213 = arith.cmpi eq, %convert_element_type3A_211, %eq3A_212 : i32
    %jit3A_214 = arith.constant 1 : i32
    %select_n3A_215 = arith.select %eq3A_213, %jit3A_214, %convert_element_type3A_211 : i32
    %rem3A_216 = arith.remsi %select_n3A_209, %select_n3A_215 : i32
    %ne3A_217 = arith.constant 0 : i32
    %ne3A_218 = arith.cmpi ne, %rem3A_216, %ne3A_217 : i32
    %lt3A_219 = arith.constant 0 : i32
    %lt3A_220 = arith.cmpi slt, %rem3A_216, %lt3A_219 : i32
    %lt3A_221 = arith.constant 0 : i32
    %lt3A_222 = arith.cmpi slt, %select_n3A_215, %lt3A_221 : i32
    %ne3A_223 = arith.xori %lt3A_220, %lt3A_222 : i1
    %and3A_224 = arith.andi %ne3A_223, %ne3A_218 : i1
    %add3A_225 = arith.addi %rem3A_216, %select_n3A_215 : i32
    %select_n3A_226 = arith.select %and3A_224, %add3A_225, %rem3A_216 : i32
    %jit3A_227 = arith.constant 10 : i64
    %convert_element_type3A_228 = arith.trunci %jit3A_227 : i64 to i32
    %div3A_229 = arith.divsi %select_n3A_209, %convert_element_type3A_228 : i32
    %sign3A_230 = arith.constant 0 : i32
    %sign3A_231 = arith.cmpi sgt, %select_n3A_209, %sign3A_230 : i32
    %sign3A_232 = arith.extui %sign3A_231 : i1 to i32
    %sign3A_233 = arith.constant 0 : i32
    %sign3A_234 = arith.cmpi slt, %select_n3A_209, %sign3A_233 : i32
    %sign3A_235 = arith.extui %sign3A_234 : i1 to i32
    %sign3A_236 = arith.subi %sign3A_232, %sign3A_235 : i32
    %sign3A_237 = arith.constant 0 : i32
    %sign3A_238 = arith.cmpi sgt, %convert_element_type3A_228, %sign3A_237 : i32
    %sign3A_239 = arith.extui %sign3A_238 : i1 to i32
    %sign3A_240 = arith.constant 0 : i32
    %sign3A_241 = arith.cmpi slt, %convert_element_type3A_228, %sign3A_240 : i32
    %sign3A_242 = arith.extui %sign3A_241 : i1 to i32
    %sign3A_243 = arith.subi %sign3A_239, %sign3A_242 : i32
    %ne3A_244 = arith.cmpi ne, %sign3A_236, %sign3A_243 : i32
    %rem3A_245 = arith.remsi %select_n3A_209, %convert_element_type3A_228 : i32
    %ne3A_246 = arith.constant 0 : i32
    %ne3A_247 = arith.cmpi ne, %rem3A_245, %ne3A_246 : i32
    %and3A_248 = arith.andi %ne3A_244, %ne3A_247 : i1
    %sub3A_249 = arith.constant 1 : i32
    %sub3A_250 = arith.subi %div3A_229, %sub3A_249 : i32
    %select_n3A_251 = arith.select %and3A_248, %sub3A_250, %div3A_229 : i32
    %mul3A_252 = arith.constant 8 : i32
    %mul3A_253 = arith.muli %mul3A_252, %select_n3A_184 : i32
    %mul3A_254 = arith.constant 4096 : i32
    %mul3A_255 = arith.muli %mul3A_254, %select_n3A_142 : i32
    %add3A_256 = arith.constant 2 : i32
    %add3A_257 = arith.addi %mul3A_2, %add3A_256 : i32
    %jit3A_258 = arith.constant 4 : i64
    %convert_element_type3A_259 = arith.trunci %jit3A_258 : i64 to i32
    %eq3A_260 = arith.constant 0 : i32
    %eq3A_261 = arith.cmpi eq, %convert_element_type3A_259, %eq3A_260 : i32
    %jit3A_262 = arith.constant 1 : i32
    %select_n3A_263 = arith.select %eq3A_261, %jit3A_262, %convert_element_type3A_259 : i32
    %rem3A_264 = arith.remsi %add3A_257, %select_n3A_263 : i32
    %ne3A_265 = arith.constant 0 : i32
    %ne3A_266 = arith.cmpi ne, %rem3A_264, %ne3A_265 : i32
    %lt3A_267 = arith.constant 0 : i32
    %lt3A_268 = arith.cmpi slt, %rem3A_264, %lt3A_267 : i32
    %lt3A_269 = arith.constant 0 : i32
    %lt3A_270 = arith.cmpi slt, %select_n3A_263, %lt3A_269 : i32
    %ne3A_271 = arith.xori %lt3A_268, %lt3A_270 : i1
    %and3A_272 = arith.andi %ne3A_271, %ne3A_266 : i1
    %add3A_273 = arith.addi %rem3A_264, %select_n3A_263 : i32
    %select_n3A_274 = arith.select %and3A_272, %add3A_273, %rem3A_264 : i32
    %jit3A_275 = arith.constant 4 : i64
    %convert_element_type3A_276 = arith.trunci %jit3A_275 : i64 to i32
    %div3A_277 = arith.divsi %add3A_257, %convert_element_type3A_276 : i32
    %sign3A_278 = arith.constant 0 : i32
    %sign3A_279 = arith.cmpi sgt, %add3A_257, %sign3A_278 : i32
    %sign3A_280 = arith.extui %sign3A_279 : i1 to i32
    %sign3A_281 = arith.constant 0 : i32
    %sign3A_282 = arith.cmpi slt, %add3A_257, %sign3A_281 : i32
    %sign3A_283 = arith.extui %sign3A_282 : i1 to i32
    %sign3A_284 = arith.subi %sign3A_280, %sign3A_283 : i32
    %sign3A_285 = arith.constant 0 : i32
    %sign3A_286 = arith.cmpi sgt, %convert_element_type3A_276, %sign3A_285 : i32
    %sign3A_287 = arith.extui %sign3A_286 : i1 to i32
    %sign3A_288 = arith.constant 0 : i32
    %sign3A_289 = arith.cmpi slt, %convert_element_type3A_276, %sign3A_288 : i32
    %sign3A_290 = arith.extui %sign3A_289 : i1 to i32
    %sign3A_291 = arith.subi %sign3A_287, %sign3A_290 : i32
    %ne3A_292 = arith.cmpi ne, %sign3A_284, %sign3A_291 : i32
    %rem3A_293 = arith.remsi %add3A_257, %convert_element_type3A_276 : i32
    %ne3A_294 = arith.constant 0 : i32
    %ne3A_295 = arith.cmpi ne, %rem3A_293, %ne3A_294 : i32
    %and3A_296 = arith.andi %ne3A_292, %ne3A_295 : i1
    %sub3A_297 = arith.constant 1 : i32
    %sub3A_298 = arith.subi %div3A_277, %sub3A_297 : i32
    %select_n3A_299 = arith.select %and3A_296, %sub3A_298, %div3A_277 : i32
    %jit3A_300 = arith.constant 4 : i64
    %convert_element_type3A_301 = arith.trunci %jit3A_300 : i64 to i32
    %eq3A_302 = arith.constant 0 : i32
    %eq3A_303 = arith.cmpi eq, %convert_element_type3A_301, %eq3A_302 : i32
    %jit3A_304 = arith.constant 1 : i32
    %select_n3A_305 = arith.select %eq3A_303, %jit3A_304, %convert_element_type3A_301 : i32
    %rem3A_306 = arith.remsi %select_n3A_299, %select_n3A_305 : i32
    %ne3A_307 = arith.constant 0 : i32
    %ne3A_308 = arith.cmpi ne, %rem3A_306, %ne3A_307 : i32
    %lt3A_309 = arith.constant 0 : i32
    %lt3A_310 = arith.cmpi slt, %rem3A_306, %lt3A_309 : i32
    %lt3A_311 = arith.constant 0 : i32
    %lt3A_312 = arith.cmpi slt, %select_n3A_305, %lt3A_311 : i32
    %ne3A_313 = arith.xori %lt3A_310, %lt3A_312 : i1
    %and3A_314 = arith.andi %ne3A_313, %ne3A_308 : i1
    %add3A_315 = arith.addi %rem3A_306, %select_n3A_305 : i32
    %select_n3A_316 = arith.select %and3A_314, %add3A_315, %rem3A_306 : i32
    %jit3A_317 = arith.constant 4 : i64
    %convert_element_type3A_318 = arith.trunci %jit3A_317 : i64 to i32
    %div3A_319 = arith.divsi %select_n3A_299, %convert_element_type3A_318 : i32
    %sign3A_320 = arith.constant 0 : i32
    %sign3A_321 = arith.cmpi sgt, %select_n3A_299, %sign3A_320 : i32
    %sign3A_322 = arith.extui %sign3A_321 : i1 to i32
    %sign3A_323 = arith.constant 0 : i32
    %sign3A_324 = arith.cmpi slt, %select_n3A_299, %sign3A_323 : i32
    %sign3A_325 = arith.extui %sign3A_324 : i1 to i32
    %sign3A_326 = arith.subi %sign3A_322, %sign3A_325 : i32
    %sign3A_327 = arith.constant 0 : i32
    %sign3A_328 = arith.cmpi sgt, %convert_element_type3A_318, %sign3A_327 : i32
    %sign3A_329 = arith.extui %sign3A_328 : i1 to i32
    %sign3A_330 = arith.constant 0 : i32
    %sign3A_331 = arith.cmpi slt, %convert_element_type3A_318, %sign3A_330 : i32
    %sign3A_332 = arith.extui %sign3A_331 : i1 to i32
    %sign3A_333 = arith.subi %sign3A_329, %sign3A_332 : i32
    %ne3A_334 = arith.cmpi ne, %sign3A_326, %sign3A_333 : i32
    %rem3A_335 = arith.remsi %select_n3A_299, %convert_element_type3A_318 : i32
    %ne3A_336 = arith.constant 0 : i32
    %ne3A_337 = arith.cmpi ne, %rem3A_335, %ne3A_336 : i32
    %and3A_338 = arith.andi %ne3A_334, %ne3A_337 : i1
    %sub3A_339 = arith.constant 1 : i32
    %sub3A_340 = arith.subi %div3A_319, %sub3A_339 : i32
    %select_n3A_341 = arith.select %and3A_338, %sub3A_340, %div3A_319 : i32
    %jit3A_342 = arith.constant 10 : i64
    %convert_element_type3A_343 = arith.trunci %jit3A_342 : i64 to i32
    %eq3A_344 = arith.constant 0 : i32
    %eq3A_345 = arith.cmpi eq, %convert_element_type3A_343, %eq3A_344 : i32
    %jit3A_346 = arith.constant 1 : i32
    %select_n3A_347 = arith.select %eq3A_345, %jit3A_346, %convert_element_type3A_343 : i32
    %rem3A_348 = arith.remsi %select_n3A_341, %select_n3A_347 : i32
    %ne3A_349 = arith.constant 0 : i32
    %ne3A_350 = arith.cmpi ne, %rem3A_348, %ne3A_349 : i32
    %lt3A_351 = arith.constant 0 : i32
    %lt3A_352 = arith.cmpi slt, %rem3A_348, %lt3A_351 : i32
    %lt3A_353 = arith.constant 0 : i32
    %lt3A_354 = arith.cmpi slt, %select_n3A_347, %lt3A_353 : i32
    %ne3A_355 = arith.xori %lt3A_352, %lt3A_354 : i1
    %and3A_356 = arith.andi %ne3A_355, %ne3A_350 : i1
    %add3A_357 = arith.addi %rem3A_348, %select_n3A_347 : i32
    %select_n3A_358 = arith.select %and3A_356, %add3A_357, %rem3A_348 : i32
    %jit3A_359 = arith.constant 10 : i64
    %convert_element_type3A_360 = arith.trunci %jit3A_359 : i64 to i32
    %div3A_361 = arith.divsi %select_n3A_341, %convert_element_type3A_360 : i32
    %sign3A_362 = arith.constant 0 : i32
    %sign3A_363 = arith.cmpi sgt, %select_n3A_341, %sign3A_362 : i32
    %sign3A_364 = arith.extui %sign3A_363 : i1 to i32
    %sign3A_365 = arith.constant 0 : i32
    %sign3A_366 = arith.cmpi slt, %select_n3A_341, %sign3A_365 : i32
    %sign3A_367 = arith.extui %sign3A_366 : i1 to i32
    %sign3A_368 = arith.subi %sign3A_364, %sign3A_367 : i32
    %sign3A_369 = arith.constant 0 : i32
    %sign3A_370 = arith.cmpi sgt, %convert_element_type3A_360, %sign3A_369 : i32
    %sign3A_371 = arith.extui %sign3A_370 : i1 to i32
    %sign3A_372 = arith.constant 0 : i32
    %sign3A_373 = arith.cmpi slt, %convert_element_type3A_360, %sign3A_372 : i32
    %sign3A_374 = arith.extui %sign3A_373 : i1 to i32
    %sign3A_375 = arith.subi %sign3A_371, %sign3A_374 : i32
    %ne3A_376 = arith.cmpi ne, %sign3A_368, %sign3A_375 : i32
    %rem3A_377 = arith.remsi %select_n3A_341, %convert_element_type3A_360 : i32
    %ne3A_378 = arith.constant 0 : i32
    %ne3A_379 = arith.cmpi ne, %rem3A_377, %ne3A_378 : i32
    %and3A_380 = arith.andi %ne3A_376, %ne3A_379 : i1
    %sub3A_381 = arith.constant 1 : i32
    %sub3A_382 = arith.subi %div3A_361, %sub3A_381 : i32
    %select_n3A_383 = arith.select %and3A_380, %sub3A_382, %div3A_361 : i32
    %mul3A_384 = arith.constant 8 : i32
    %mul3A_385 = arith.muli %mul3A_384, %select_n3A_316 : i32
    %mul3A_386 = arith.constant 4096 : i32
    %mul3A_387 = arith.muli %mul3A_386, %select_n3A_274 : i32
    %add3A_388 = arith.constant 3 : i32
    %add3A_389 = arith.addi %mul3A_2, %add3A_388 : i32
    %jit3A_390 = arith.constant 4 : i64
    %convert_element_type3A_391 = arith.trunci %jit3A_390 : i64 to i32
    %eq3A_392 = arith.constant 0 : i32
    %eq3A_393 = arith.cmpi eq, %convert_element_type3A_391, %eq3A_392 : i32
    %jit3A_394 = arith.constant 1 : i32
    %select_n3A_395 = arith.select %eq3A_393, %jit3A_394, %convert_element_type3A_391 : i32
    %rem3A_396 = arith.remsi %add3A_389, %select_n3A_395 : i32
    %ne3A_397 = arith.constant 0 : i32
    %ne3A_398 = arith.cmpi ne, %rem3A_396, %ne3A_397 : i32
    %lt3A_399 = arith.constant 0 : i32
    %lt3A_400 = arith.cmpi slt, %rem3A_396, %lt3A_399 : i32
    %lt3A_401 = arith.constant 0 : i32
    %lt3A_402 = arith.cmpi slt, %select_n3A_395, %lt3A_401 : i32
    %ne3A_403 = arith.xori %lt3A_400, %lt3A_402 : i1
    %and3A_404 = arith.andi %ne3A_403, %ne3A_398 : i1
    %add3A_405 = arith.addi %rem3A_396, %select_n3A_395 : i32
    %select_n3A_406 = arith.select %and3A_404, %add3A_405, %rem3A_396 : i32
    %jit3A_407 = arith.constant 4 : i64
    %convert_element_type3A_408 = arith.trunci %jit3A_407 : i64 to i32
    %div3A_409 = arith.divsi %add3A_389, %convert_element_type3A_408 : i32
    %sign3A_410 = arith.constant 0 : i32
    %sign3A_411 = arith.cmpi sgt, %add3A_389, %sign3A_410 : i32
    %sign3A_412 = arith.extui %sign3A_411 : i1 to i32
    %sign3A_413 = arith.constant 0 : i32
    %sign3A_414 = arith.cmpi slt, %add3A_389, %sign3A_413 : i32
    %sign3A_415 = arith.extui %sign3A_414 : i1 to i32
    %sign3A_416 = arith.subi %sign3A_412, %sign3A_415 : i32
    %sign3A_417 = arith.constant 0 : i32
    %sign3A_418 = arith.cmpi sgt, %convert_element_type3A_408, %sign3A_417 : i32
    %sign3A_419 = arith.extui %sign3A_418 : i1 to i32
    %sign3A_420 = arith.constant 0 : i32
    %sign3A_421 = arith.cmpi slt, %convert_element_type3A_408, %sign3A_420 : i32
    %sign3A_422 = arith.extui %sign3A_421 : i1 to i32
    %sign3A_423 = arith.subi %sign3A_419, %sign3A_422 : i32
    %ne3A_424 = arith.cmpi ne, %sign3A_416, %sign3A_423 : i32
    %rem3A_425 = arith.remsi %add3A_389, %convert_element_type3A_408 : i32
    %ne3A_426 = arith.constant 0 : i32
    %ne3A_427 = arith.cmpi ne, %rem3A_425, %ne3A_426 : i32
    %and3A_428 = arith.andi %ne3A_424, %ne3A_427 : i1
    %sub3A_429 = arith.constant 1 : i32
    %sub3A_430 = arith.subi %div3A_409, %sub3A_429 : i32
    %select_n3A_431 = arith.select %and3A_428, %sub3A_430, %div3A_409 : i32
    %jit3A_432 = arith.constant 4 : i64
    %convert_element_type3A_433 = arith.trunci %jit3A_432 : i64 to i32
    %eq3A_434 = arith.constant 0 : i32
    %eq3A_435 = arith.cmpi eq, %convert_element_type3A_433, %eq3A_434 : i32
    %jit3A_436 = arith.constant 1 : i32
    %select_n3A_437 = arith.select %eq3A_435, %jit3A_436, %convert_element_type3A_433 : i32
    %rem3A_438 = arith.remsi %select_n3A_431, %select_n3A_437 : i32
    %ne3A_439 = arith.constant 0 : i32
    %ne3A_440 = arith.cmpi ne, %rem3A_438, %ne3A_439 : i32
    %lt3A_441 = arith.constant 0 : i32
    %lt3A_442 = arith.cmpi slt, %rem3A_438, %lt3A_441 : i32
    %lt3A_443 = arith.constant 0 : i32
    %lt3A_444 = arith.cmpi slt, %select_n3A_437, %lt3A_443 : i32
    %ne3A_445 = arith.xori %lt3A_442, %lt3A_444 : i1
    %and3A_446 = arith.andi %ne3A_445, %ne3A_440 : i1
    %add3A_447 = arith.addi %rem3A_438, %select_n3A_437 : i32
    %select_n3A_448 = arith.select %and3A_446, %add3A_447, %rem3A_438 : i32
    %jit3A_449 = arith.constant 4 : i64
    %convert_element_type3A_450 = arith.trunci %jit3A_449 : i64 to i32
    %div3A_451 = arith.divsi %select_n3A_431, %convert_element_type3A_450 : i32
    %sign3A_452 = arith.constant 0 : i32
    %sign3A_453 = arith.cmpi sgt, %select_n3A_431, %sign3A_452 : i32
    %sign3A_454 = arith.extui %sign3A_453 : i1 to i32
    %sign3A_455 = arith.constant 0 : i32
    %sign3A_456 = arith.cmpi slt, %select_n3A_431, %sign3A_455 : i32
    %sign3A_457 = arith.extui %sign3A_456 : i1 to i32
    %sign3A_458 = arith.subi %sign3A_454, %sign3A_457 : i32
    %sign3A_459 = arith.constant 0 : i32
    %sign3A_460 = arith.cmpi sgt, %convert_element_type3A_450, %sign3A_459 : i32
    %sign3A_461 = arith.extui %sign3A_460 : i1 to i32
    %sign3A_462 = arith.constant 0 : i32
    %sign3A_463 = arith.cmpi slt, %convert_element_type3A_450, %sign3A_462 : i32
    %sign3A_464 = arith.extui %sign3A_463 : i1 to i32
    %sign3A_465 = arith.subi %sign3A_461, %sign3A_464 : i32
    %ne3A_466 = arith.cmpi ne, %sign3A_458, %sign3A_465 : i32
    %rem3A_467 = arith.remsi %select_n3A_431, %convert_element_type3A_450 : i32
    %ne3A_468 = arith.constant 0 : i32
    %ne3A_469 = arith.cmpi ne, %rem3A_467, %ne3A_468 : i32
    %and3A_470 = arith.andi %ne3A_466, %ne3A_469 : i1
    %sub3A_471 = arith.constant 1 : i32
    %sub3A_472 = arith.subi %div3A_451, %sub3A_471 : i32
    %select_n3A_473 = arith.select %and3A_470, %sub3A_472, %div3A_451 : i32
    %jit3A_474 = arith.constant 10 : i64
    %convert_element_type3A_475 = arith.trunci %jit3A_474 : i64 to i32
    %eq3A_476 = arith.constant 0 : i32
    %eq3A_477 = arith.cmpi eq, %convert_element_type3A_475, %eq3A_476 : i32
    %jit3A_478 = arith.constant 1 : i32
    %select_n3A_479 = arith.select %eq3A_477, %jit3A_478, %convert_element_type3A_475 : i32
    %rem3A_480 = arith.remsi %select_n3A_473, %select_n3A_479 : i32
    %ne3A_481 = arith.constant 0 : i32
    %ne3A_482 = arith.cmpi ne, %rem3A_480, %ne3A_481 : i32
    %lt3A_483 = arith.constant 0 : i32
    %lt3A_484 = arith.cmpi slt, %rem3A_480, %lt3A_483 : i32
    %lt3A_485 = arith.constant 0 : i32
    %lt3A_486 = arith.cmpi slt, %select_n3A_479, %lt3A_485 : i32
    %ne3A_487 = arith.xori %lt3A_484, %lt3A_486 : i1
    %and3A_488 = arith.andi %ne3A_487, %ne3A_482 : i1
    %add3A_489 = arith.addi %rem3A_480, %select_n3A_479 : i32
    %select_n3A_490 = arith.select %and3A_488, %add3A_489, %rem3A_480 : i32
    %jit3A_491 = arith.constant 10 : i64
    %convert_element_type3A_492 = arith.trunci %jit3A_491 : i64 to i32
    %div3A_493 = arith.divsi %select_n3A_473, %convert_element_type3A_492 : i32
    %sign3A_494 = arith.constant 0 : i32
    %sign3A_495 = arith.cmpi sgt, %select_n3A_473, %sign3A_494 : i32
    %sign3A_496 = arith.extui %sign3A_495 : i1 to i32
    %sign3A_497 = arith.constant 0 : i32
    %sign3A_498 = arith.cmpi slt, %select_n3A_473, %sign3A_497 : i32
    %sign3A_499 = arith.extui %sign3A_498 : i1 to i32
    %sign3A_500 = arith.subi %sign3A_496, %sign3A_499 : i32
    %sign3A_501 = arith.constant 0 : i32
    %sign3A_502 = arith.cmpi sgt, %convert_element_type3A_492, %sign3A_501 : i32
    %sign3A_503 = arith.extui %sign3A_502 : i1 to i32
    %sign3A_504 = arith.constant 0 : i32
    %sign3A_505 = arith.cmpi slt, %convert_element_type3A_492, %sign3A_504 : i32
    %sign3A_506 = arith.extui %sign3A_505 : i1 to i32
    %sign3A_507 = arith.subi %sign3A_503, %sign3A_506 : i32
    %ne3A_508 = arith.cmpi ne, %sign3A_500, %sign3A_507 : i32
    %rem3A_509 = arith.remsi %select_n3A_473, %convert_element_type3A_492 : i32
    %ne3A_510 = arith.constant 0 : i32
    %ne3A_511 = arith.cmpi ne, %rem3A_509, %ne3A_510 : i32
    %and3A_512 = arith.andi %ne3A_508, %ne3A_511 : i1
    %sub3A_513 = arith.constant 1 : i32
    %sub3A_514 = arith.subi %div3A_493, %sub3A_513 : i32
    %select_n3A_515 = arith.select %and3A_512, %sub3A_514, %div3A_493 : i32
    %mul3A_516 = arith.constant 8 : i32
    %mul3A_517 = arith.muli %mul3A_516, %select_n3A_448 : i32
    %mul3A_518 = arith.constant 4096 : i32
    %mul3A_519 = arith.muli %mul3A_518, %select_n3A_406 : i32
    %add3A_520 = arith.constant 4 : i32
    %add3A_521 = arith.addi %mul3A_2, %add3A_520 : i32
    %jit3A_522 = arith.constant 4 : i64
    %convert_element_type3A_523 = arith.trunci %jit3A_522 : i64 to i32
    %eq3A_524 = arith.constant 0 : i32
    %eq3A_525 = arith.cmpi eq, %convert_element_type3A_523, %eq3A_524 : i32
    %jit3A_526 = arith.constant 1 : i32
    %select_n3A_527 = arith.select %eq3A_525, %jit3A_526, %convert_element_type3A_523 : i32
    %rem3A_528 = arith.remsi %add3A_521, %select_n3A_527 : i32
    %ne3A_529 = arith.constant 0 : i32
    %ne3A_530 = arith.cmpi ne, %rem3A_528, %ne3A_529 : i32
    %lt3A_531 = arith.constant 0 : i32
    %lt3A_532 = arith.cmpi slt, %rem3A_528, %lt3A_531 : i32
    %lt3A_533 = arith.constant 0 : i32
    %lt3A_534 = arith.cmpi slt, %select_n3A_527, %lt3A_533 : i32
    %ne3A_535 = arith.xori %lt3A_532, %lt3A_534 : i1
    %and3A_536 = arith.andi %ne3A_535, %ne3A_530 : i1
    %add3A_537 = arith.addi %rem3A_528, %select_n3A_527 : i32
    %select_n3A_538 = arith.select %and3A_536, %add3A_537, %rem3A_528 : i32
    %jit3A_539 = arith.constant 4 : i64
    %convert_element_type3A_540 = arith.trunci %jit3A_539 : i64 to i32
    %div3A_541 = arith.divsi %add3A_521, %convert_element_type3A_540 : i32
    %sign3A_542 = arith.constant 0 : i32
    %sign3A_543 = arith.cmpi sgt, %add3A_521, %sign3A_542 : i32
    %sign3A_544 = arith.extui %sign3A_543 : i1 to i32
    %sign3A_545 = arith.constant 0 : i32
    %sign3A_546 = arith.cmpi slt, %add3A_521, %sign3A_545 : i32
    %sign3A_547 = arith.extui %sign3A_546 : i1 to i32
    %sign3A_548 = arith.subi %sign3A_544, %sign3A_547 : i32
    %sign3A_549 = arith.constant 0 : i32
    %sign3A_550 = arith.cmpi sgt, %convert_element_type3A_540, %sign3A_549 : i32
    %sign3A_551 = arith.extui %sign3A_550 : i1 to i32
    %sign3A_552 = arith.constant 0 : i32
    %sign3A_553 = arith.cmpi slt, %convert_element_type3A_540, %sign3A_552 : i32
    %sign3A_554 = arith.extui %sign3A_553 : i1 to i32
    %sign3A_555 = arith.subi %sign3A_551, %sign3A_554 : i32
    %ne3A_556 = arith.cmpi ne, %sign3A_548, %sign3A_555 : i32
    %rem3A_557 = arith.remsi %add3A_521, %convert_element_type3A_540 : i32
    %ne3A_558 = arith.constant 0 : i32
    %ne3A_559 = arith.cmpi ne, %rem3A_557, %ne3A_558 : i32
    %and3A_560 = arith.andi %ne3A_556, %ne3A_559 : i1
    %sub3A_561 = arith.constant 1 : i32
    %sub3A_562 = arith.subi %div3A_541, %sub3A_561 : i32
    %select_n3A_563 = arith.select %and3A_560, %sub3A_562, %div3A_541 : i32
    %jit3A_564 = arith.constant 4 : i64
    %convert_element_type3A_565 = arith.trunci %jit3A_564 : i64 to i32
    %eq3A_566 = arith.constant 0 : i32
    %eq3A_567 = arith.cmpi eq, %convert_element_type3A_565, %eq3A_566 : i32
    %jit3A_568 = arith.constant 1 : i32
    %select_n3A_569 = arith.select %eq3A_567, %jit3A_568, %convert_element_type3A_565 : i32
    %rem3A_570 = arith.remsi %select_n3A_563, %select_n3A_569 : i32
    %ne3A_571 = arith.constant 0 : i32
    %ne3A_572 = arith.cmpi ne, %rem3A_570, %ne3A_571 : i32
    %lt3A_573 = arith.constant 0 : i32
    %lt3A_574 = arith.cmpi slt, %rem3A_570, %lt3A_573 : i32
    %lt3A_575 = arith.constant 0 : i32
    %lt3A_576 = arith.cmpi slt, %select_n3A_569, %lt3A_575 : i32
    %ne3A_577 = arith.xori %lt3A_574, %lt3A_576 : i1
    %and3A_578 = arith.andi %ne3A_577, %ne3A_572 : i1
    %add3A_579 = arith.addi %rem3A_570, %select_n3A_569 : i32
    %select_n3A_580 = arith.select %and3A_578, %add3A_579, %rem3A_570 : i32
    %jit3A_581 = arith.constant 4 : i64
    %convert_element_type3A_582 = arith.trunci %jit3A_581 : i64 to i32
    %div3A_583 = arith.divsi %select_n3A_563, %convert_element_type3A_582 : i32
    %sign3A_584 = arith.constant 0 : i32
    %sign3A_585 = arith.cmpi sgt, %select_n3A_563, %sign3A_584 : i32
    %sign3A_586 = arith.extui %sign3A_585 : i1 to i32
    %sign3A_587 = arith.constant 0 : i32
    %sign3A_588 = arith.cmpi slt, %select_n3A_563, %sign3A_587 : i32
    %sign3A_589 = arith.extui %sign3A_588 : i1 to i32
    %sign3A_590 = arith.subi %sign3A_586, %sign3A_589 : i32
    %sign3A_591 = arith.constant 0 : i32
    %sign3A_592 = arith.cmpi sgt, %convert_element_type3A_582, %sign3A_591 : i32
    %sign3A_593 = arith.extui %sign3A_592 : i1 to i32
    %sign3A_594 = arith.constant 0 : i32
    %sign3A_595 = arith.cmpi slt, %convert_element_type3A_582, %sign3A_594 : i32
    %sign3A_596 = arith.extui %sign3A_595 : i1 to i32
    %sign3A_597 = arith.subi %sign3A_593, %sign3A_596 : i32
    %ne3A_598 = arith.cmpi ne, %sign3A_590, %sign3A_597 : i32
    %rem3A_599 = arith.remsi %select_n3A_563, %convert_element_type3A_582 : i32
    %ne3A_600 = arith.constant 0 : i32
    %ne3A_601 = arith.cmpi ne, %rem3A_599, %ne3A_600 : i32
    %and3A_602 = arith.andi %ne3A_598, %ne3A_601 : i1
    %sub3A_603 = arith.constant 1 : i32
    %sub3A_604 = arith.subi %div3A_583, %sub3A_603 : i32
    %select_n3A_605 = arith.select %and3A_602, %sub3A_604, %div3A_583 : i32
    %jit3A_606 = arith.constant 10 : i64
    %convert_element_type3A_607 = arith.trunci %jit3A_606 : i64 to i32
    %eq3A_608 = arith.constant 0 : i32
    %eq3A_609 = arith.cmpi eq, %convert_element_type3A_607, %eq3A_608 : i32
    %jit3A_610 = arith.constant 1 : i32
    %select_n3A_611 = arith.select %eq3A_609, %jit3A_610, %convert_element_type3A_607 : i32
    %rem3A_612 = arith.remsi %select_n3A_605, %select_n3A_611 : i32
    %ne3A_613 = arith.constant 0 : i32
    %ne3A_614 = arith.cmpi ne, %rem3A_612, %ne3A_613 : i32
    %lt3A_615 = arith.constant 0 : i32
    %lt3A_616 = arith.cmpi slt, %rem3A_612, %lt3A_615 : i32
    %lt3A_617 = arith.constant 0 : i32
    %lt3A_618 = arith.cmpi slt, %select_n3A_611, %lt3A_617 : i32
    %ne3A_619 = arith.xori %lt3A_616, %lt3A_618 : i1
    %and3A_620 = arith.andi %ne3A_619, %ne3A_614 : i1
    %add3A_621 = arith.addi %rem3A_612, %select_n3A_611 : i32
    %select_n3A_622 = arith.select %and3A_620, %add3A_621, %rem3A_612 : i32
    %jit3A_623 = arith.constant 10 : i64
    %convert_element_type3A_624 = arith.trunci %jit3A_623 : i64 to i32
    %div3A_625 = arith.divsi %select_n3A_605, %convert_element_type3A_624 : i32
    %sign3A_626 = arith.constant 0 : i32
    %sign3A_627 = arith.cmpi sgt, %select_n3A_605, %sign3A_626 : i32
    %sign3A_628 = arith.extui %sign3A_627 : i1 to i32
    %sign3A_629 = arith.constant 0 : i32
    %sign3A_630 = arith.cmpi slt, %select_n3A_605, %sign3A_629 : i32
    %sign3A_631 = arith.extui %sign3A_630 : i1 to i32
    %sign3A_632 = arith.subi %sign3A_628, %sign3A_631 : i32
    %sign3A_633 = arith.constant 0 : i32
    %sign3A_634 = arith.cmpi sgt, %convert_element_type3A_624, %sign3A_633 : i32
    %sign3A_635 = arith.extui %sign3A_634 : i1 to i32
    %sign3A_636 = arith.constant 0 : i32
    %sign3A_637 = arith.cmpi slt, %convert_element_type3A_624, %sign3A_636 : i32
    %sign3A_638 = arith.extui %sign3A_637 : i1 to i32
    %sign3A_639 = arith.subi %sign3A_635, %sign3A_638 : i32
    %ne3A_640 = arith.cmpi ne, %sign3A_632, %sign3A_639 : i32
    %rem3A_641 = arith.remsi %select_n3A_605, %convert_element_type3A_624 : i32
    %ne3A_642 = arith.constant 0 : i32
    %ne3A_643 = arith.cmpi ne, %rem3A_641, %ne3A_642 : i32
    %and3A_644 = arith.andi %ne3A_640, %ne3A_643 : i1
    %sub3A_645 = arith.constant 1 : i32
    %sub3A_646 = arith.subi %div3A_625, %sub3A_645 : i32
    %select_n3A_647 = arith.select %and3A_644, %sub3A_646, %div3A_625 : i32
    %mul3A_648 = arith.constant 8 : i32
    %mul3A_649 = arith.muli %mul3A_648, %select_n3A_580 : i32
    %mul3A_650 = arith.constant 4096 : i32
    %mul3A_651 = arith.muli %mul3A_650, %select_n3A_538 : i32
    %add3A_652 = arith.constant 5 : i32
    %add3A_653 = arith.addi %mul3A_2, %add3A_652 : i32
    %jit3A_654 = arith.constant 4 : i64
    %convert_element_type3A_655 = arith.trunci %jit3A_654 : i64 to i32
    %eq3A_656 = arith.constant 0 : i32
    %eq3A_657 = arith.cmpi eq, %convert_element_type3A_655, %eq3A_656 : i32
    %jit3A_658 = arith.constant 1 : i32
    %select_n3A_659 = arith.select %eq3A_657, %jit3A_658, %convert_element_type3A_655 : i32
    %rem3A_660 = arith.remsi %add3A_653, %select_n3A_659 : i32
    %ne3A_661 = arith.constant 0 : i32
    %ne3A_662 = arith.cmpi ne, %rem3A_660, %ne3A_661 : i32
    %lt3A_663 = arith.constant 0 : i32
    %lt3A_664 = arith.cmpi slt, %rem3A_660, %lt3A_663 : i32
    %lt3A_665 = arith.constant 0 : i32
    %lt3A_666 = arith.cmpi slt, %select_n3A_659, %lt3A_665 : i32
    %ne3A_667 = arith.xori %lt3A_664, %lt3A_666 : i1
    %and3A_668 = arith.andi %ne3A_667, %ne3A_662 : i1
    %add3A_669 = arith.addi %rem3A_660, %select_n3A_659 : i32
    %select_n3A_670 = arith.select %and3A_668, %add3A_669, %rem3A_660 : i32
    %jit3A_671 = arith.constant 4 : i64
    %convert_element_type3A_672 = arith.trunci %jit3A_671 : i64 to i32
    %div3A_673 = arith.divsi %add3A_653, %convert_element_type3A_672 : i32
    %sign3A_674 = arith.constant 0 : i32
    %sign3A_675 = arith.cmpi sgt, %add3A_653, %sign3A_674 : i32
    %sign3A_676 = arith.extui %sign3A_675 : i1 to i32
    %sign3A_677 = arith.constant 0 : i32
    %sign3A_678 = arith.cmpi slt, %add3A_653, %sign3A_677 : i32
    %sign3A_679 = arith.extui %sign3A_678 : i1 to i32
    %sign3A_680 = arith.subi %sign3A_676, %sign3A_679 : i32
    %sign3A_681 = arith.constant 0 : i32
    %sign3A_682 = arith.cmpi sgt, %convert_element_type3A_672, %sign3A_681 : i32
    %sign3A_683 = arith.extui %sign3A_682 : i1 to i32
    %sign3A_684 = arith.constant 0 : i32
    %sign3A_685 = arith.cmpi slt, %convert_element_type3A_672, %sign3A_684 : i32
    %sign3A_686 = arith.extui %sign3A_685 : i1 to i32
    %sign3A_687 = arith.subi %sign3A_683, %sign3A_686 : i32
    %ne3A_688 = arith.cmpi ne, %sign3A_680, %sign3A_687 : i32
    %rem3A_689 = arith.remsi %add3A_653, %convert_element_type3A_672 : i32
    %ne3A_690 = arith.constant 0 : i32
    %ne3A_691 = arith.cmpi ne, %rem3A_689, %ne3A_690 : i32
    %and3A_692 = arith.andi %ne3A_688, %ne3A_691 : i1
    %sub3A_693 = arith.constant 1 : i32
    %sub3A_694 = arith.subi %div3A_673, %sub3A_693 : i32
    %select_n3A_695 = arith.select %and3A_692, %sub3A_694, %div3A_673 : i32
    %jit3A_696 = arith.constant 4 : i64
    %convert_element_type3A_697 = arith.trunci %jit3A_696 : i64 to i32
    %eq3A_698 = arith.constant 0 : i32
    %eq3A_699 = arith.cmpi eq, %convert_element_type3A_697, %eq3A_698 : i32
    %jit3A_700 = arith.constant 1 : i32
    %select_n3A_701 = arith.select %eq3A_699, %jit3A_700, %convert_element_type3A_697 : i32
    %rem3A_702 = arith.remsi %select_n3A_695, %select_n3A_701 : i32
    %ne3A_703 = arith.constant 0 : i32
    %ne3A_704 = arith.cmpi ne, %rem3A_702, %ne3A_703 : i32
    %lt3A_705 = arith.constant 0 : i32
    %lt3A_706 = arith.cmpi slt, %rem3A_702, %lt3A_705 : i32
    %lt3A_707 = arith.constant 0 : i32
    %lt3A_708 = arith.cmpi slt, %select_n3A_701, %lt3A_707 : i32
    %ne3A_709 = arith.xori %lt3A_706, %lt3A_708 : i1
    %and3A_710 = arith.andi %ne3A_709, %ne3A_704 : i1
    %add3A_711 = arith.addi %rem3A_702, %select_n3A_701 : i32
    %select_n3A_712 = arith.select %and3A_710, %add3A_711, %rem3A_702 : i32
    %jit3A_713 = arith.constant 4 : i64
    %convert_element_type3A_714 = arith.trunci %jit3A_713 : i64 to i32
    %div3A_715 = arith.divsi %select_n3A_695, %convert_element_type3A_714 : i32
    %sign3A_716 = arith.constant 0 : i32
    %sign3A_717 = arith.cmpi sgt, %select_n3A_695, %sign3A_716 : i32
    %sign3A_718 = arith.extui %sign3A_717 : i1 to i32
    %sign3A_719 = arith.constant 0 : i32
    %sign3A_720 = arith.cmpi slt, %select_n3A_695, %sign3A_719 : i32
    %sign3A_721 = arith.extui %sign3A_720 : i1 to i32
    %sign3A_722 = arith.subi %sign3A_718, %sign3A_721 : i32
    %sign3A_723 = arith.constant 0 : i32
    %sign3A_724 = arith.cmpi sgt, %convert_element_type3A_714, %sign3A_723 : i32
    %sign3A_725 = arith.extui %sign3A_724 : i1 to i32
    %sign3A_726 = arith.constant 0 : i32
    %sign3A_727 = arith.cmpi slt, %convert_element_type3A_714, %sign3A_726 : i32
    %sign3A_728 = arith.extui %sign3A_727 : i1 to i32
    %sign3A_729 = arith.subi %sign3A_725, %sign3A_728 : i32
    %ne3A_730 = arith.cmpi ne, %sign3A_722, %sign3A_729 : i32
    %rem3A_731 = arith.remsi %select_n3A_695, %convert_element_type3A_714 : i32
    %ne3A_732 = arith.constant 0 : i32
    %ne3A_733 = arith.cmpi ne, %rem3A_731, %ne3A_732 : i32
    %and3A_734 = arith.andi %ne3A_730, %ne3A_733 : i1
    %sub3A_735 = arith.constant 1 : i32
    %sub3A_736 = arith.subi %div3A_715, %sub3A_735 : i32
    %select_n3A_737 = arith.select %and3A_734, %sub3A_736, %div3A_715 : i32
    %jit3A_738 = arith.constant 10 : i64
    %convert_element_type3A_739 = arith.trunci %jit3A_738 : i64 to i32
    %eq3A_740 = arith.constant 0 : i32
    %eq3A_741 = arith.cmpi eq, %convert_element_type3A_739, %eq3A_740 : i32
    %jit3A_742 = arith.constant 1 : i32
    %select_n3A_743 = arith.select %eq3A_741, %jit3A_742, %convert_element_type3A_739 : i32
    %rem3A_744 = arith.remsi %select_n3A_737, %select_n3A_743 : i32
    %ne3A_745 = arith.constant 0 : i32
    %ne3A_746 = arith.cmpi ne, %rem3A_744, %ne3A_745 : i32
    %lt3A_747 = arith.constant 0 : i32
    %lt3A_748 = arith.cmpi slt, %rem3A_744, %lt3A_747 : i32
    %lt3A_749 = arith.constant 0 : i32
    %lt3A_750 = arith.cmpi slt, %select_n3A_743, %lt3A_749 : i32
    %ne3A_751 = arith.xori %lt3A_748, %lt3A_750 : i1
    %and3A_752 = arith.andi %ne3A_751, %ne3A_746 : i1
    %add3A_753 = arith.addi %rem3A_744, %select_n3A_743 : i32
    %select_n3A_754 = arith.select %and3A_752, %add3A_753, %rem3A_744 : i32
    %jit3A_755 = arith.constant 10 : i64
    %convert_element_type3A_756 = arith.trunci %jit3A_755 : i64 to i32
    %div3A_757 = arith.divsi %select_n3A_737, %convert_element_type3A_756 : i32
    %sign3A_758 = arith.constant 0 : i32
    %sign3A_759 = arith.cmpi sgt, %select_n3A_737, %sign3A_758 : i32
    %sign3A_760 = arith.extui %sign3A_759 : i1 to i32
    %sign3A_761 = arith.constant 0 : i32
    %sign3A_762 = arith.cmpi slt, %select_n3A_737, %sign3A_761 : i32
    %sign3A_763 = arith.extui %sign3A_762 : i1 to i32
    %sign3A_764 = arith.subi %sign3A_760, %sign3A_763 : i32
    %sign3A_765 = arith.constant 0 : i32
    %sign3A_766 = arith.cmpi sgt, %convert_element_type3A_756, %sign3A_765 : i32
    %sign3A_767 = arith.extui %sign3A_766 : i1 to i32
    %sign3A_768 = arith.constant 0 : i32
    %sign3A_769 = arith.cmpi slt, %convert_element_type3A_756, %sign3A_768 : i32
    %sign3A_770 = arith.extui %sign3A_769 : i1 to i32
    %sign3A_771 = arith.subi %sign3A_767, %sign3A_770 : i32
    %ne3A_772 = arith.cmpi ne, %sign3A_764, %sign3A_771 : i32
    %rem3A_773 = arith.remsi %select_n3A_737, %convert_element_type3A_756 : i32
    %ne3A_774 = arith.constant 0 : i32
    %ne3A_775 = arith.cmpi ne, %rem3A_773, %ne3A_774 : i32
    %and3A_776 = arith.andi %ne3A_772, %ne3A_775 : i1
    %sub3A_777 = arith.constant 1 : i32
    %sub3A_778 = arith.subi %div3A_757, %sub3A_777 : i32
    %select_n3A_779 = arith.select %and3A_776, %sub3A_778, %div3A_757 : i32
    %mul3A_780 = arith.constant 8 : i32
    %mul3A_781 = arith.muli %mul3A_780, %select_n3A_712 : i32
    %mul3A_782 = arith.constant 4096 : i32
    %mul3A_783 = arith.muli %mul3A_782, %select_n3A_670 : i32
    %add3A_784 = arith.constant 6 : i32
    %add3A_785 = arith.addi %mul3A_2, %add3A_784 : i32
    %jit3A_786 = arith.constant 4 : i64
    %convert_element_type3A_787 = arith.trunci %jit3A_786 : i64 to i32
    %eq3A_788 = arith.constant 0 : i32
    %eq3A_789 = arith.cmpi eq, %convert_element_type3A_787, %eq3A_788 : i32
    %jit3A_790 = arith.constant 1 : i32
    %select_n3A_791 = arith.select %eq3A_789, %jit3A_790, %convert_element_type3A_787 : i32
    %rem3A_792 = arith.remsi %add3A_785, %select_n3A_791 : i32
    %ne3A_793 = arith.constant 0 : i32
    %ne3A_794 = arith.cmpi ne, %rem3A_792, %ne3A_793 : i32
    %lt3A_795 = arith.constant 0 : i32
    %lt3A_796 = arith.cmpi slt, %rem3A_792, %lt3A_795 : i32
    %lt3A_797 = arith.constant 0 : i32
    %lt3A_798 = arith.cmpi slt, %select_n3A_791, %lt3A_797 : i32
    %ne3A_799 = arith.xori %lt3A_796, %lt3A_798 : i1
    %and3A_800 = arith.andi %ne3A_799, %ne3A_794 : i1
    %add3A_801 = arith.addi %rem3A_792, %select_n3A_791 : i32
    %select_n3A_802 = arith.select %and3A_800, %add3A_801, %rem3A_792 : i32
    %jit3A_803 = arith.constant 4 : i64
    %convert_element_type3A_804 = arith.trunci %jit3A_803 : i64 to i32
    %div3A_805 = arith.divsi %add3A_785, %convert_element_type3A_804 : i32
    %sign3A_806 = arith.constant 0 : i32
    %sign3A_807 = arith.cmpi sgt, %add3A_785, %sign3A_806 : i32
    %sign3A_808 = arith.extui %sign3A_807 : i1 to i32
    %sign3A_809 = arith.constant 0 : i32
    %sign3A_810 = arith.cmpi slt, %add3A_785, %sign3A_809 : i32
    %sign3A_811 = arith.extui %sign3A_810 : i1 to i32
    %sign3A_812 = arith.subi %sign3A_808, %sign3A_811 : i32
    %sign3A_813 = arith.constant 0 : i32
    %sign3A_814 = arith.cmpi sgt, %convert_element_type3A_804, %sign3A_813 : i32
    %sign3A_815 = arith.extui %sign3A_814 : i1 to i32
    %sign3A_816 = arith.constant 0 : i32
    %sign3A_817 = arith.cmpi slt, %convert_element_type3A_804, %sign3A_816 : i32
    %sign3A_818 = arith.extui %sign3A_817 : i1 to i32
    %sign3A_819 = arith.subi %sign3A_815, %sign3A_818 : i32
    %ne3A_820 = arith.cmpi ne, %sign3A_812, %sign3A_819 : i32
    %rem3A_821 = arith.remsi %add3A_785, %convert_element_type3A_804 : i32
    %ne3A_822 = arith.constant 0 : i32
    %ne3A_823 = arith.cmpi ne, %rem3A_821, %ne3A_822 : i32
    %and3A_824 = arith.andi %ne3A_820, %ne3A_823 : i1
    %sub3A_825 = arith.constant 1 : i32
    %sub3A_826 = arith.subi %div3A_805, %sub3A_825 : i32
    %select_n3A_827 = arith.select %and3A_824, %sub3A_826, %div3A_805 : i32
    %jit3A_828 = arith.constant 4 : i64
    %convert_element_type3A_829 = arith.trunci %jit3A_828 : i64 to i32
    %eq3A_830 = arith.constant 0 : i32
    %eq3A_831 = arith.cmpi eq, %convert_element_type3A_829, %eq3A_830 : i32
    %jit3A_832 = arith.constant 1 : i32
    %select_n3A_833 = arith.select %eq3A_831, %jit3A_832, %convert_element_type3A_829 : i32
    %rem3A_834 = arith.remsi %select_n3A_827, %select_n3A_833 : i32
    %ne3A_835 = arith.constant 0 : i32
    %ne3A_836 = arith.cmpi ne, %rem3A_834, %ne3A_835 : i32
    %lt3A_837 = arith.constant 0 : i32
    %lt3A_838 = arith.cmpi slt, %rem3A_834, %lt3A_837 : i32
    %lt3A_839 = arith.constant 0 : i32
    %lt3A_840 = arith.cmpi slt, %select_n3A_833, %lt3A_839 : i32
    %ne3A_841 = arith.xori %lt3A_838, %lt3A_840 : i1
    %and3A_842 = arith.andi %ne3A_841, %ne3A_836 : i1
    %add3A_843 = arith.addi %rem3A_834, %select_n3A_833 : i32
    %select_n3A_844 = arith.select %and3A_842, %add3A_843, %rem3A_834 : i32
    %jit3A_845 = arith.constant 4 : i64
    %convert_element_type3A_846 = arith.trunci %jit3A_845 : i64 to i32
    %div3A_847 = arith.divsi %select_n3A_827, %convert_element_type3A_846 : i32
    %sign3A_848 = arith.constant 0 : i32
    %sign3A_849 = arith.cmpi sgt, %select_n3A_827, %sign3A_848 : i32
    %sign3A_850 = arith.extui %sign3A_849 : i1 to i32
    %sign3A_851 = arith.constant 0 : i32
    %sign3A_852 = arith.cmpi slt, %select_n3A_827, %sign3A_851 : i32
    %sign3A_853 = arith.extui %sign3A_852 : i1 to i32
    %sign3A_854 = arith.subi %sign3A_850, %sign3A_853 : i32
    %sign3A_855 = arith.constant 0 : i32
    %sign3A_856 = arith.cmpi sgt, %convert_element_type3A_846, %sign3A_855 : i32
    %sign3A_857 = arith.extui %sign3A_856 : i1 to i32
    %sign3A_858 = arith.constant 0 : i32
    %sign3A_859 = arith.cmpi slt, %convert_element_type3A_846, %sign3A_858 : i32
    %sign3A_860 = arith.extui %sign3A_859 : i1 to i32
    %sign3A_861 = arith.subi %sign3A_857, %sign3A_860 : i32
    %ne3A_862 = arith.cmpi ne, %sign3A_854, %sign3A_861 : i32
    %rem3A_863 = arith.remsi %select_n3A_827, %convert_element_type3A_846 : i32
    %ne3A_864 = arith.constant 0 : i32
    %ne3A_865 = arith.cmpi ne, %rem3A_863, %ne3A_864 : i32
    %and3A_866 = arith.andi %ne3A_862, %ne3A_865 : i1
    %sub3A_867 = arith.constant 1 : i32
    %sub3A_868 = arith.subi %div3A_847, %sub3A_867 : i32
    %select_n3A_869 = arith.select %and3A_866, %sub3A_868, %div3A_847 : i32
    %jit3A_870 = arith.constant 10 : i64
    %convert_element_type3A_871 = arith.trunci %jit3A_870 : i64 to i32
    %eq3A_872 = arith.constant 0 : i32
    %eq3A_873 = arith.cmpi eq, %convert_element_type3A_871, %eq3A_872 : i32
    %jit3A_874 = arith.constant 1 : i32
    %select_n3A_875 = arith.select %eq3A_873, %jit3A_874, %convert_element_type3A_871 : i32
    %rem3A_876 = arith.remsi %select_n3A_869, %select_n3A_875 : i32
    %ne3A_877 = arith.constant 0 : i32
    %ne3A_878 = arith.cmpi ne, %rem3A_876, %ne3A_877 : i32
    %lt3A_879 = arith.constant 0 : i32
    %lt3A_880 = arith.cmpi slt, %rem3A_876, %lt3A_879 : i32
    %lt3A_881 = arith.constant 0 : i32
    %lt3A_882 = arith.cmpi slt, %select_n3A_875, %lt3A_881 : i32
    %ne3A_883 = arith.xori %lt3A_880, %lt3A_882 : i1
    %and3A_884 = arith.andi %ne3A_883, %ne3A_878 : i1
    %add3A_885 = arith.addi %rem3A_876, %select_n3A_875 : i32
    %select_n3A_886 = arith.select %and3A_884, %add3A_885, %rem3A_876 : i32
    %jit3A_887 = arith.constant 10 : i64
    %convert_element_type3A_888 = arith.trunci %jit3A_887 : i64 to i32
    %div3A_889 = arith.divsi %select_n3A_869, %convert_element_type3A_888 : i32
    %sign3A_890 = arith.constant 0 : i32
    %sign3A_891 = arith.cmpi sgt, %select_n3A_869, %sign3A_890 : i32
    %sign3A_892 = arith.extui %sign3A_891 : i1 to i32
    %sign3A_893 = arith.constant 0 : i32
    %sign3A_894 = arith.cmpi slt, %select_n3A_869, %sign3A_893 : i32
    %sign3A_895 = arith.extui %sign3A_894 : i1 to i32
    %sign3A_896 = arith.subi %sign3A_892, %sign3A_895 : i32
    %sign3A_897 = arith.constant 0 : i32
    %sign3A_898 = arith.cmpi sgt, %convert_element_type3A_888, %sign3A_897 : i32
    %sign3A_899 = arith.extui %sign3A_898 : i1 to i32
    %sign3A_900 = arith.constant 0 : i32
    %sign3A_901 = arith.cmpi slt, %convert_element_type3A_888, %sign3A_900 : i32
    %sign3A_902 = arith.extui %sign3A_901 : i1 to i32
    %sign3A_903 = arith.subi %sign3A_899, %sign3A_902 : i32
    %ne3A_904 = arith.cmpi ne, %sign3A_896, %sign3A_903 : i32
    %rem3A_905 = arith.remsi %select_n3A_869, %convert_element_type3A_888 : i32
    %ne3A_906 = arith.constant 0 : i32
    %ne3A_907 = arith.cmpi ne, %rem3A_905, %ne3A_906 : i32
    %and3A_908 = arith.andi %ne3A_904, %ne3A_907 : i1
    %sub3A_909 = arith.constant 1 : i32
    %sub3A_910 = arith.subi %div3A_889, %sub3A_909 : i32
    %select_n3A_911 = arith.select %and3A_908, %sub3A_910, %div3A_889 : i32
    %mul3A_912 = arith.constant 8 : i32
    %mul3A_913 = arith.muli %mul3A_912, %select_n3A_844 : i32
    %mul3A_914 = arith.constant 4096 : i32
    %mul3A_915 = arith.muli %mul3A_914, %select_n3A_802 : i32
    %add3A_916 = arith.constant 7 : i32
    %add3A_917 = arith.addi %mul3A_2, %add3A_916 : i32
    %jit3A_918 = arith.constant 4 : i64
    %convert_element_type3A_919 = arith.trunci %jit3A_918 : i64 to i32
    %eq3A_920 = arith.constant 0 : i32
    %eq3A_921 = arith.cmpi eq, %convert_element_type3A_919, %eq3A_920 : i32
    %jit3A_922 = arith.constant 1 : i32
    %select_n3A_923 = arith.select %eq3A_921, %jit3A_922, %convert_element_type3A_919 : i32
    %rem3A_924 = arith.remsi %add3A_917, %select_n3A_923 : i32
    %ne3A_925 = arith.constant 0 : i32
    %ne3A_926 = arith.cmpi ne, %rem3A_924, %ne3A_925 : i32
    %lt3A_927 = arith.constant 0 : i32
    %lt3A_928 = arith.cmpi slt, %rem3A_924, %lt3A_927 : i32
    %lt3A_929 = arith.constant 0 : i32
    %lt3A_930 = arith.cmpi slt, %select_n3A_923, %lt3A_929 : i32
    %ne3A_931 = arith.xori %lt3A_928, %lt3A_930 : i1
    %and3A_932 = arith.andi %ne3A_931, %ne3A_926 : i1
    %add3A_933 = arith.addi %rem3A_924, %select_n3A_923 : i32
    %select_n3A_934 = arith.select %and3A_932, %add3A_933, %rem3A_924 : i32
    %jit3A_935 = arith.constant 4 : i64
    %convert_element_type3A_936 = arith.trunci %jit3A_935 : i64 to i32
    %div3A_937 = arith.divsi %add3A_917, %convert_element_type3A_936 : i32
    %sign3A_938 = arith.constant 0 : i32
    %sign3A_939 = arith.cmpi sgt, %add3A_917, %sign3A_938 : i32
    %sign3A_940 = arith.extui %sign3A_939 : i1 to i32
    %sign3A_941 = arith.constant 0 : i32
    %sign3A_942 = arith.cmpi slt, %add3A_917, %sign3A_941 : i32
    %sign3A_943 = arith.extui %sign3A_942 : i1 to i32
    %sign3A_944 = arith.subi %sign3A_940, %sign3A_943 : i32
    %sign3A_945 = arith.constant 0 : i32
    %sign3A_946 = arith.cmpi sgt, %convert_element_type3A_936, %sign3A_945 : i32
    %sign3A_947 = arith.extui %sign3A_946 : i1 to i32
    %sign3A_948 = arith.constant 0 : i32
    %sign3A_949 = arith.cmpi slt, %convert_element_type3A_936, %sign3A_948 : i32
    %sign3A_950 = arith.extui %sign3A_949 : i1 to i32
    %sign3A_951 = arith.subi %sign3A_947, %sign3A_950 : i32
    %ne3A_952 = arith.cmpi ne, %sign3A_944, %sign3A_951 : i32
    %rem3A_953 = arith.remsi %add3A_917, %convert_element_type3A_936 : i32
    %ne3A_954 = arith.constant 0 : i32
    %ne3A_955 = arith.cmpi ne, %rem3A_953, %ne3A_954 : i32
    %and3A_956 = arith.andi %ne3A_952, %ne3A_955 : i1
    %sub3A_957 = arith.constant 1 : i32
    %sub3A_958 = arith.subi %div3A_937, %sub3A_957 : i32
    %select_n3A_959 = arith.select %and3A_956, %sub3A_958, %div3A_937 : i32
    %jit3A_960 = arith.constant 4 : i64
    %convert_element_type3A_961 = arith.trunci %jit3A_960 : i64 to i32
    %eq3A_962 = arith.constant 0 : i32
    %eq3A_963 = arith.cmpi eq, %convert_element_type3A_961, %eq3A_962 : i32
    %jit3A_964 = arith.constant 1 : i32
    %select_n3A_965 = arith.select %eq3A_963, %jit3A_964, %convert_element_type3A_961 : i32
    %rem3A_966 = arith.remsi %select_n3A_959, %select_n3A_965 : i32
    %ne3A_967 = arith.constant 0 : i32
    %ne3A_968 = arith.cmpi ne, %rem3A_966, %ne3A_967 : i32
    %lt3A_969 = arith.constant 0 : i32
    %lt3A_970 = arith.cmpi slt, %rem3A_966, %lt3A_969 : i32
    %lt3A_971 = arith.constant 0 : i32
    %lt3A_972 = arith.cmpi slt, %select_n3A_965, %lt3A_971 : i32
    %ne3A_973 = arith.xori %lt3A_970, %lt3A_972 : i1
    %and3A_974 = arith.andi %ne3A_973, %ne3A_968 : i1
    %add3A_975 = arith.addi %rem3A_966, %select_n3A_965 : i32
    %select_n3A_976 = arith.select %and3A_974, %add3A_975, %rem3A_966 : i32
    %jit3A_977 = arith.constant 4 : i64
    %convert_element_type3A_978 = arith.trunci %jit3A_977 : i64 to i32
    %div3A_979 = arith.divsi %select_n3A_959, %convert_element_type3A_978 : i32
    %sign3A_980 = arith.constant 0 : i32
    %sign3A_981 = arith.cmpi sgt, %select_n3A_959, %sign3A_980 : i32
    %sign3A_982 = arith.extui %sign3A_981 : i1 to i32
    %sign3A_983 = arith.constant 0 : i32
    %sign3A_984 = arith.cmpi slt, %select_n3A_959, %sign3A_983 : i32
    %sign3A_985 = arith.extui %sign3A_984 : i1 to i32
    %sign3A_986 = arith.subi %sign3A_982, %sign3A_985 : i32
    %sign3A_987 = arith.constant 0 : i32
    %sign3A_988 = arith.cmpi sgt, %convert_element_type3A_978, %sign3A_987 : i32
    %sign3A_989 = arith.extui %sign3A_988 : i1 to i32
    %sign3A_990 = arith.constant 0 : i32
    %sign3A_991 = arith.cmpi slt, %convert_element_type3A_978, %sign3A_990 : i32
    %sign3A_992 = arith.extui %sign3A_991 : i1 to i32
    %sign3A_993 = arith.subi %sign3A_989, %sign3A_992 : i32
    %ne3A_994 = arith.cmpi ne, %sign3A_986, %sign3A_993 : i32
    %rem3A_995 = arith.remsi %select_n3A_959, %convert_element_type3A_978 : i32
    %ne3A_996 = arith.constant 0 : i32
    %ne3A_997 = arith.cmpi ne, %rem3A_995, %ne3A_996 : i32
    %and3A_998 = arith.andi %ne3A_994, %ne3A_997 : i1
    %sub3A_999 = arith.constant 1 : i32
    %sub3A_1000 = arith.subi %div3A_979, %sub3A_999 : i32
    %select_n3A_1001 = arith.select %and3A_998, %sub3A_1000, %div3A_979 : i32
    %jit3A_1002 = arith.constant 10 : i64
    %convert_element_type3A_1003 = arith.trunci %jit3A_1002 : i64 to i32
    %eq3A_1004 = arith.constant 0 : i32
    %eq3A_1005 = arith.cmpi eq, %convert_element_type3A_1003, %eq3A_1004 : i32
    %jit3A_1006 = arith.constant 1 : i32
    %select_n3A_1007 = arith.select %eq3A_1005, %jit3A_1006, %convert_element_type3A_1003 : i32
    %rem3A_1008 = arith.remsi %select_n3A_1001, %select_n3A_1007 : i32
    %ne3A_1009 = arith.constant 0 : i32
    %ne3A_1010 = arith.cmpi ne, %rem3A_1008, %ne3A_1009 : i32
    %lt3A_1011 = arith.constant 0 : i32
    %lt3A_1012 = arith.cmpi slt, %rem3A_1008, %lt3A_1011 : i32
    %lt3A_1013 = arith.constant 0 : i32
    %lt3A_1014 = arith.cmpi slt, %select_n3A_1007, %lt3A_1013 : i32
    %ne3A_1015 = arith.xori %lt3A_1012, %lt3A_1014 : i1
    %and3A_1016 = arith.andi %ne3A_1015, %ne3A_1010 : i1
    %add3A_1017 = arith.addi %rem3A_1008, %select_n3A_1007 : i32
    %select_n3A_1018 = arith.select %and3A_1016, %add3A_1017, %rem3A_1008 : i32
    %jit3A_1019 = arith.constant 10 : i64
    %convert_element_type3A_1020 = arith.trunci %jit3A_1019 : i64 to i32
    %div3A_1021 = arith.divsi %select_n3A_1001, %convert_element_type3A_1020 : i32
    %sign3A_1022 = arith.constant 0 : i32
    %sign3A_1023 = arith.cmpi sgt, %select_n3A_1001, %sign3A_1022 : i32
    %sign3A_1024 = arith.extui %sign3A_1023 : i1 to i32
    %sign3A_1025 = arith.constant 0 : i32
    %sign3A_1026 = arith.cmpi slt, %select_n3A_1001, %sign3A_1025 : i32
    %sign3A_1027 = arith.extui %sign3A_1026 : i1 to i32
    %sign3A_1028 = arith.subi %sign3A_1024, %sign3A_1027 : i32
    %sign3A_1029 = arith.constant 0 : i32
    %sign3A_1030 = arith.cmpi sgt, %convert_element_type3A_1020, %sign3A_1029 : i32
    %sign3A_1031 = arith.extui %sign3A_1030 : i1 to i32
    %sign3A_1032 = arith.constant 0 : i32
    %sign3A_1033 = arith.cmpi slt, %convert_element_type3A_1020, %sign3A_1032 : i32
    %sign3A_1034 = arith.extui %sign3A_1033 : i1 to i32
    %sign3A_1035 = arith.subi %sign3A_1031, %sign3A_1034 : i32
    %ne3A_1036 = arith.cmpi ne, %sign3A_1028, %sign3A_1035 : i32
    %rem3A_1037 = arith.remsi %select_n3A_1001, %convert_element_type3A_1020 : i32
    %ne3A_1038 = arith.constant 0 : i32
    %ne3A_1039 = arith.cmpi ne, %rem3A_1037, %ne3A_1038 : i32
    %and3A_1040 = arith.andi %ne3A_1036, %ne3A_1039 : i1
    %sub3A_1041 = arith.constant 1 : i32
    %sub3A_1042 = arith.subi %div3A_1021, %sub3A_1041 : i32
    %select_n3A_1043 = arith.select %and3A_1040, %sub3A_1042, %div3A_1021 : i32
    %mul3A_1044 = arith.constant 8 : i32
    %mul3A_1045 = arith.muli %mul3A_1044, %select_n3A_976 : i32
    %mul3A_1046 = arith.constant 4096 : i32
    %mul3A_1047 = arith.muli %mul3A_1046, %select_n3A_934 : i32
    %add3A_1048 = arith.constant 8 : i32
    %add3A_1049 = arith.addi %mul3A_2, %add3A_1048 : i32
    %jit3A_1050 = arith.constant 4 : i64
    %convert_element_type3A_1051 = arith.trunci %jit3A_1050 : i64 to i32
    %eq3A_1052 = arith.constant 0 : i32
    %eq3A_1053 = arith.cmpi eq, %convert_element_type3A_1051, %eq3A_1052 : i32
    %jit3A_1054 = arith.constant 1 : i32
    %select_n3A_1055 = arith.select %eq3A_1053, %jit3A_1054, %convert_element_type3A_1051 : i32
    %rem3A_1056 = arith.remsi %add3A_1049, %select_n3A_1055 : i32
    %ne3A_1057 = arith.constant 0 : i32
    %ne3A_1058 = arith.cmpi ne, %rem3A_1056, %ne3A_1057 : i32
    %lt3A_1059 = arith.constant 0 : i32
    %lt3A_1060 = arith.cmpi slt, %rem3A_1056, %lt3A_1059 : i32
    %lt3A_1061 = arith.constant 0 : i32
    %lt3A_1062 = arith.cmpi slt, %select_n3A_1055, %lt3A_1061 : i32
    %ne3A_1063 = arith.xori %lt3A_1060, %lt3A_1062 : i1
    %and3A_1064 = arith.andi %ne3A_1063, %ne3A_1058 : i1
    %add3A_1065 = arith.addi %rem3A_1056, %select_n3A_1055 : i32
    %select_n3A_1066 = arith.select %and3A_1064, %add3A_1065, %rem3A_1056 : i32
    %jit3A_1067 = arith.constant 4 : i64
    %convert_element_type3A_1068 = arith.trunci %jit3A_1067 : i64 to i32
    %div3A_1069 = arith.divsi %add3A_1049, %convert_element_type3A_1068 : i32
    %sign3A_1070 = arith.constant 0 : i32
    %sign3A_1071 = arith.cmpi sgt, %add3A_1049, %sign3A_1070 : i32
    %sign3A_1072 = arith.extui %sign3A_1071 : i1 to i32
    %sign3A_1073 = arith.constant 0 : i32
    %sign3A_1074 = arith.cmpi slt, %add3A_1049, %sign3A_1073 : i32
    %sign3A_1075 = arith.extui %sign3A_1074 : i1 to i32
    %sign3A_1076 = arith.subi %sign3A_1072, %sign3A_1075 : i32
    %sign3A_1077 = arith.constant 0 : i32
    %sign3A_1078 = arith.cmpi sgt, %convert_element_type3A_1068, %sign3A_1077 : i32
    %sign3A_1079 = arith.extui %sign3A_1078 : i1 to i32
    %sign3A_1080 = arith.constant 0 : i32
    %sign3A_1081 = arith.cmpi slt, %convert_element_type3A_1068, %sign3A_1080 : i32
    %sign3A_1082 = arith.extui %sign3A_1081 : i1 to i32
    %sign3A_1083 = arith.subi %sign3A_1079, %sign3A_1082 : i32
    %ne3A_1084 = arith.cmpi ne, %sign3A_1076, %sign3A_1083 : i32
    %rem3A_1085 = arith.remsi %add3A_1049, %convert_element_type3A_1068 : i32
    %ne3A_1086 = arith.constant 0 : i32
    %ne3A_1087 = arith.cmpi ne, %rem3A_1085, %ne3A_1086 : i32
    %and3A_1088 = arith.andi %ne3A_1084, %ne3A_1087 : i1
    %sub3A_1089 = arith.constant 1 : i32
    %sub3A_1090 = arith.subi %div3A_1069, %sub3A_1089 : i32
    %select_n3A_1091 = arith.select %and3A_1088, %sub3A_1090, %div3A_1069 : i32
    %jit3A_1092 = arith.constant 4 : i64
    %convert_element_type3A_1093 = arith.trunci %jit3A_1092 : i64 to i32
    %eq3A_1094 = arith.constant 0 : i32
    %eq3A_1095 = arith.cmpi eq, %convert_element_type3A_1093, %eq3A_1094 : i32
    %jit3A_1096 = arith.constant 1 : i32
    %select_n3A_1097 = arith.select %eq3A_1095, %jit3A_1096, %convert_element_type3A_1093 : i32
    %rem3A_1098 = arith.remsi %select_n3A_1091, %select_n3A_1097 : i32
    %ne3A_1099 = arith.constant 0 : i32
    %ne3A_1100 = arith.cmpi ne, %rem3A_1098, %ne3A_1099 : i32
    %lt3A_1101 = arith.constant 0 : i32
    %lt3A_1102 = arith.cmpi slt, %rem3A_1098, %lt3A_1101 : i32
    %lt3A_1103 = arith.constant 0 : i32
    %lt3A_1104 = arith.cmpi slt, %select_n3A_1097, %lt3A_1103 : i32
    %ne3A_1105 = arith.xori %lt3A_1102, %lt3A_1104 : i1
    %and3A_1106 = arith.andi %ne3A_1105, %ne3A_1100 : i1
    %add3A_1107 = arith.addi %rem3A_1098, %select_n3A_1097 : i32
    %select_n3A_1108 = arith.select %and3A_1106, %add3A_1107, %rem3A_1098 : i32
    %jit3A_1109 = arith.constant 4 : i64
    %convert_element_type3A_1110 = arith.trunci %jit3A_1109 : i64 to i32
    %div3A_1111 = arith.divsi %select_n3A_1091, %convert_element_type3A_1110 : i32
    %sign3A_1112 = arith.constant 0 : i32
    %sign3A_1113 = arith.cmpi sgt, %select_n3A_1091, %sign3A_1112 : i32
    %sign3A_1114 = arith.extui %sign3A_1113 : i1 to i32
    %sign3A_1115 = arith.constant 0 : i32
    %sign3A_1116 = arith.cmpi slt, %select_n3A_1091, %sign3A_1115 : i32
    %sign3A_1117 = arith.extui %sign3A_1116 : i1 to i32
    %sign3A_1118 = arith.subi %sign3A_1114, %sign3A_1117 : i32
    %sign3A_1119 = arith.constant 0 : i32
    %sign3A_1120 = arith.cmpi sgt, %convert_element_type3A_1110, %sign3A_1119 : i32
    %sign3A_1121 = arith.extui %sign3A_1120 : i1 to i32
    %sign3A_1122 = arith.constant 0 : i32
    %sign3A_1123 = arith.cmpi slt, %convert_element_type3A_1110, %sign3A_1122 : i32
    %sign3A_1124 = arith.extui %sign3A_1123 : i1 to i32
    %sign3A_1125 = arith.subi %sign3A_1121, %sign3A_1124 : i32
    %ne3A_1126 = arith.cmpi ne, %sign3A_1118, %sign3A_1125 : i32
    %rem3A_1127 = arith.remsi %select_n3A_1091, %convert_element_type3A_1110 : i32
    %ne3A_1128 = arith.constant 0 : i32
    %ne3A_1129 = arith.cmpi ne, %rem3A_1127, %ne3A_1128 : i32
    %and3A_1130 = arith.andi %ne3A_1126, %ne3A_1129 : i1
    %sub3A_1131 = arith.constant 1 : i32
    %sub3A_1132 = arith.subi %div3A_1111, %sub3A_1131 : i32
    %select_n3A_1133 = arith.select %and3A_1130, %sub3A_1132, %div3A_1111 : i32
    %jit3A_1134 = arith.constant 10 : i64
    %convert_element_type3A_1135 = arith.trunci %jit3A_1134 : i64 to i32
    %eq3A_1136 = arith.constant 0 : i32
    %eq3A_1137 = arith.cmpi eq, %convert_element_type3A_1135, %eq3A_1136 : i32
    %jit3A_1138 = arith.constant 1 : i32
    %select_n3A_1139 = arith.select %eq3A_1137, %jit3A_1138, %convert_element_type3A_1135 : i32
    %rem3A_1140 = arith.remsi %select_n3A_1133, %select_n3A_1139 : i32
    %ne3A_1141 = arith.constant 0 : i32
    %ne3A_1142 = arith.cmpi ne, %rem3A_1140, %ne3A_1141 : i32
    %lt3A_1143 = arith.constant 0 : i32
    %lt3A_1144 = arith.cmpi slt, %rem3A_1140, %lt3A_1143 : i32
    %lt3A_1145 = arith.constant 0 : i32
    %lt3A_1146 = arith.cmpi slt, %select_n3A_1139, %lt3A_1145 : i32
    %ne3A_1147 = arith.xori %lt3A_1144, %lt3A_1146 : i1
    %and3A_1148 = arith.andi %ne3A_1147, %ne3A_1142 : i1
    %add3A_1149 = arith.addi %rem3A_1140, %select_n3A_1139 : i32
    %select_n3A_1150 = arith.select %and3A_1148, %add3A_1149, %rem3A_1140 : i32
    %jit3A_1151 = arith.constant 10 : i64
    %convert_element_type3A_1152 = arith.trunci %jit3A_1151 : i64 to i32
    %div3A_1153 = arith.divsi %select_n3A_1133, %convert_element_type3A_1152 : i32
    %sign3A_1154 = arith.constant 0 : i32
    %sign3A_1155 = arith.cmpi sgt, %select_n3A_1133, %sign3A_1154 : i32
    %sign3A_1156 = arith.extui %sign3A_1155 : i1 to i32
    %sign3A_1157 = arith.constant 0 : i32
    %sign3A_1158 = arith.cmpi slt, %select_n3A_1133, %sign3A_1157 : i32
    %sign3A_1159 = arith.extui %sign3A_1158 : i1 to i32
    %sign3A_1160 = arith.subi %sign3A_1156, %sign3A_1159 : i32
    %sign3A_1161 = arith.constant 0 : i32
    %sign3A_1162 = arith.cmpi sgt, %convert_element_type3A_1152, %sign3A_1161 : i32
    %sign3A_1163 = arith.extui %sign3A_1162 : i1 to i32
    %sign3A_1164 = arith.constant 0 : i32
    %sign3A_1165 = arith.cmpi slt, %convert_element_type3A_1152, %sign3A_1164 : i32
    %sign3A_1166 = arith.extui %sign3A_1165 : i1 to i32
    %sign3A_1167 = arith.subi %sign3A_1163, %sign3A_1166 : i32
    %ne3A_1168 = arith.cmpi ne, %sign3A_1160, %sign3A_1167 : i32
    %rem3A_1169 = arith.remsi %select_n3A_1133, %convert_element_type3A_1152 : i32
    %ne3A_1170 = arith.constant 0 : i32
    %ne3A_1171 = arith.cmpi ne, %rem3A_1169, %ne3A_1170 : i32
    %and3A_1172 = arith.andi %ne3A_1168, %ne3A_1171 : i1
    %sub3A_1173 = arith.constant 1 : i32
    %sub3A_1174 = arith.subi %div3A_1153, %sub3A_1173 : i32
    %select_n3A_1175 = arith.select %and3A_1172, %sub3A_1174, %div3A_1153 : i32
    %mul3A_1176 = arith.constant 8 : i32
    %mul3A_1177 = arith.muli %mul3A_1176, %select_n3A_1108 : i32
    %mul3A_1178 = arith.constant 4096 : i32
    %mul3A_1179 = arith.muli %mul3A_1178, %select_n3A_1066 : i32
    %add3A_1180 = arith.constant 9 : i32
    %add3A_1181 = arith.addi %mul3A_2, %add3A_1180 : i32
    %jit3A_1182 = arith.constant 4 : i64
    %convert_element_type3A_1183 = arith.trunci %jit3A_1182 : i64 to i32
    %eq3A_1184 = arith.constant 0 : i32
    %eq3A_1185 = arith.cmpi eq, %convert_element_type3A_1183, %eq3A_1184 : i32
    %jit3A_1186 = arith.constant 1 : i32
    %select_n3A_1187 = arith.select %eq3A_1185, %jit3A_1186, %convert_element_type3A_1183 : i32
    %rem3A_1188 = arith.remsi %add3A_1181, %select_n3A_1187 : i32
    %ne3A_1189 = arith.constant 0 : i32
    %ne3A_1190 = arith.cmpi ne, %rem3A_1188, %ne3A_1189 : i32
    %lt3A_1191 = arith.constant 0 : i32
    %lt3A_1192 = arith.cmpi slt, %rem3A_1188, %lt3A_1191 : i32
    %lt3A_1193 = arith.constant 0 : i32
    %lt3A_1194 = arith.cmpi slt, %select_n3A_1187, %lt3A_1193 : i32
    %ne3A_1195 = arith.xori %lt3A_1192, %lt3A_1194 : i1
    %and3A_1196 = arith.andi %ne3A_1195, %ne3A_1190 : i1
    %add3A_1197 = arith.addi %rem3A_1188, %select_n3A_1187 : i32
    %select_n3A_1198 = arith.select %and3A_1196, %add3A_1197, %rem3A_1188 : i32
    %jit3A_1199 = arith.constant 4 : i64
    %convert_element_type3A_1200 = arith.trunci %jit3A_1199 : i64 to i32
    %div3A_1201 = arith.divsi %add3A_1181, %convert_element_type3A_1200 : i32
    %sign3A_1202 = arith.constant 0 : i32
    %sign3A_1203 = arith.cmpi sgt, %add3A_1181, %sign3A_1202 : i32
    %sign3A_1204 = arith.extui %sign3A_1203 : i1 to i32
    %sign3A_1205 = arith.constant 0 : i32
    %sign3A_1206 = arith.cmpi slt, %add3A_1181, %sign3A_1205 : i32
    %sign3A_1207 = arith.extui %sign3A_1206 : i1 to i32
    %sign3A_1208 = arith.subi %sign3A_1204, %sign3A_1207 : i32
    %sign3A_1209 = arith.constant 0 : i32
    %sign3A_1210 = arith.cmpi sgt, %convert_element_type3A_1200, %sign3A_1209 : i32
    %sign3A_1211 = arith.extui %sign3A_1210 : i1 to i32
    %sign3A_1212 = arith.constant 0 : i32
    %sign3A_1213 = arith.cmpi slt, %convert_element_type3A_1200, %sign3A_1212 : i32
    %sign3A_1214 = arith.extui %sign3A_1213 : i1 to i32
    %sign3A_1215 = arith.subi %sign3A_1211, %sign3A_1214 : i32
    %ne3A_1216 = arith.cmpi ne, %sign3A_1208, %sign3A_1215 : i32
    %rem3A_1217 = arith.remsi %add3A_1181, %convert_element_type3A_1200 : i32
    %ne3A_1218 = arith.constant 0 : i32
    %ne3A_1219 = arith.cmpi ne, %rem3A_1217, %ne3A_1218 : i32
    %and3A_1220 = arith.andi %ne3A_1216, %ne3A_1219 : i1
    %sub3A_1221 = arith.constant 1 : i32
    %sub3A_1222 = arith.subi %div3A_1201, %sub3A_1221 : i32
    %select_n3A_1223 = arith.select %and3A_1220, %sub3A_1222, %div3A_1201 : i32
    %jit3A_1224 = arith.constant 4 : i64
    %convert_element_type3A_1225 = arith.trunci %jit3A_1224 : i64 to i32
    %eq3A_1226 = arith.constant 0 : i32
    %eq3A_1227 = arith.cmpi eq, %convert_element_type3A_1225, %eq3A_1226 : i32
    %jit3A_1228 = arith.constant 1 : i32
    %select_n3A_1229 = arith.select %eq3A_1227, %jit3A_1228, %convert_element_type3A_1225 : i32
    %rem3A_1230 = arith.remsi %select_n3A_1223, %select_n3A_1229 : i32
    %ne3A_1231 = arith.constant 0 : i32
    %ne3A_1232 = arith.cmpi ne, %rem3A_1230, %ne3A_1231 : i32
    %lt3A_1233 = arith.constant 0 : i32
    %lt3A_1234 = arith.cmpi slt, %rem3A_1230, %lt3A_1233 : i32
    %lt3A_1235 = arith.constant 0 : i32
    %lt3A_1236 = arith.cmpi slt, %select_n3A_1229, %lt3A_1235 : i32
    %ne3A_1237 = arith.xori %lt3A_1234, %lt3A_1236 : i1
    %and3A_1238 = arith.andi %ne3A_1237, %ne3A_1232 : i1
    %add3A_1239 = arith.addi %rem3A_1230, %select_n3A_1229 : i32
    %select_n3A_1240 = arith.select %and3A_1238, %add3A_1239, %rem3A_1230 : i32
    %jit3A_1241 = arith.constant 4 : i64
    %convert_element_type3A_1242 = arith.trunci %jit3A_1241 : i64 to i32
    %div3A_1243 = arith.divsi %select_n3A_1223, %convert_element_type3A_1242 : i32
    %sign3A_1244 = arith.constant 0 : i32
    %sign3A_1245 = arith.cmpi sgt, %select_n3A_1223, %sign3A_1244 : i32
    %sign3A_1246 = arith.extui %sign3A_1245 : i1 to i32
    %sign3A_1247 = arith.constant 0 : i32
    %sign3A_1248 = arith.cmpi slt, %select_n3A_1223, %sign3A_1247 : i32
    %sign3A_1249 = arith.extui %sign3A_1248 : i1 to i32
    %sign3A_1250 = arith.subi %sign3A_1246, %sign3A_1249 : i32
    %sign3A_1251 = arith.constant 0 : i32
    %sign3A_1252 = arith.cmpi sgt, %convert_element_type3A_1242, %sign3A_1251 : i32
    %sign3A_1253 = arith.extui %sign3A_1252 : i1 to i32
    %sign3A_1254 = arith.constant 0 : i32
    %sign3A_1255 = arith.cmpi slt, %convert_element_type3A_1242, %sign3A_1254 : i32
    %sign3A_1256 = arith.extui %sign3A_1255 : i1 to i32
    %sign3A_1257 = arith.subi %sign3A_1253, %sign3A_1256 : i32
    %ne3A_1258 = arith.cmpi ne, %sign3A_1250, %sign3A_1257 : i32
    %rem3A_1259 = arith.remsi %select_n3A_1223, %convert_element_type3A_1242 : i32
    %ne3A_1260 = arith.constant 0 : i32
    %ne3A_1261 = arith.cmpi ne, %rem3A_1259, %ne3A_1260 : i32
    %and3A_1262 = arith.andi %ne3A_1258, %ne3A_1261 : i1
    %sub3A_1263 = arith.constant 1 : i32
    %sub3A_1264 = arith.subi %div3A_1243, %sub3A_1263 : i32
    %select_n3A_1265 = arith.select %and3A_1262, %sub3A_1264, %div3A_1243 : i32
    %jit3A_1266 = arith.constant 10 : i64
    %convert_element_type3A_1267 = arith.trunci %jit3A_1266 : i64 to i32
    %eq3A_1268 = arith.constant 0 : i32
    %eq3A_1269 = arith.cmpi eq, %convert_element_type3A_1267, %eq3A_1268 : i32
    %jit3A_1270 = arith.constant 1 : i32
    %select_n3A_1271 = arith.select %eq3A_1269, %jit3A_1270, %convert_element_type3A_1267 : i32
    %rem3A_1272 = arith.remsi %select_n3A_1265, %select_n3A_1271 : i32
    %ne3A_1273 = arith.constant 0 : i32
    %ne3A_1274 = arith.cmpi ne, %rem3A_1272, %ne3A_1273 : i32
    %lt3A_1275 = arith.constant 0 : i32
    %lt3A_1276 = arith.cmpi slt, %rem3A_1272, %lt3A_1275 : i32
    %lt3A_1277 = arith.constant 0 : i32
    %lt3A_1278 = arith.cmpi slt, %select_n3A_1271, %lt3A_1277 : i32
    %ne3A_1279 = arith.xori %lt3A_1276, %lt3A_1278 : i1
    %and3A_1280 = arith.andi %ne3A_1279, %ne3A_1274 : i1
    %add3A_1281 = arith.addi %rem3A_1272, %select_n3A_1271 : i32
    %select_n3A_1282 = arith.select %and3A_1280, %add3A_1281, %rem3A_1272 : i32
    %jit3A_1283 = arith.constant 10 : i64
    %convert_element_type3A_1284 = arith.trunci %jit3A_1283 : i64 to i32
    %div3A_1285 = arith.divsi %select_n3A_1265, %convert_element_type3A_1284 : i32
    %sign3A_1286 = arith.constant 0 : i32
    %sign3A_1287 = arith.cmpi sgt, %select_n3A_1265, %sign3A_1286 : i32
    %sign3A_1288 = arith.extui %sign3A_1287 : i1 to i32
    %sign3A_1289 = arith.constant 0 : i32
    %sign3A_1290 = arith.cmpi slt, %select_n3A_1265, %sign3A_1289 : i32
    %sign3A_1291 = arith.extui %sign3A_1290 : i1 to i32
    %sign3A_1292 = arith.subi %sign3A_1288, %sign3A_1291 : i32
    %sign3A_1293 = arith.constant 0 : i32
    %sign3A_1294 = arith.cmpi sgt, %convert_element_type3A_1284, %sign3A_1293 : i32
    %sign3A_1295 = arith.extui %sign3A_1294 : i1 to i32
    %sign3A_1296 = arith.constant 0 : i32
    %sign3A_1297 = arith.cmpi slt, %convert_element_type3A_1284, %sign3A_1296 : i32
    %sign3A_1298 = arith.extui %sign3A_1297 : i1 to i32
    %sign3A_1299 = arith.subi %sign3A_1295, %sign3A_1298 : i32
    %ne3A_1300 = arith.cmpi ne, %sign3A_1292, %sign3A_1299 : i32
    %rem3A_1301 = arith.remsi %select_n3A_1265, %convert_element_type3A_1284 : i32
    %ne3A_1302 = arith.constant 0 : i32
    %ne3A_1303 = arith.cmpi ne, %rem3A_1301, %ne3A_1302 : i32
    %and3A_1304 = arith.andi %ne3A_1300, %ne3A_1303 : i1
    %sub3A_1305 = arith.constant 1 : i32
    %sub3A_1306 = arith.subi %div3A_1285, %sub3A_1305 : i32
    %select_n3A_1307 = arith.select %and3A_1304, %sub3A_1306, %div3A_1285 : i32
    %mul3A_1308 = arith.constant 8 : i32
    %mul3A_1309 = arith.muli %mul3A_1308, %select_n3A_1240 : i32
    %mul3A_1310 = arith.constant 4096 : i32
    %mul3A_1311 = arith.muli %mul3A_1310, %select_n3A_1198 : i32
    %dma_start3A = tpu.memref_slice %arg2[%select_n3A_119, %select_n3A_94, %mul3A_121, %mul3A_123] : memref<2x20x32x16384xi32, #tpu.memory_space<hbm>> -> memref<1x1x8x4096xi32, #tpu.memory_space<hbm>>
    %dma_start3A_1312 = tpu.memref_squeeze %dma_start3A : memref<1x1x8x4096xi32, #tpu.memory_space<hbm>> -> memref<8x4096xi32, #tpu.memory_space<hbm>>
    %dma_start3A_1313 = tpu.memref_slice %arg2[%select_n3A_119, %select_n3A_94, %mul3A_121, %mul3A_123] : memref<2x20x32x16384xi32, #tpu.memory_space<hbm>> -> memref<1x1x8x4096xi32, #tpu.memory_space<hbm>>
    %dma_start3A_1314 = tpu.memref_squeeze %dma_start3A_1313 : memref<1x1x8x4096xi32, #tpu.memory_space<hbm>> -> memref<8x4096xi32, #tpu.memory_space<hbm>>
    tpu.enqueue_dma source(%dma_start3A_1314 : memref<8x4096xi32, #tpu.memory_space<hbm>>) target(%arg4 : memref<8x4096xi32, #tpu.memory_space<vmem>>) target_semaphore(%arg7 : memref<!tpu.dma_semaphore, #tpu.memory_space<semaphore_mem>>)
    %dma_start3A_1315 = tpu.memref_slice %arg2[%select_n3A_251, %select_n3A_226, %mul3A_253, %mul3A_255] : memref<2x20x32x16384xi32, #tpu.memory_space<hbm>> -> memref<1x1x8x4096xi32, #tpu.memory_space<hbm>>
    %dma_start3A_1316 = tpu.memref_squeeze %dma_start3A_1315 : memref<1x1x8x4096xi32, #tpu.memory_space<hbm>> -> memref<8x4096xi32, #tpu.memory_space<hbm>>
    %dma_start3A_1317 = tpu.memref_slice %arg2[%select_n3A_251, %select_n3A_226, %mul3A_253, %mul3A_255] : memref<2x20x32x16384xi32, #tpu.memory_space<hbm>> -> memref<1x1x8x4096xi32, #tpu.memory_space<hbm>>
    %dma_start3A_1318 = tpu.memref_squeeze %dma_start3A_1317 : memref<1x1x8x4096xi32, #tpu.memory_space<hbm>> -> memref<8x4096xi32, #tpu.memory_space<hbm>>
    tpu.enqueue_dma source(%dma_start3A_1318 : memref<8x4096xi32, #tpu.memory_space<hbm>>) target(%arg5 : memref<8x4096xi32, #tpu.memory_space<vmem>>) target_semaphore(%arg8 : memref<!tpu.dma_semaphore, #tpu.memory_space<semaphore_mem>>)
    %dma_start3A_1319 = tpu.memref_slice %arg2[%select_n3A_383, %select_n3A_358, %mul3A_385, %mul3A_387] : memref<2x20x32x16384xi32, #tpu.memory_space<hbm>> -> memref<1x1x8x4096xi32, #tpu.memory_space<hbm>>
    %dma_start3A_1320 = tpu.memref_squeeze %dma_start3A_1319 : memref<1x1x8x4096xi32, #tpu.memory_space<hbm>> -> memref<8x4096xi32, #tpu.memory_space<hbm>>
    %dma_start3A_1321 = tpu.memref_slice %arg2[%select_n3A_383, %select_n3A_358, %mul3A_385, %mul3A_387] : memref<2x20x32x16384xi32, #tpu.memory_space<hbm>> -> memref<1x1x8x4096xi32, #tpu.memory_space<hbm>>
    %dma_start3A_1322 = tpu.memref_squeeze %dma_start3A_1321 : memref<1x1x8x4096xi32, #tpu.memory_space<hbm>> -> memref<8x4096xi32, #tpu.memory_space<hbm>>
    tpu.enqueue_dma source(%dma_start3A_1322 : memref<8x4096xi32, #tpu.memory_space<hbm>>) target(%arg6 : memref<8x4096xi32, #tpu.memory_space<vmem>>) target_semaphore(%arg9 : memref<!tpu.dma_semaphore, #tpu.memory_space<semaphore_mem>>)
    %dma_wait3A = tpu.memref_slice %arg2[%select_n3A_119, %select_n3A_94, %mul3A_121, %mul3A_123] : memref<2x20x32x16384xi32, #tpu.memory_space<hbm>> -> memref<1x1x8x4096xi32, #tpu.memory_space<hbm>>
    %dma_wait3A_1323 = tpu.memref_squeeze %dma_wait3A : memref<1x1x8x4096xi32, #tpu.memory_space<hbm>> -> memref<8x4096xi32, #tpu.memory_space<hbm>>
    %dma_wait3A_1324 = tpu.memref_slice %arg2[%select_n3A_119, %select_n3A_94, %mul3A_121, %mul3A_123] : memref<2x20x32x16384xi32, #tpu.memory_space<hbm>> -> memref<1x1x8x4096xi32, #tpu.memory_space<hbm>>
    %dma_wait3A_1325 = tpu.memref_squeeze %dma_wait3A_1324 : memref<1x1x8x4096xi32, #tpu.memory_space<hbm>> -> memref<8x4096xi32, #tpu.memory_space<hbm>>
    tpu.wait_dma2 semaphore(%arg7 : memref<!tpu.dma_semaphore, #tpu.memory_space<semaphore_mem>>) src(%dma_wait3A_1325 : memref<8x4096xi32, #tpu.memory_space<hbm>>) dst(%arg4 : memref<8x4096xi32, #tpu.memory_space<vmem>>)
    %dma_start3A_1326 = tpu.memref_slice %arg3[%select_n3A_119, %select_n3A_94, %mul3A_121, %mul3A_123] : memref<2x10x32x16384xi32, #tpu.memory_space<hbm>> -> memref<1x1x8x4096xi32, #tpu.memory_space<hbm>>
    %dma_start3A_1327 = tpu.memref_squeeze %dma_start3A_1326 : memref<1x1x8x4096xi32, #tpu.memory_space<hbm>> -> memref<8x4096xi32, #tpu.memory_space<hbm>>
    %dma_start3A_1328 = tpu.memref_slice %arg3[%select_n3A_119, %select_n3A_94, %mul3A_121, %mul3A_123] : memref<2x10x32x16384xi32, #tpu.memory_space<hbm>> -> memref<1x1x8x4096xi32, #tpu.memory_space<hbm>>
    %dma_start3A_1329 = tpu.memref_squeeze %dma_start3A_1328 : memref<1x1x8x4096xi32, #tpu.memory_space<hbm>> -> memref<8x4096xi32, #tpu.memory_space<hbm>>
    tpu.enqueue_dma source(%arg4 : memref<8x4096xi32, #tpu.memory_space<vmem>>) target(%dma_start3A_1329 : memref<8x4096xi32, #tpu.memory_space<hbm>>) target_semaphore(%arg10 : memref<!tpu.dma_semaphore, #tpu.memory_space<semaphore_mem>>)
    %dma_wait3A_1330 = tpu.memref_slice %arg3[%select_n3A_119, %select_n3A_94, %mul3A_121, %mul3A_123] : memref<2x10x32x16384xi32, #tpu.memory_space<hbm>> -> memref<1x1x8x4096xi32, #tpu.memory_space<hbm>>
    %dma_wait3A_1331 = tpu.memref_squeeze %dma_wait3A_1330 : memref<1x1x8x4096xi32, #tpu.memory_space<hbm>> -> memref<8x4096xi32, #tpu.memory_space<hbm>>
    %dma_wait3A_1332 = tpu.memref_slice %arg3[%select_n3A_119, %select_n3A_94, %mul3A_121, %mul3A_123] : memref<2x10x32x16384xi32, #tpu.memory_space<hbm>> -> memref<1x1x8x4096xi32, #tpu.memory_space<hbm>>
    %dma_wait3A_1333 = tpu.memref_squeeze %dma_wait3A_1332 : memref<1x1x8x4096xi32, #tpu.memory_space<hbm>> -> memref<8x4096xi32, #tpu.memory_space<hbm>>
    tpu.wait_dma2 semaphore(%arg10 : memref<!tpu.dma_semaphore, #tpu.memory_space<semaphore_mem>>) src(%arg4 : memref<8x4096xi32, #tpu.memory_space<vmem>>) dst(%dma_wait3A_1333 : memref<8x4096xi32, #tpu.memory_space<hbm>>)
    %dma_start3A_1334 = tpu.memref_slice %arg2[%select_n3A_515, %select_n3A_490, %mul3A_517, %mul3A_519] : memref<2x20x32x16384xi32, #tpu.memory_space<hbm>> -> memref<1x1x8x4096xi32, #tpu.memory_space<hbm>>
    %dma_start3A_1335 = tpu.memref_squeeze %dma_start3A_1334 : memref<1x1x8x4096xi32, #tpu.memory_space<hbm>> -> memref<8x4096xi32, #tpu.memory_space<hbm>>
    %dma_start3A_1336 = tpu.memref_slice %arg2[%select_n3A_515, %select_n3A_490, %mul3A_517, %mul3A_519] : memref<2x20x32x16384xi32, #tpu.memory_space<hbm>> -> memref<1x1x8x4096xi32, #tpu.memory_space<hbm>>
    %dma_start3A_1337 = tpu.memref_squeeze %dma_start3A_1336 : memref<1x1x8x4096xi32, #tpu.memory_space<hbm>> -> memref<8x4096xi32, #tpu.memory_space<hbm>>
    tpu.enqueue_dma source(%dma_start3A_1337 : memref<8x4096xi32, #tpu.memory_space<hbm>>) target(%arg4 : memref<8x4096xi32, #tpu.memory_space<vmem>>) target_semaphore(%arg7 : memref<!tpu.dma_semaphore, #tpu.memory_space<semaphore_mem>>)
    %dma_wait3A_1338 = tpu.memref_slice %arg2[%select_n3A_251, %select_n3A_226, %mul3A_253, %mul3A_255] : memref<2x20x32x16384xi32, #tpu.memory_space<hbm>> -> memref<1x1x8x4096xi32, #tpu.memory_space<hbm>>
    %dma_wait3A_1339 = tpu.memref_squeeze %dma_wait3A_1338 : memref<1x1x8x4096xi32, #tpu.memory_space<hbm>> -> memref<8x4096xi32, #tpu.memory_space<hbm>>
    %dma_wait3A_1340 = tpu.memref_slice %arg2[%select_n3A_251, %select_n3A_226, %mul3A_253, %mul3A_255] : memref<2x20x32x16384xi32, #tpu.memory_space<hbm>> -> memref<1x1x8x4096xi32, #tpu.memory_space<hbm>>
    %dma_wait3A_1341 = tpu.memref_squeeze %dma_wait3A_1340 : memref<1x1x8x4096xi32, #tpu.memory_space<hbm>> -> memref<8x4096xi32, #tpu.memory_space<hbm>>
    tpu.wait_dma2 semaphore(%arg8 : memref<!tpu.dma_semaphore, #tpu.memory_space<semaphore_mem>>) src(%dma_wait3A_1341 : memref<8x4096xi32, #tpu.memory_space<hbm>>) dst(%arg5 : memref<8x4096xi32, #tpu.memory_space<vmem>>)
    %dma_start3A_1342 = tpu.memref_slice %arg3[%select_n3A_251, %select_n3A_226, %mul3A_253, %mul3A_255] : memref<2x10x32x16384xi32, #tpu.memory_space<hbm>> -> memref<1x1x8x4096xi32, #tpu.memory_space<hbm>>
    %dma_start3A_1343 = tpu.memref_squeeze %dma_start3A_1342 : memref<1x1x8x4096xi32, #tpu.memory_space<hbm>> -> memref<8x4096xi32, #tpu.memory_space<hbm>>
    %dma_start3A_1344 = tpu.memref_slice %arg3[%select_n3A_251, %select_n3A_226, %mul3A_253, %mul3A_255] : memref<2x10x32x16384xi32, #tpu.memory_space<hbm>> -> memref<1x1x8x4096xi32, #tpu.memory_space<hbm>>
    %dma_start3A_1345 = tpu.memref_squeeze %dma_start3A_1344 : memref<1x1x8x4096xi32, #tpu.memory_space<hbm>> -> memref<8x4096xi32, #tpu.memory_space<hbm>>
    tpu.enqueue_dma source(%arg5 : memref<8x4096xi32, #tpu.memory_space<vmem>>) target(%dma_start3A_1345 : memref<8x4096xi32, #tpu.memory_space<hbm>>) target_semaphore(%arg11 : memref<!tpu.dma_semaphore, #tpu.memory_space<semaphore_mem>>)
    %dma_wait3A_1346 = tpu.memref_slice %arg3[%select_n3A_251, %select_n3A_226, %mul3A_253, %mul3A_255] : memref<2x10x32x16384xi32, #tpu.memory_space<hbm>> -> memref<1x1x8x4096xi32, #tpu.memory_space<hbm>>
    %dma_wait3A_1347 = tpu.memref_squeeze %dma_wait3A_1346 : memref<1x1x8x4096xi32, #tpu.memory_space<hbm>> -> memref<8x4096xi32, #tpu.memory_space<hbm>>
    %dma_wait3A_1348 = tpu.memref_slice %arg3[%select_n3A_251, %select_n3A_226, %mul3A_253, %mul3A_255] : memref<2x10x32x16384xi32, #tpu.memory_space<hbm>> -> memref<1x1x8x4096xi32, #tpu.memory_space<hbm>>
    %dma_wait3A_1349 = tpu.memref_squeeze %dma_wait3A_1348 : memref<1x1x8x4096xi32, #tpu.memory_space<hbm>> -> memref<8x4096xi32, #tpu.memory_space<hbm>>
    tpu.wait_dma2 semaphore(%arg11 : memref<!tpu.dma_semaphore, #tpu.memory_space<semaphore_mem>>) src(%arg5 : memref<8x4096xi32, #tpu.memory_space<vmem>>) dst(%dma_wait3A_1349 : memref<8x4096xi32, #tpu.memory_space<hbm>>)
    %dma_start3A_1350 = tpu.memref_slice %arg2[%select_n3A_647, %select_n3A_622, %mul3A_649, %mul3A_651] : memref<2x20x32x16384xi32, #tpu.memory_space<hbm>> -> memref<1x1x8x4096xi32, #tpu.memory_space<hbm>>
    %dma_start3A_1351 = tpu.memref_squeeze %dma_start3A_1350 : memref<1x1x8x4096xi32, #tpu.memory_space<hbm>> -> memref<8x4096xi32, #tpu.memory_space<hbm>>
    %dma_start3A_1352 = tpu.memref_slice %arg2[%select_n3A_647, %select_n3A_622, %mul3A_649, %mul3A_651] : memref<2x20x32x16384xi32, #tpu.memory_space<hbm>> -> memref<1x1x8x4096xi32, #tpu.memory_space<hbm>>
    %dma_start3A_1353 = tpu.memref_squeeze %dma_start3A_1352 : memref<1x1x8x4096xi32, #tpu.memory_space<hbm>> -> memref<8x4096xi32, #tpu.memory_space<hbm>>
    tpu.enqueue_dma source(%dma_start3A_1353 : memref<8x4096xi32, #tpu.memory_space<hbm>>) target(%arg5 : memref<8x4096xi32, #tpu.memory_space<vmem>>) target_semaphore(%arg8 : memref<!tpu.dma_semaphore, #tpu.memory_space<semaphore_mem>>)
    %dma_wait3A_1354 = tpu.memref_slice %arg2[%select_n3A_383, %select_n3A_358, %mul3A_385, %mul3A_387] : memref<2x20x32x16384xi32, #tpu.memory_space<hbm>> -> memref<1x1x8x4096xi32, #tpu.memory_space<hbm>>
    %dma_wait3A_1355 = tpu.memref_squeeze %dma_wait3A_1354 : memref<1x1x8x4096xi32, #tpu.memory_space<hbm>> -> memref<8x4096xi32, #tpu.memory_space<hbm>>
    %dma_wait3A_1356 = tpu.memref_slice %arg2[%select_n3A_383, %select_n3A_358, %mul3A_385, %mul3A_387] : memref<2x20x32x16384xi32, #tpu.memory_space<hbm>> -> memref<1x1x8x4096xi32, #tpu.memory_space<hbm>>
    %dma_wait3A_1357 = tpu.memref_squeeze %dma_wait3A_1356 : memref<1x1x8x4096xi32, #tpu.memory_space<hbm>> -> memref<8x4096xi32, #tpu.memory_space<hbm>>
    tpu.wait_dma2 semaphore(%arg9 : memref<!tpu.dma_semaphore, #tpu.memory_space<semaphore_mem>>) src(%dma_wait3A_1357 : memref<8x4096xi32, #tpu.memory_space<hbm>>) dst(%arg6 : memref<8x4096xi32, #tpu.memory_space<vmem>>)
    %dma_start3A_1358 = tpu.memref_slice %arg3[%select_n3A_383, %select_n3A_358, %mul3A_385, %mul3A_387] : memref<2x10x32x16384xi32, #tpu.memory_space<hbm>> -> memref<1x1x8x4096xi32, #tpu.memory_space<hbm>>
    %dma_start3A_1359 = tpu.memref_squeeze %dma_start3A_1358 : memref<1x1x8x4096xi32, #tpu.memory_space<hbm>> -> memref<8x4096xi32, #tpu.memory_space<hbm>>
    %dma_start3A_1360 = tpu.memref_slice %arg3[%select_n3A_383, %select_n3A_358, %mul3A_385, %mul3A_387] : memref<2x10x32x16384xi32, #tpu.memory_space<hbm>> -> memref<1x1x8x4096xi32, #tpu.memory_space<hbm>>
    %dma_start3A_1361 = tpu.memref_squeeze %dma_start3A_1360 : memref<1x1x8x4096xi32, #tpu.memory_space<hbm>> -> memref<8x4096xi32, #tpu.memory_space<hbm>>
    tpu.enqueue_dma source(%arg6 : memref<8x4096xi32, #tpu.memory_space<vmem>>) target(%dma_start3A_1361 : memref<8x4096xi32, #tpu.memory_space<hbm>>) target_semaphore(%arg12 : memref<!tpu.dma_semaphore, #tpu.memory_space<semaphore_mem>>)
    %dma_wait3A_1362 = tpu.memref_slice %arg3[%select_n3A_383, %select_n3A_358, %mul3A_385, %mul3A_387] : memref<2x10x32x16384xi32, #tpu.memory_space<hbm>> -> memref<1x1x8x4096xi32, #tpu.memory_space<hbm>>
    %dma_wait3A_1363 = tpu.memref_squeeze %dma_wait3A_1362 : memref<1x1x8x4096xi32, #tpu.memory_space<hbm>> -> memref<8x4096xi32, #tpu.memory_space<hbm>>
    %dma_wait3A_1364 = tpu.memref_slice %arg3[%select_n3A_383, %select_n3A_358, %mul3A_385, %mul3A_387] : memref<2x10x32x16384xi32, #tpu.memory_space<hbm>> -> memref<1x1x8x4096xi32, #tpu.memory_space<hbm>>
    %dma_wait3A_1365 = tpu.memref_squeeze %dma_wait3A_1364 : memref<1x1x8x4096xi32, #tpu.memory_space<hbm>> -> memref<8x4096xi32, #tpu.memory_space<hbm>>
    tpu.wait_dma2 semaphore(%arg12 : memref<!tpu.dma_semaphore, #tpu.memory_space<semaphore_mem>>) src(%arg6 : memref<8x4096xi32, #tpu.memory_space<vmem>>) dst(%dma_wait3A_1365 : memref<8x4096xi32, #tpu.memory_space<hbm>>)
    %dma_start3A_1366 = tpu.memref_slice %arg2[%select_n3A_779, %select_n3A_754, %mul3A_781, %mul3A_783] : memref<2x20x32x16384xi32, #tpu.memory_space<hbm>> -> memref<1x1x8x4096xi32, #tpu.memory_space<hbm>>
    %dma_start3A_1367 = tpu.memref_squeeze %dma_start3A_1366 : memref<1x1x8x4096xi32, #tpu.memory_space<hbm>> -> memref<8x4096xi32, #tpu.memory_space<hbm>>
    %dma_start3A_1368 = tpu.memref_slice %arg2[%select_n3A_779, %select_n3A_754, %mul3A_781, %mul3A_783] : memref<2x20x32x16384xi32, #tpu.memory_space<hbm>> -> memref<1x1x8x4096xi32, #tpu.memory_space<hbm>>
    %dma_start3A_1369 = tpu.memref_squeeze %dma_start3A_1368 : memref<1x1x8x4096xi32, #tpu.memory_space<hbm>> -> memref<8x4096xi32, #tpu.memory_space<hbm>>
    tpu.enqueue_dma source(%dma_start3A_1369 : memref<8x4096xi32, #tpu.memory_space<hbm>>) target(%arg6 : memref<8x4096xi32, #tpu.memory_space<vmem>>) target_semaphore(%arg9 : memref<!tpu.dma_semaphore, #tpu.memory_space<semaphore_mem>>)
    %dma_wait3A_1370 = tpu.memref_slice %arg2[%select_n3A_515, %select_n3A_490, %mul3A_517, %mul3A_519] : memref<2x20x32x16384xi32, #tpu.memory_space<hbm>> -> memref<1x1x8x4096xi32, #tpu.memory_space<hbm>>
    %dma_wait3A_1371 = tpu.memref_squeeze %dma_wait3A_1370 : memref<1x1x8x4096xi32, #tpu.memory_space<hbm>> -> memref<8x4096xi32, #tpu.memory_space<hbm>>
    %dma_wait3A_1372 = tpu.memref_slice %arg2[%select_n3A_515, %select_n3A_490, %mul3A_517, %mul3A_519] : memref<2x20x32x16384xi32, #tpu.memory_space<hbm>> -> memref<1x1x8x4096xi32, #tpu.memory_space<hbm>>
    %dma_wait3A_1373 = tpu.memref_squeeze %dma_wait3A_1372 : memref<1x1x8x4096xi32, #tpu.memory_space<hbm>> -> memref<8x4096xi32, #tpu.memory_space<hbm>>
    tpu.wait_dma2 semaphore(%arg7 : memref<!tpu.dma_semaphore, #tpu.memory_space<semaphore_mem>>) src(%dma_wait3A_1373 : memref<8x4096xi32, #tpu.memory_space<hbm>>) dst(%arg4 : memref<8x4096xi32, #tpu.memory_space<vmem>>)
    %dma_start3A_1374 = tpu.memref_slice %arg3[%select_n3A_515, %select_n3A_490, %mul3A_517, %mul3A_519] : memref<2x10x32x16384xi32, #tpu.memory_space<hbm>> -> memref<1x1x8x4096xi32, #tpu.memory_space<hbm>>
    %dma_start3A_1375 = tpu.memref_squeeze %dma_start3A_1374 : memref<1x1x8x4096xi32, #tpu.memory_space<hbm>> -> memref<8x4096xi32, #tpu.memory_space<hbm>>
    %dma_start3A_1376 = tpu.memref_slice %arg3[%select_n3A_515, %select_n3A_490, %mul3A_517, %mul3A_519] : memref<2x10x32x16384xi32, #tpu.memory_space<hbm>> -> memref<1x1x8x4096xi32, #tpu.memory_space<hbm>>
    %dma_start3A_1377 = tpu.memref_squeeze %dma_start3A_1376 : memref<1x1x8x4096xi32, #tpu.memory_space<hbm>> -> memref<8x4096xi32, #tpu.memory_space<hbm>>
    tpu.enqueue_dma source(%arg4 : memref<8x4096xi32, #tpu.memory_space<vmem>>) target(%dma_start3A_1377 : memref<8x4096xi32, #tpu.memory_space<hbm>>) target_semaphore(%arg10 : memref<!tpu.dma_semaphore, #tpu.memory_space<semaphore_mem>>)
    %dma_wait3A_1378 = tpu.memref_slice %arg3[%select_n3A_515, %select_n3A_490, %mul3A_517, %mul3A_519] : memref<2x10x32x16384xi32, #tpu.memory_space<hbm>> -> memref<1x1x8x4096xi32, #tpu.memory_space<hbm>>
    %dma_wait3A_1379 = tpu.memref_squeeze %dma_wait3A_1378 : memref<1x1x8x4096xi32, #tpu.memory_space<hbm>> -> memref<8x4096xi32, #tpu.memory_space<hbm>>
    %dma_wait3A_1380 = tpu.memref_slice %arg3[%select_n3A_515, %select_n3A_490, %mul3A_517, %mul3A_519] : memref<2x10x32x16384xi32, #tpu.memory_space<hbm>> -> memref<1x1x8x4096xi32, #tpu.memory_space<hbm>>
    %dma_wait3A_1381 = tpu.memref_squeeze %dma_wait3A_1380 : memref<1x1x8x4096xi32, #tpu.memory_space<hbm>> -> memref<8x4096xi32, #tpu.memory_space<hbm>>
    tpu.wait_dma2 semaphore(%arg10 : memref<!tpu.dma_semaphore, #tpu.memory_space<semaphore_mem>>) src(%arg4 : memref<8x4096xi32, #tpu.memory_space<vmem>>) dst(%dma_wait3A_1381 : memref<8x4096xi32, #tpu.memory_space<hbm>>)
    %dma_start3A_1382 = tpu.memref_slice %arg2[%select_n3A_911, %select_n3A_886, %mul3A_913, %mul3A_915] : memref<2x20x32x16384xi32, #tpu.memory_space<hbm>> -> memref<1x1x8x4096xi32, #tpu.memory_space<hbm>>
    %dma_start3A_1383 = tpu.memref_squeeze %dma_start3A_1382 : memref<1x1x8x4096xi32, #tpu.memory_space<hbm>> -> memref<8x4096xi32, #tpu.memory_space<hbm>>
    %dma_start3A_1384 = tpu.memref_slice %arg2[%select_n3A_911, %select_n3A_886, %mul3A_913, %mul3A_915] : memref<2x20x32x16384xi32, #tpu.memory_space<hbm>> -> memref<1x1x8x4096xi32, #tpu.memory_space<hbm>>
    %dma_start3A_1385 = tpu.memref_squeeze %dma_start3A_1384 : memref<1x1x8x4096xi32, #tpu.memory_space<hbm>> -> memref<8x4096xi32, #tpu.memory_space<hbm>>
    tpu.enqueue_dma source(%dma_start3A_1385 : memref<8x4096xi32, #tpu.memory_space<hbm>>) target(%arg4 : memref<8x4096xi32, #tpu.memory_space<vmem>>) target_semaphore(%arg7 : memref<!tpu.dma_semaphore, #tpu.memory_space<semaphore_mem>>)
    %dma_wait3A_1386 = tpu.memref_slice %arg2[%select_n3A_647, %select_n3A_622, %mul3A_649, %mul3A_651] : memref<2x20x32x16384xi32, #tpu.memory_space<hbm>> -> memref<1x1x8x4096xi32, #tpu.memory_space<hbm>>
    %dma_wait3A_1387 = tpu.memref_squeeze %dma_wait3A_1386 : memref<1x1x8x4096xi32, #tpu.memory_space<hbm>> -> memref<8x4096xi32, #tpu.memory_space<hbm>>
    %dma_wait3A_1388 = tpu.memref_slice %arg2[%select_n3A_647, %select_n3A_622, %mul3A_649, %mul3A_651] : memref<2x20x32x16384xi32, #tpu.memory_space<hbm>> -> memref<1x1x8x4096xi32, #tpu.memory_space<hbm>>
    %dma_wait3A_1389 = tpu.memref_squeeze %dma_wait3A_1388 : memref<1x1x8x4096xi32, #tpu.memory_space<hbm>> -> memref<8x4096xi32, #tpu.memory_space<hbm>>
    tpu.wait_dma2 semaphore(%arg8 : memref<!tpu.dma_semaphore, #tpu.memory_space<semaphore_mem>>) src(%dma_wait3A_1389 : memref<8x4096xi32, #tpu.memory_space<hbm>>) dst(%arg5 : memref<8x4096xi32, #tpu.memory_space<vmem>>)
    %dma_start3A_1390 = tpu.memref_slice %arg3[%select_n3A_647, %select_n3A_622, %mul3A_649, %mul3A_651] : memref<2x10x32x16384xi32, #tpu.memory_space<hbm>> -> memref<1x1x8x4096xi32, #tpu.memory_space<hbm>>
    %dma_start3A_1391 = tpu.memref_squeeze %dma_start3A_1390 : memref<1x1x8x4096xi32, #tpu.memory_space<hbm>> -> memref<8x4096xi32, #tpu.memory_space<hbm>>
    %dma_start3A_1392 = tpu.memref_slice %arg3[%select_n3A_647, %select_n3A_622, %mul3A_649, %mul3A_651] : memref<2x10x32x16384xi32, #tpu.memory_space<hbm>> -> memref<1x1x8x4096xi32, #tpu.memory_space<hbm>>
    %dma_start3A_1393 = tpu.memref_squeeze %dma_start3A_1392 : memref<1x1x8x4096xi32, #tpu.memory_space<hbm>> -> memref<8x4096xi32, #tpu.memory_space<hbm>>
    tpu.enqueue_dma source(%arg5 : memref<8x4096xi32, #tpu.memory_space<vmem>>) target(%dma_start3A_1393 : memref<8x4096xi32, #tpu.memory_space<hbm>>) target_semaphore(%arg11 : memref<!tpu.dma_semaphore, #tpu.memory_space<semaphore_mem>>)
    %dma_wait3A_1394 = tpu.memref_slice %arg3[%select_n3A_647, %select_n3A_622, %mul3A_649, %mul3A_651] : memref<2x10x32x16384xi32, #tpu.memory_space<hbm>> -> memref<1x1x8x4096xi32, #tpu.memory_space<hbm>>
    %dma_wait3A_1395 = tpu.memref_squeeze %dma_wait3A_1394 : memref<1x1x8x4096xi32, #tpu.memory_space<hbm>> -> memref<8x4096xi32, #tpu.memory_space<hbm>>
    %dma_wait3A_1396 = tpu.memref_slice %arg3[%select_n3A_647, %select_n3A_622, %mul3A_649, %mul3A_651] : memref<2x10x32x16384xi32, #tpu.memory_space<hbm>> -> memref<1x1x8x4096xi32, #tpu.memory_space<hbm>>
    %dma_wait3A_1397 = tpu.memref_squeeze %dma_wait3A_1396 : memref<1x1x8x4096xi32, #tpu.memory_space<hbm>> -> memref<8x4096xi32, #tpu.memory_space<hbm>>
    tpu.wait_dma2 semaphore(%arg11 : memref<!tpu.dma_semaphore, #tpu.memory_space<semaphore_mem>>) src(%arg5 : memref<8x4096xi32, #tpu.memory_space<vmem>>) dst(%dma_wait3A_1397 : memref<8x4096xi32, #tpu.memory_space<hbm>>)
    %dma_start3A_1398 = tpu.memref_slice %arg2[%select_n3A_1043, %select_n3A_1018, %mul3A_1045, %mul3A_1047] : memref<2x20x32x16384xi32, #tpu.memory_space<hbm>> -> memref<1x1x8x4096xi32, #tpu.memory_space<hbm>>
    %dma_start3A_1399 = tpu.memref_squeeze %dma_start3A_1398 : memref<1x1x8x4096xi32, #tpu.memory_space<hbm>> -> memref<8x4096xi32, #tpu.memory_space<hbm>>
    %dma_start3A_1400 = tpu.memref_slice %arg2[%select_n3A_1043, %select_n3A_1018, %mul3A_1045, %mul3A_1047] : memref<2x20x32x16384xi32, #tpu.memory_space<hbm>> -> memref<1x1x8x4096xi32, #tpu.memory_space<hbm>>
    %dma_start3A_1401 = tpu.memref_squeeze %dma_start3A_1400 : memref<1x1x8x4096xi32, #tpu.memory_space<hbm>> -> memref<8x4096xi32, #tpu.memory_space<hbm>>
    tpu.enqueue_dma source(%dma_start3A_1401 : memref<8x4096xi32, #tpu.memory_space<hbm>>) target(%arg5 : memref<8x4096xi32, #tpu.memory_space<vmem>>) target_semaphore(%arg8 : memref<!tpu.dma_semaphore, #tpu.memory_space<semaphore_mem>>)
    %dma_wait3A_1402 = tpu.memref_slice %arg2[%select_n3A_779, %select_n3A_754, %mul3A_781, %mul3A_783] : memref<2x20x32x16384xi32, #tpu.memory_space<hbm>> -> memref<1x1x8x4096xi32, #tpu.memory_space<hbm>>
    %dma_wait3A_1403 = tpu.memref_squeeze %dma_wait3A_1402 : memref<1x1x8x4096xi32, #tpu.memory_space<hbm>> -> memref<8x4096xi32, #tpu.memory_space<hbm>>
    %dma_wait3A_1404 = tpu.memref_slice %arg2[%select_n3A_779, %select_n3A_754, %mul3A_781, %mul3A_783] : memref<2x20x32x16384xi32, #tpu.memory_space<hbm>> -> memref<1x1x8x4096xi32, #tpu.memory_space<hbm>>
    %dma_wait3A_1405 = tpu.memref_squeeze %dma_wait3A_1404 : memref<1x1x8x4096xi32, #tpu.memory_space<hbm>> -> memref<8x4096xi32, #tpu.memory_space<hbm>>
    tpu.wait_dma2 semaphore(%arg9 : memref<!tpu.dma_semaphore, #tpu.memory_space<semaphore_mem>>) src(%dma_wait3A_1405 : memref<8x4096xi32, #tpu.memory_space<hbm>>) dst(%arg6 : memref<8x4096xi32, #tpu.memory_space<vmem>>)
    %dma_start3A_1406 = tpu.memref_slice %arg3[%select_n3A_779, %select_n3A_754, %mul3A_781, %mul3A_783] : memref<2x10x32x16384xi32, #tpu.memory_space<hbm>> -> memref<1x1x8x4096xi32, #tpu.memory_space<hbm>>
    %dma_start3A_1407 = tpu.memref_squeeze %dma_start3A_1406 : memref<1x1x8x4096xi32, #tpu.memory_space<hbm>> -> memref<8x4096xi32, #tpu.memory_space<hbm>>
    %dma_start3A_1408 = tpu.memref_slice %arg3[%select_n3A_779, %select_n3A_754, %mul3A_781, %mul3A_783] : memref<2x10x32x16384xi32, #tpu.memory_space<hbm>> -> memref<1x1x8x4096xi32, #tpu.memory_space<hbm>>
    %dma_start3A_1409 = tpu.memref_squeeze %dma_start3A_1408 : memref<1x1x8x4096xi32, #tpu.memory_space<hbm>> -> memref<8x4096xi32, #tpu.memory_space<hbm>>
    tpu.enqueue_dma source(%arg6 : memref<8x4096xi32, #tpu.memory_space<vmem>>) target(%dma_start3A_1409 : memref<8x4096xi32, #tpu.memory_space<hbm>>) target_semaphore(%arg12 : memref<!tpu.dma_semaphore, #tpu.memory_space<semaphore_mem>>)
    %dma_wait3A_1410 = tpu.memref_slice %arg3[%select_n3A_779, %select_n3A_754, %mul3A_781, %mul3A_783] : memref<2x10x32x16384xi32, #tpu.memory_space<hbm>> -> memref<1x1x8x4096xi32, #tpu.memory_space<hbm>>
    %dma_wait3A_1411 = tpu.memref_squeeze %dma_wait3A_1410 : memref<1x1x8x4096xi32, #tpu.memory_space<hbm>> -> memref<8x4096xi32, #tpu.memory_space<hbm>>
    %dma_wait3A_1412 = tpu.memref_slice %arg3[%select_n3A_779, %select_n3A_754, %mul3A_781, %mul3A_783] : memref<2x10x32x16384xi32, #tpu.memory_space<hbm>> -> memref<1x1x8x4096xi32, #tpu.memory_space<hbm>>
    %dma_wait3A_1413 = tpu.memref_squeeze %dma_wait3A_1412 : memref<1x1x8x4096xi32, #tpu.memory_space<hbm>> -> memref<8x4096xi32, #tpu.memory_space<hbm>>
    tpu.wait_dma2 semaphore(%arg12 : memref<!tpu.dma_semaphore, #tpu.memory_space<semaphore_mem>>) src(%arg6 : memref<8x4096xi32, #tpu.memory_space<vmem>>) dst(%dma_wait3A_1413 : memref<8x4096xi32, #tpu.memory_space<hbm>>)
    %dma_start3A_1414 = tpu.memref_slice %arg2[%select_n3A_1175, %select_n3A_1150, %mul3A_1177, %mul3A_1179] : memref<2x20x32x16384xi32, #tpu.memory_space<hbm>> -> memref<1x1x8x4096xi32, #tpu.memory_space<hbm>>
    %dma_start3A_1415 = tpu.memref_squeeze %dma_start3A_1414 : memref<1x1x8x4096xi32, #tpu.memory_space<hbm>> -> memref<8x4096xi32, #tpu.memory_space<hbm>>
    %dma_start3A_1416 = tpu.memref_slice %arg2[%select_n3A_1175, %select_n3A_1150, %mul3A_1177, %mul3A_1179] : memref<2x20x32x16384xi32, #tpu.memory_space<hbm>> -> memref<1x1x8x4096xi32, #tpu.memory_space<hbm>>
    %dma_start3A_1417 = tpu.memref_squeeze %dma_start3A_1416 : memref<1x1x8x4096xi32, #tpu.memory_space<hbm>> -> memref<8x4096xi32, #tpu.memory_space<hbm>>
    tpu.enqueue_dma source(%dma_start3A_1417 : memref<8x4096xi32, #tpu.memory_space<hbm>>) target(%arg6 : memref<8x4096xi32, #tpu.memory_space<vmem>>) target_semaphore(%arg9 : memref<!tpu.dma_semaphore, #tpu.memory_space<semaphore_mem>>)
    %dma_wait3A_1418 = tpu.memref_slice %arg2[%select_n3A_911, %select_n3A_886, %mul3A_913, %mul3A_915] : memref<2x20x32x16384xi32, #tpu.memory_space<hbm>> -> memref<1x1x8x4096xi32, #tpu.memory_space<hbm>>
    %dma_wait3A_1419 = tpu.memref_squeeze %dma_wait3A_1418 : memref<1x1x8x4096xi32, #tpu.memory_space<hbm>> -> memref<8x4096xi32, #tpu.memory_space<hbm>>
    %dma_wait3A_1420 = tpu.memref_slice %arg2[%select_n3A_911, %select_n3A_886, %mul3A_913, %mul3A_915] : memref<2x20x32x16384xi32, #tpu.memory_space<hbm>> -> memref<1x1x8x4096xi32, #tpu.memory_space<hbm>>
    %dma_wait3A_1421 = tpu.memref_squeeze %dma_wait3A_1420 : memref<1x1x8x4096xi32, #tpu.memory_space<hbm>> -> memref<8x4096xi32, #tpu.memory_space<hbm>>
    tpu.wait_dma2 semaphore(%arg7 : memref<!tpu.dma_semaphore, #tpu.memory_space<semaphore_mem>>) src(%dma_wait3A_1421 : memref<8x4096xi32, #tpu.memory_space<hbm>>) dst(%arg4 : memref<8x4096xi32, #tpu.memory_space<vmem>>)
    %dma_start3A_1422 = tpu.memref_slice %arg3[%select_n3A_911, %select_n3A_886, %mul3A_913, %mul3A_915] : memref<2x10x32x16384xi32, #tpu.memory_space<hbm>> -> memref<1x1x8x4096xi32, #tpu.memory_space<hbm>>
    %dma_start3A_1423 = tpu.memref_squeeze %dma_start3A_1422 : memref<1x1x8x4096xi32, #tpu.memory_space<hbm>> -> memref<8x4096xi32, #tpu.memory_space<hbm>>
    %dma_start3A_1424 = tpu.memref_slice %arg3[%select_n3A_911, %select_n3A_886, %mul3A_913, %mul3A_915] : memref<2x10x32x16384xi32, #tpu.memory_space<hbm>> -> memref<1x1x8x4096xi32, #tpu.memory_space<hbm>>
    %dma_start3A_1425 = tpu.memref_squeeze %dma_start3A_1424 : memref<1x1x8x4096xi32, #tpu.memory_space<hbm>> -> memref<8x4096xi32, #tpu.memory_space<hbm>>
    tpu.enqueue_dma source(%arg4 : memref<8x4096xi32, #tpu.memory_space<vmem>>) target(%dma_start3A_1425 : memref<8x4096xi32, #tpu.memory_space<hbm>>) target_semaphore(%arg10 : memref<!tpu.dma_semaphore, #tpu.memory_space<semaphore_mem>>)
    %dma_wait3A_1426 = tpu.memref_slice %arg3[%select_n3A_911, %select_n3A_886, %mul3A_913, %mul3A_915] : memref<2x10x32x16384xi32, #tpu.memory_space<hbm>> -> memref<1x1x8x4096xi32, #tpu.memory_space<hbm>>
    %dma_wait3A_1427 = tpu.memref_squeeze %dma_wait3A_1426 : memref<1x1x8x4096xi32, #tpu.memory_space<hbm>> -> memref<8x4096xi32, #tpu.memory_space<hbm>>
    %dma_wait3A_1428 = tpu.memref_slice %arg3[%select_n3A_911, %select_n3A_886, %mul3A_913, %mul3A_915] : memref<2x10x32x16384xi32, #tpu.memory_space<hbm>> -> memref<1x1x8x4096xi32, #tpu.memory_space<hbm>>
    %dma_wait3A_1429 = tpu.memref_squeeze %dma_wait3A_1428 : memref<1x1x8x4096xi32, #tpu.memory_space<hbm>> -> memref<8x4096xi32, #tpu.memory_space<hbm>>
    tpu.wait_dma2 semaphore(%arg10 : memref<!tpu.dma_semaphore, #tpu.memory_space<semaphore_mem>>) src(%arg4 : memref<8x4096xi32, #tpu.memory_space<vmem>>) dst(%dma_wait3A_1429 : memref<8x4096xi32, #tpu.memory_space<hbm>>)
    %dma_start3A_1430 = tpu.memref_slice %arg2[%select_n3A_1307, %select_n3A_1282, %mul3A_1309, %mul3A_1311] : memref<2x20x32x16384xi32, #tpu.memory_space<hbm>> -> memref<1x1x8x4096xi32, #tpu.memory_space<hbm>>
    %dma_start3A_1431 = tpu.memref_squeeze %dma_start3A_1430 : memref<1x1x8x4096xi32, #tpu.memory_space<hbm>> -> memref<8x4096xi32, #tpu.memory_space<hbm>>
    %dma_start3A_1432 = tpu.memref_slice %arg2[%select_n3A_1307, %select_n3A_1282, %mul3A_1309, %mul3A_1311] : memref<2x20x32x16384xi32, #tpu.memory_space<hbm>> -> memref<1x1x8x4096xi32, #tpu.memory_space<hbm>>
    %dma_start3A_1433 = tpu.memref_squeeze %dma_start3A_1432 : memref<1x1x8x4096xi32, #tpu.memory_space<hbm>> -> memref<8x4096xi32, #tpu.memory_space<hbm>>
    tpu.enqueue_dma source(%dma_start3A_1433 : memref<8x4096xi32, #tpu.memory_space<hbm>>) target(%arg4 : memref<8x4096xi32, #tpu.memory_space<vmem>>) target_semaphore(%arg7 : memref<!tpu.dma_semaphore, #tpu.memory_space<semaphore_mem>>)
    %dma_wait3A_1434 = tpu.memref_slice %arg2[%select_n3A_1043, %select_n3A_1018, %mul3A_1045, %mul3A_1047] : memref<2x20x32x16384xi32, #tpu.memory_space<hbm>> -> memref<1x1x8x4096xi32, #tpu.memory_space<hbm>>
    %dma_wait3A_1435 = tpu.memref_squeeze %dma_wait3A_1434 : memref<1x1x8x4096xi32, #tpu.memory_space<hbm>> -> memref<8x4096xi32, #tpu.memory_space<hbm>>
    %dma_wait3A_1436 = tpu.memref_slice %arg2[%select_n3A_1043, %select_n3A_1018, %mul3A_1045, %mul3A_1047] : memref<2x20x32x16384xi32, #tpu.memory_space<hbm>> -> memref<1x1x8x4096xi32, #tpu.memory_space<hbm>>
    %dma_wait3A_1437 = tpu.memref_squeeze %dma_wait3A_1436 : memref<1x1x8x4096xi32, #tpu.memory_space<hbm>> -> memref<8x4096xi32, #tpu.memory_space<hbm>>
    tpu.wait_dma2 semaphore(%arg8 : memref<!tpu.dma_semaphore, #tpu.memory_space<semaphore_mem>>) src(%dma_wait3A_1437 : memref<8x4096xi32, #tpu.memory_space<hbm>>) dst(%arg5 : memref<8x4096xi32, #tpu.memory_space<vmem>>)
    %dma_start3A_1438 = tpu.memref_slice %arg3[%select_n3A_1043, %select_n3A_1018, %mul3A_1045, %mul3A_1047] : memref<2x10x32x16384xi32, #tpu.memory_space<hbm>> -> memref<1x1x8x4096xi32, #tpu.memory_space<hbm>>
    %dma_start3A_1439 = tpu.memref_squeeze %dma_start3A_1438 : memref<1x1x8x4096xi32, #tpu.memory_space<hbm>> -> memref<8x4096xi32, #tpu.memory_space<hbm>>
    %dma_start3A_1440 = tpu.memref_slice %arg3[%select_n3A_1043, %select_n3A_1018, %mul3A_1045, %mul3A_1047] : memref<2x10x32x16384xi32, #tpu.memory_space<hbm>> -> memref<1x1x8x4096xi32, #tpu.memory_space<hbm>>
    %dma_start3A_1441 = tpu.memref_squeeze %dma_start3A_1440 : memref<1x1x8x4096xi32, #tpu.memory_space<hbm>> -> memref<8x4096xi32, #tpu.memory_space<hbm>>
    tpu.enqueue_dma source(%arg5 : memref<8x4096xi32, #tpu.memory_space<vmem>>) target(%dma_start3A_1441 : memref<8x4096xi32, #tpu.memory_space<hbm>>) target_semaphore(%arg11 : memref<!tpu.dma_semaphore, #tpu.memory_space<semaphore_mem>>)
    %dma_wait3A_1442 = tpu.memref_slice %arg2[%select_n3A_1175, %select_n3A_1150, %mul3A_1177, %mul3A_1179] : memref<2x20x32x16384xi32, #tpu.memory_space<hbm>> -> memref<1x1x8x4096xi32, #tpu.memory_space<hbm>>
    %dma_wait3A_1443 = tpu.memref_squeeze %dma_wait3A_1442 : memref<1x1x8x4096xi32, #tpu.memory_space<hbm>> -> memref<8x4096xi32, #tpu.memory_space<hbm>>
    %dma_wait3A_1444 = tpu.memref_slice %arg2[%select_n3A_1175, %select_n3A_1150, %mul3A_1177, %mul3A_1179] : memref<2x20x32x16384xi32, #tpu.memory_space<hbm>> -> memref<1x1x8x4096xi32, #tpu.memory_space<hbm>>
    %dma_wait3A_1445 = tpu.memref_squeeze %dma_wait3A_1444 : memref<1x1x8x4096xi32, #tpu.memory_space<hbm>> -> memref<8x4096xi32, #tpu.memory_space<hbm>>
    tpu.wait_dma2 semaphore(%arg9 : memref<!tpu.dma_semaphore, #tpu.memory_space<semaphore_mem>>) src(%dma_wait3A_1445 : memref<8x4096xi32, #tpu.memory_space<hbm>>) dst(%arg6 : memref<8x4096xi32, #tpu.memory_space<vmem>>)
    %dma_start3A_1446 = tpu.memref_slice %arg3[%select_n3A_1175, %select_n3A_1150, %mul3A_1177, %mul3A_1179] : memref<2x10x32x16384xi32, #tpu.memory_space<hbm>> -> memref<1x1x8x4096xi32, #tpu.memory_space<hbm>>
    %dma_start3A_1447 = tpu.memref_squeeze %dma_start3A_1446 : memref<1x1x8x4096xi32, #tpu.memory_space<hbm>> -> memref<8x4096xi32, #tpu.memory_space<hbm>>
    %dma_start3A_1448 = tpu.memref_slice %arg3[%select_n3A_1175, %select_n3A_1150, %mul3A_1177, %mul3A_1179] : memref<2x10x32x16384xi32, #tpu.memory_space<hbm>> -> memref<1x1x8x4096xi32, #tpu.memory_space<hbm>>
    %dma_start3A_1449 = tpu.memref_squeeze %dma_start3A_1448 : memref<1x1x8x4096xi32, #tpu.memory_space<hbm>> -> memref<8x4096xi32, #tpu.memory_space<hbm>>
    tpu.enqueue_dma source(%arg6 : memref<8x4096xi32, #tpu.memory_space<vmem>>) target(%dma_start3A_1449 : memref<8x4096xi32, #tpu.memory_space<hbm>>) target_semaphore(%arg12 : memref<!tpu.dma_semaphore, #tpu.memory_space<semaphore_mem>>)
    %dma_wait3A_1450 = tpu.memref_slice %arg2[%select_n3A_1307, %select_n3A_1282, %mul3A_1309, %mul3A_1311] : memref<2x20x32x16384xi32, #tpu.memory_space<hbm>> -> memref<1x1x8x4096xi32, #tpu.memory_space<hbm>>
    %dma_wait3A_1451 = tpu.memref_squeeze %dma_wait3A_1450 : memref<1x1x8x4096xi32, #tpu.memory_space<hbm>> -> memref<8x4096xi32, #tpu.memory_space<hbm>>
    %dma_wait3A_1452 = tpu.memref_slice %arg2[%select_n3A_1307, %select_n3A_1282, %mul3A_1309, %mul3A_1311] : memref<2x20x32x16384xi32, #tpu.memory_space<hbm>> -> memref<1x1x8x4096xi32, #tpu.memory_space<hbm>>
    %dma_wait3A_1453 = tpu.memref_squeeze %dma_wait3A_1452 : memref<1x1x8x4096xi32, #tpu.memory_space<hbm>> -> memref<8x4096xi32, #tpu.memory_space<hbm>>
    tpu.wait_dma2 semaphore(%arg7 : memref<!tpu.dma_semaphore, #tpu.memory_space<semaphore_mem>>) src(%dma_wait3A_1453 : memref<8x4096xi32, #tpu.memory_space<hbm>>) dst(%arg4 : memref<8x4096xi32, #tpu.memory_space<vmem>>)
    %dma_start3A_1454 = tpu.memref_slice %arg3[%select_n3A_1307, %select_n3A_1282, %mul3A_1309, %mul3A_1311] : memref<2x10x32x16384xi32, #tpu.memory_space<hbm>> -> memref<1x1x8x4096xi32, #tpu.memory_space<hbm>>
    %dma_start3A_1455 = tpu.memref_squeeze %dma_start3A_1454 : memref<1x1x8x4096xi32, #tpu.memory_space<hbm>> -> memref<8x4096xi32, #tpu.memory_space<hbm>>
    %dma_start3A_1456 = tpu.memref_slice %arg3[%select_n3A_1307, %select_n3A_1282, %mul3A_1309, %mul3A_1311] : memref<2x10x32x16384xi32, #tpu.memory_space<hbm>> -> memref<1x1x8x4096xi32, #tpu.memory_space<hbm>>
    %dma_start3A_1457 = tpu.memref_squeeze %dma_start3A_1456 : memref<1x1x8x4096xi32, #tpu.memory_space<hbm>> -> memref<8x4096xi32, #tpu.memory_space<hbm>>
    tpu.enqueue_dma source(%arg4 : memref<8x4096xi32, #tpu.memory_space<vmem>>) target(%dma_start3A_1457 : memref<8x4096xi32, #tpu.memory_space<hbm>>) target_semaphore(%arg10 : memref<!tpu.dma_semaphore, #tpu.memory_space<semaphore_mem>>)
    %dma_wait3A_1458 = tpu.memref_slice %arg3[%select_n3A_1307, %select_n3A_1282, %mul3A_1309, %mul3A_1311] : memref<2x10x32x16384xi32, #tpu.memory_space<hbm>> -> memref<1x1x8x4096xi32, #tpu.memory_space<hbm>>
    %dma_wait3A_1459 = tpu.memref_squeeze %dma_wait3A_1458 : memref<1x1x8x4096xi32, #tpu.memory_space<hbm>> -> memref<8x4096xi32, #tpu.memory_space<hbm>>
    %dma_wait3A_1460 = tpu.memref_slice %arg3[%select_n3A_1307, %select_n3A_1282, %mul3A_1309, %mul3A_1311] : memref<2x10x32x16384xi32, #tpu.memory_space<hbm>> -> memref<1x1x8x4096xi32, #tpu.memory_space<hbm>>
    %dma_wait3A_1461 = tpu.memref_squeeze %dma_wait3A_1460 : memref<1x1x8x4096xi32, #tpu.memory_space<hbm>> -> memref<8x4096xi32, #tpu.memory_space<hbm>>
    tpu.wait_dma2 semaphore(%arg10 : memref<!tpu.dma_semaphore, #tpu.memory_space<semaphore_mem>>) src(%arg4 : memref<8x4096xi32, #tpu.memory_space<vmem>>) dst(%dma_wait3A_1461 : memref<8x4096xi32, #tpu.memory_space<hbm>>)
    return
  }
}

</mosaic_0001>

<sc_bundles>
// kernel: kernel.4.cloned.1.call-start
scs
__scs_entry_jumppad:
0x0: {  	(pc) =	sbr.rel $0x88, $3  }
0x1: {  	(tag) =	ssettag $0x0;
	lr =	simm.s32 $0x1  }
0x2: {  	[smem:$0x3FA0] =	sst lr;
	_ =	strace $0xD0000000  }
0x3: {  	_ = 	snop  }
0x4: {  	_ = 	snop  }
0x5: {  	_ = 	snop  }
0x6: {  	_ = 	snop  }
0x7: {  	_ = 	snop  }
__scs_overlays_trampoline_lowered:
0x8: {  	[smem:$0x3FAF] =	sst s0  }
0x9: {  	[smem:$0x3FB0] =	sst s1  }
0xa: {  	[smem:$0x3FB1] =	sst s2  }
0xb: {  	[smem:$0x3FB2] =	sst s3  }
0xc: {  	[smem:$0x3FB3] =	sst s4  }
0xd: {  	[smem:$0x3FB4] =	sst s5  }
0xe: {  	[smem:$0x3FB5] =	sst s6  }
0xf: {  	[smem:$0x3FB6] =	sst s7  }
0x10: {  	[smem:$0x3FB7] =	sst s8  }
0x11: {  	[smem:$0x3FB8] =	sst s9;
	s0 =	simm.s32 @!p0 $0x0  }
0x12: {  	s1 =	sld [smem:$0x3F9E];
	s0 =	simm.s32 @p0 $0x1  }
0x13: {  	[smem:$0x3FB9] =	sst s0;
	s0 =	simm.s32 @!p1 $0x0  }
0x14: {  	s2 =	sld [smem:$0x3F9D];
	s0 =	simm.s32 @p1 $0x1  }
0x15: {  	[smem:$0x3FBA] =	sst s0;
	s0 =	simm.s32 @!p2 $0x0  }
0x16: {  	s3 =	sld [smem:$0x3FDB];
	s0 =	simm.s32 @p2 $0x1  }
0x17: {  	s4 =	simm.s32 $0x1BF5;
	[smem:$0x3FBC] =	sst s0  }
0x18: {  	s0 =	sld [smem:$0x3F9F];
	_ =	swait.ge [sflag:s4], $0x0  }
0x19: {  	s7 =	sld [smem:$0x3FA0]  }
0x1a: {  	s8 =	sadd.s32 $0xFFFFE003, lr  }
0x1b: {  	s9 =	sadd.s32 $0xFFFFFEF7, lr;
	s5 =	simm.s32 $0xFFFFFFFF;
	p2 =	slt.u32 s8, $0xFFFFF086  }
0x1c: {  	p1 =	slt.u32 s9, $0xF7A;
	s5 =	simm.s32 @!p2 $0x0  }
0x1d: {  	s5 =	simm.s32 @p1 $0x1;
	p0 =	seq.s32 s7, s2  }
0x1e: {  	s7 =	smul.u32 @!p0 $0xF7A, s2;
	p2 =	seq.s32 @!p0 s5, $0x0  }
0x1f: {  	s9 =	smul.u32 $0xF7A, s1;
	s8 =	simm.s32 @!p0 $0x1BF5;
	p2 =	por !p2, p0  }
0x20: {  	[sflag:s8] =	ssyncset.s32 @!p0 $0xFFFFF086;
	s6 =	sadd.s32 @!p0 s3, s7;
	s7 =	simm.s32 @!p0 $0x108  }
0x21: {  	s3 =	sadd.s32 s3, s9;
	s6 =	sadd.s32 @!p0 $0x88, s6;
	s7 =	simm.s32 @p2 $0x1082  }
0x22: {  	[simem:s7], [sflag:s8] =	dma.local @!p0 [hbm:s6], $0xF7A  }
0x23: {  	s9 =	sor.u32 $0xD0000000, s2;
	s6 =	simm.s32 $0x108;
	_ =	swait.ge @!p0 [sflag:s8], $0x0  }
0x24: {  	s3 =	sadd.s32 $0x88, s3;
	s6 =	simm.s32 @!p1 $0x1082;
	[sflag:s4] =	ssyncset.s32 $0xFFFFF086  }
0x25: {  	[simem:s6], [sflag:s4] =	dma.local [hbm:s3], $0xF7A  }
0x26: {  	[smem:$0x3FA0] =	sst s1;
	(tag) =	ssettag s2;
	_ =	strace s9  }
0x27: {  	s1 =	sld [smem:$0x3FB0]  }
0x28: {  	s2 =	sld [smem:$0x3FB1]  }
0x29: {  	s4 =	sld [smem:$0x3FB3]  }
0x2a: {  	p0 =	seq.s32 s5, $0x0;
	s5 =	sld [smem:$0x3FB4]  }
0x2b: {  	s6 =	sld [smem:$0x3FB5]  }
0x2c: {  	s7 =	sld [smem:$0x3FB6]  }
0x2d: {  	s3 =	simm.s32 $0x108;
	s8 =	sld [smem:$0x3FB7]  }
0x2e: {  	s3 =	simm.s32 @!p0 $0x1082;
	s9 =	sld [smem:$0x3FB8]  }
0x2f: {  	lr =	sadd.s32 s0, s3;
	s0 =	sld [smem:$0x3FAF]  }
0x30: {  	s3 =	sld [smem:$0x3FB2]  }
0x31: {  	[smem:$0x3FBB] =	sst s10  }
0x32: {  	s10 =	sld [smem:$0x3FB9];
	_ =	sdelay $0x3  }
0x33: {  	p0 =	seq.s32 s10, $0x1;
	s10 =	sld [smem:$0x3FBB];
	_ =	sdelay $0x3  }
0x34: {  	[smem:$0x3FBB] =	sst s10  }
0x35: {  	s10 =	sld [smem:$0x3FBA];
	_ =	sdelay $0x3  }
0x36: {  	p1 =	seq.s32 s10, $0x1;
	s10 =	sld [smem:$0x3FBB];
	_ =	sdelay $0x3  }
0x37: {  	[smem:$0x3FBB] =	sst s10  }
0x38: {  	s10 =	sld [smem:$0x3FBC]  }
0x39: {  	_ = 	snop;
	(pc) =	sbr.ind lr, $3  }
0x3a: {  	_ = 	snop  }
0x3b: {  	_ = 	snop  }
0x3c: {  	p2 =	seq.s32 s10, $0x1;
	s10 =	sld [smem:$0x3FBB]  }
0x3d: {  	_ =	shalt  }
0x3e: {  	_ =	shalt  }
0x3f: {  	_ =	shalt  }
0x40: {  	_ =	shalt  }
0x41: {  	_ =	shalt  }
0x42: {  	_ =	shalt  }
0x43: {  	_ =	shalt  }
0x44: {  	_ =	shalt  }
0x45: {  	_ =	shalt  }
0x46: {  	_ =	shalt  }
0x47: {  	_ =	shalt  }
0x48: {  	_ =	shalt  }
0x49: {  	_ =	shalt  }
0x4a: {  	_ =	shalt  }
0x4b: {  	_ =	shalt  }
0x4c: {  	_ =	shalt  }
0x4d: {  	_ =	shalt  }
0x4e: {  	_ =	shalt  }
0x4f: {  	_ =	shalt  }
0x50: {  	_ =	shalt  }
0x51: {  	_ =	shalt  }
0x52: {  	_ =	shalt  }
0x53: {  	_ =	shalt  }
0x54: {  	_ =	shalt  }
0x55: {  	_ =	shalt  }
0x56: {  	_ =	shalt  }
0x57: {  	_ =	shalt  }
0x58: {  	_ =	shalt  }
0x59: {  	_ =	shalt  }
0x5a: {  	_ =	shalt  }
0x5b: {  	_ =	shalt  }
0x5c: {  	_ =	shalt  }
0x5d: {  	_ =	shalt  }
0x5e: {  	_ =	shalt  }
0x5f: {  	_ =	shalt  }
0x60: {  	_ =	shalt  }
0x61: {  	_ =	shalt  }
0x62: {  	_ =	shalt  }
0x63: {  	_ =	shalt  }
0x64: {  	_ =	shalt  }
0x65: {  	_ =	shalt  }
0x66: {  	_ =	shalt  }
0x67: {  	_ =	shalt  }
0x68: {  	_ =	shalt  }
0x69: {  	_ =	shalt  }
0x6a: {  	_ =	shalt  }
0x6b: {  	_ =	shalt  }
0x6c: {  	_ =	shalt  }
0x6d: {  	_ =	shalt  }
0x6e: {  	_ =	shalt  }
0x6f: {  	_ =	shalt  }
0x70: {  	_ =	shalt  }
0x71: {  	_ =	shalt  }
0x72: {  	_ =	shalt  }
0x73: {  	_ =	shalt  }
0x74: {  	_ =	shalt  }
0x75: {  	_ =	shalt  }
0x76: {  	_ =	shalt  }
0x77: {  	_ =	shalt  }
0x78: {  	_ =	shalt  }
0x79: {  	_ =	shalt  }
0x7a: {  	_ =	shalt  }
0x7b: {  	_ =	shalt  }
0x7c: {  	_ =	shalt  }
0x7d: {  	_ =	shalt  }
0x7e: {  	_ =	shalt  }
0x7f: {  	_ =	shalt  }
0x80: {  	_ =	shalt  }
0x81: {  	_ =	shalt  }
0x82: {  	_ =	shalt  }
0x83: {  	_ =	shalt  }
0x84: {  	_ =	shalt  }
0x85: {  	_ =	shalt  }
0x86: {  	_ =	shalt  }
0x87: {  	_ =	shalt  }
.Lfunc_end0:
.L_simem_size_0:
called_computation_lowered:
.L_overlay_start_0:
0x88: {  	s2 =	sld [smem:$0x3FD9]  }
0x89: {  	s3 =	sld [smem:$0x3FFE];
	_ =	sdelay $0x1  }
0x8a: {  	s1 =	srdreg.scid  }
0x8b: {  	s0 =	sand.u32 $0x1, s1  }
0x8c: {  	s17 =	sshll.u32 s0, $0xA;
	s2 =	sadd.s32 s3, s2  }
0x8d: {  	s2 =	sadd.s32 s2, s17  }
0x8e: {  	[smem:$0x3FC7] =	sst s2  }
0x8f: {  	_ = 	snop  }
0x90: {  	s2 =	sld [smem:$0x3FD0];
	(tm) =	ssettm $0x1  }
0x91: {  	s18 =	sld [smem:$0x3FFB];
	_ =	sdelay $0x3  }
0x92: {  	_ =	strace s18  }
0x93: {  	s3 =	sld [smem:$0x3FFC];
	_ =	sdelay $0x3  }
0x94: {  	_ =	strace s3  }
0x95: {  	s3 =	sld [smem:$0x3FFD];
	_ =	sdelay $0x3  }
0x96: {  	_ =	strace s3  }
0x97: {  	_ =	strace $0x8FFFFFFF  }
0x98: {  	s19 =	sld [smem:$0x3FDB];
	_ =	sdelay $0x1  }
0x99: {  	s4 =	simm.s32 $_scs_section_size  }
0x9a: {  	s5 =	simm.s32 $_size__tile_overlayer_lowered;
	s6 =	simm.s32 $_tile_overlayer_lowered  }
0x9b: {  	s22 =	simm.s32 $0x1BFF;
	s21 =	sshll.u32 s6, $0x1;
	s3 =	sadd.s32 s4, s19  }
0x9c: {  	s7 =	simm.s32 $0x0;
	s20 =	sshll.u32 s5, $0x1;
	s5 =	sadd.s32 s21, s3  }
0x9d: {  	[timem:s7], [sflag:s22] =	dma.local [hbm:s5], s20  }
0x9e: {  	_ =	swait.ge [sflag:s22], s20  }
0x9f: {  	s4 =	ssub.s32 $0x0, s20;
	[sflag:s22] =	ssyncset.done $0x0  }
0xa0: {  	[sflag:s22] =	ssyncadd.s32 s4;
	_ =	sdelay $0x1  }
0xa1: {  	s23 =	simm.s32 $0x1B8B  }
0xa2: {  	_ =	swait.ge [sflag:s23], $0x1  }
0xa3: {  	[sflag:s23] =	ssyncset.done $0x0  }
0xa4: {  	s25 =	simm.s32 $0x1B8E;
	s24 =	sld [smem:$0x3FFE];
	[sflag:s23] =	ssyncadd.s32 $0xFFFFFFFF  }
0xa5: {  	s26 =	simm.s32 $execute0_lowered;
	[smem:$0x3FD2] =	sst s25  }
0xa6: {  	s5 =	sshll.u32 s26, $0x1;
	_ =	strace $0x80000046;
	[dreg:$0x1] =	wrdreg $0xFFFFFFFF  }
0xa7: {  	s28 =	simm.s32 $_size_execute0_lowered;
	s3 =	sadd.s32 s3, s5;
	[dreg:$0x0] =	wrdreg $0x0  }
0xa8: {  	s5 =	sshll.u32 s28, $0x1;
	[dreg:$0x2] =	wrdreg s3  }
0xa9: {  	[dreg:$0x3] =	wrdreg s5  }
0xaa: {  	[dreg:$0x4] =	wrdreg $0xC0  }
0xab: {  	_ =	task [dreg:s7], $0x5FFFF  }
0xac: {  	[dreg:$0x1] =	wrdreg $0xFFFFFFFF  }
0xad: {  	[dreg:$0x0] =	wrdreg $0x60  }
0xae: {  	[dreg:$0x2] =	wrdreg s2  }
0xaf: {  	[dreg:$0x3] =	wrdreg s24  }
0xb0: {  	[dreg:$0x4] =	wrdreg $0x9  }
0xb1: {  	_ =	task.clear_ibuf [dreg:s7], $0x5FFFF;
	_ =	strace $0x90000046  }
0xb2: {  	s29 =	simm.s32 $0x9;
	_ =	strace $0x80000048  }
0xb3: {  	_ =	swait.ge [sflag:s29], $0x1  }
0xb4: {  	[sflag:s29] =	ssyncadd.s32 $0xFFFFFFFF  }
0xb5: {  	_ =	strace $0x90000048  }
0xb6: {  	_ =	sfence  }
0xb7: {  	s30 =	sld [smem:$0x0];
	_ =	sdelay $0x2  }
0xb8: {  	s31 =	sshll.u32 s1, $0xD;
	s1 =	sshrl.u32 s1, $0x2  }
0xb9: {  	s3 =	sand.u32 $0x4000, s31;
	s1 =	sadd.s32 s1, s30  }
0xba: {  	s0 =	sor.u32 s3, s0;
	s1 =	sshll.u32 s1, $0x11  }
0xbb: {  	s0 =	sor.u32 s1, s0  }
0xbc: {  	s0 =	sadd.s32 $0x8F2B, s0  }
0xbd: {  	[sflag:s0] =	ssyncadd.remote.s32 $0x1  }
0xbe: {  	_ =	sfence.sel $0xFFFF  }
0xbf: {  	[dreg:$0x0] =	wrdreg $0xFFFFFFFF;
	(pc) =	sbr.abs _section_cstart, $3  }
0xc0: {  	[dreg:$0x1] =	wrdreg $0xFFFFFFFF  }
0xc1: {  	_ =	task.clear_ibuf [dreg:s7], $0x2FFFF;
	_ =	strace $0x9FFFFFFF  }
0xc2: {  	(tm) =	ssettm $0x7FFFFFFF  }
0xc3: {  	_ =	shalt  }
tec
execute0_lowered:
.L_overlay_start_1:
0x0: {  	(tag) =	ssettag $0x1  }
0x1: {  	s0 =	srdreg.scid  }
0x2: {  	s4 =	stileid.u32;
	s30 =	rddreg [dreg:$0x0]  }
0x3: {  	s1 =	rddreg [dreg:$0x1];
	s2 =	simm.s32 $0x0;
	s13 =	sshrl.u32 s4, $0x3  }
0x4: {  	s10 =	sand.u32 $0x1, s0;
	s12 =	sshll.u32 s4, $0x1;
	s7 =	smul.u32 $0xA00000, s13  }
0x5: {  	s18 =	sadd.s32 $0xA00, s1;
	s3 =	sor.u32 s10, s12;
	s1 =	smul.u32 $0x500000, s13  }
0x6: {  	[smem:$0x7FF] =	sst s2;
	s0 =	smul.u32 $0xA, s3  }
0x7: {  	[dreg:$0x4] =	wrdreg s10;
	s25 =	sshll.u32 s10, $0x10;
	s3 =	smul.u32 $0x50000, s3  }
0x8: {  	_ =	strace $0x80000047;
	s23 =	sor.u32 $0x8000, s25;
	[dreg:$0xc] =	wrdreg s25  }
0x9: {  	p0 =	slt.u32 s0, $0xA0;
	s14 =	sadd.s32 $0x2, s0;
	s5 =	sand.u32 $0xFFF80000, s3  }
0xa: {  	s8 =	sadd.s32 $0x3, s0;
	s15 =	sand.u32 $0x60000, s3;
	s9 =	sadd.s32 $0x4, s0  }
0xb: {  	s11 =	sadd.s32 $0x5, s0;
	s12 =	sadd.s32 $0x7, s0;
	p2 =	slt.u32 s14, $0xA0  }
0xc: {  	s6 =	sadd.s32 $0xFFB00000, s5;
	p5 =	sgt.u32 s14, $0x9F;
	p1 =	slt.u32 s8, $0xA0  }
0xd: {  	p6 =	sgt.u32 s8, $0x9F;
	p3 =	sgt.u32 s9, $0x9F;
	s4 =	sshll.u32 s14, $0xF  }
0xe: {  	s26 =	sshll.u32 s8, $0xF;
	s8 =	simm.s32 $0x1;
	s6 =	smov.u32 @p0 s5  }
0xf: {  	p0 =	slt.u32 s9, $0xA0;
	s10 =	simm.s32 @!p3 $0x0;
	s13 =	sand.u32 $0x60000, s4  }
0x10: {  	s28 =	sand.u32 $0x10000, s4;
	s29 =	sand.u32 $0x18000, s26;
	s16 =	sadd.s32 s7, s6  }
0x11: {  	s10 =	simm.s32 @p3 $0x1;
	[dreg:$0xa] =	wrdreg s13;
	s3 =	sor.u32 s15, s16  }
0x12: {  	s1 =	sadd.s32 s1, s6;
	s6 =	simm.s32 $0x8000;
	s17 =	sor.u32 s25, s3  }
0x13: {  	p3 =	sgt.u32 s12, $0x9F;
	[smem:$0x7FC] =	sst s10;
	s7 =	sshrl.u32 s17, $0x3  }
0x14: {  	s10 =	simm.s32 $0xA00000;
	s15 =	sor.u32 s15, s1;
	s7 =	sadd.s32 s30, s7  }
0x15: {  	s16 =	sand.u32 $0x60000, s26;
	[dreg:$0x3] =	wrdreg s7;
	s7 =	sand.u32 $0xFFF80000, s4  }
0x16: {  	s3 =	sor.u32 s23, s3;
	s10 =	simm.s32 @!p5 $0x0;
	s14 =	sadd.s32 $0xFFB00000, s7  }
0x17: {  	s21 =	sor.u32 s25, s15;
	s22 =	rddreg [dreg:$0x3];
	s14 =	smov.u32 @p2 s7  }
0x18: {  	[tilespmem:s2], [sflag:$0x1] =	stream.linear.gather [hbm4b:s22+s2], $0x8000, $0x38;
	[tilespmem:$0x18000] =	vst v63  }
0x19: {  	s3 =	sshrl.u32 s3, $0x3;
	s24 =	sshrl.u32 s21, $0x3;
	s7 =	sadd.s32 s10, s14  }
0x1a: {  	s17 =	sshll.u32 s11, $0xF;
	s3 =	sadd.s32 s30, s3;
	s19 =	sor.u32 s13, s7  }
0x1b: {  	[tilespmem:s6], [sflag:$0x2] =	stream.linear.gather [hbm4b:s3+s2], $0x8000, $0x38;
	[tilespmem:$0x18000] =	vst v63  }
0x1c: {  	s5 =	sadd.s32 s18, s24;
	s7 =	simm.s32 $0x10000;
	s20 =	sor.u32 s28, s19  }
0x1d: {  	s13 =	sshll.u32 s9, $0xF;
	s9 =	simm.s32 $0x4;
	s1 =	sshrl.u32 s20, $0x3  }
0x1e: {  	s10 =	sand.u32 $0xFFF80000, s13;
	s4 =	sadd.s32 s30, s1;
	s1 =	sand.u32 $0xFFF80000, s26  }
0x1f: {  	s19 =	sand.u32 $0xFFF80000, s17;
	s20 =	sadd.s32 $0xFFB00000, s10;
	s21 =	sadd.s32 $0xFFB00000, s1  }
0x20: {  	[tilespmem:s7], [sflag:$0x3] =	stream.linear.gather [hbm4b:s4+s2], $0x8000, $0x38;
	[tilespmem:$0x18000] =	vst v63  }
0x21: {  	s21 =	smov.u32 @p1 s1;
	s1 =	simm.s32 $0xA00000;
	_ =	swait.ge [sflag:s8], $0x8000  }
0x22: {  	s24 =	sadd.s32 $0xFFB00000, s19;
	s1 =	simm.s32 @!p6 $0x0;
	[sflag:s8] =	ssyncset.done $0x0  }
0x23: {  	s20 =	smov.u32 @p0 s10;
	s1 =	sadd.s32 s1, s21;
	[sflag:s8] =	ssyncadd.s32 $0xFFFF8000  }
0x24: {  	[hbm4b:s5+s2] =	stream.linear.scatter [tilespmem:s2], [sflag:$0x4], $0x8000, $0x38;
	[tilespmem:$0x18000] =	vst v63  }
0x25: {  	p0 =	sgt.u32 s11, $0x9F;
	p1 =	slt.u32 s11, $0xA0;
	s1 =	sor.u32 s16, s1  }
0x26: {  	s11 =	sadd.s32 $0x8, s0;
	s1 =	sor.u32 s29, s1;
	_ =	swait.ge [sflag:s9], $0x8000  }
0x27: {  	s24 =	smov.u32 @p1 s19;
	s1 =	sshrl.u32 s1, $0x3;
	[sflag:s9] =	ssyncset.done $0x0  }
0x28: {  	s10 =	sadd.s32 s30, s1;
	[sflag:s9] =	ssyncadd.s32 $0xFFFF8000;
	s1 =	sadd.s32 $0x6, s0  }
0x29: {  	[tilespmem:s2], [sflag:$0x1] =	stream.linear.gather [hbm4b:s10+s2], $0x8000, $0x38;
	[tilespmem:$0x18000] =	vst v63  }
0x2a: {  	p1 =	slt.u32 s12, $0xA0;
	s12 =	sshll.u32 s12, $0xF;
	p2 =	slt.u32 s1, $0xA0  }
0x2b: {  	p4 =	sgt.u32 s1, $0x9F;
	s22 =	sshll.u32 s1, $0xF;
	s1 =	simm.s32 @!p3 $0x0  }
0x2c: {  	[dreg:$0xb] =	wrdreg s12;
	s19 =	sand.u32 $0xFFF80000, s22;
	s1 =	simm.s32 @p3 $0x1  }
0x2d: {  	s26 =	sshll.u32 s11, $0xF;
	[smem:$0x7FD] =	sst s1;
	s1 =	sadd.s32 $0xFFB00000, s19  }
0x2e: {  	[dreg:$0x8] =	wrdreg s26;
	s1 =	smov.u32 @p2 s19;
	s19 =	sand.u32 $0xFFF80000, s12  }
0x2f: {  	s0 =	sadd.s32 $0x9, s0;
	s31 =	smov.u32 s1;
	s1 =	sadd.s32 $0xFFB00000, s19  }
0x30: {  	p2 =	sgt.u32 s11, $0x9F;
	[dreg:$0xf] =	wrdreg s31;
	s1 =	smov.u32 @p1 s19  }
0x31: {  	p1 =	slt.u32 s11, $0xA0;
	[dreg:$0x5] =	wrdreg s1;
	s1 =	sand.u32 $0xFFF80000, s26  }
0x32: {  	s11 =	simm.s32 $0x2;
	s26 =	sshll.u32 s0, $0xF;
	s19 =	sadd.s32 $0xFFB00000, s1  }
0x33: {  	[dreg:$0x6] =	wrdreg s26;
	s12 =	sand.u32 $0xFFF80000, s26;
	s19 =	smov.u32 @p1 s1  }
0x34: {  	p1 =	slt.u32 s0, $0xA0;
	s1 =	sadd.s32 $0xFFB00000, s12;
	[dreg:$0x9] =	wrdreg s19  }
0x35: {  	s1 =	smov.u32 @p1 s12;
	p1 =	sgt.u32 s0, $0x9F;
	s19 =	sor.u32 s23, s15  }
0x36: {  	s15 =	simm.s32 $0x500000;
	[dreg:$0x7] =	wrdreg s1;
	s0 =	sshrl.u32 s19, $0x3  }
0x37: {  	s1 =	simm.s32 $0xA00000;
	s19 =	smov.u32 s18;
	_ =	swait.ge [sflag:s11], $0x8000  }
0x38: {  	s15 =	simm.s32 @!p5 $0x0;
	[sflag:s11] =	ssyncset.done $0x0;
	s23 =	sld [smem:$0x7FC]  }
0x39: {  	s12 =	sadd.s32 s18, s0;
	s18 =	sand.u32 $0x60000, s13;
	[sflag:s11] =	ssyncadd.s32 $0xFFFF8000  }
0x3a: {  	[hbm4b:s12+s2] =	stream.linear.scatter [tilespmem:s6], [sflag:$0x5], $0x8000, $0x38;
	[tilespmem:$0x18000] =	vst v63  }
0x3b: {  	s13 =	simm.s32 $0x5;
	s15 =	sadd.s32 s15, s14;
	p3 =	seq.s32 s23, $0x1  }
0x3c: {  	_ =	swait.ge [sflag:s13], $0x8000;
	s23 =	simm.s32 $0x500000;
	s1 =	simm.s32 @!p3 $0x0  }
0x3d: {  	[sflag:s13] =	ssyncset.done $0x0;
	s23 =	simm.s32 @!p6 $0x0;
	s1 =	sadd.s32 s1, s20  }
0x3e: {  	[sflag:s13] =	ssyncadd.s32 $0xFFFF8000;
	s21 =	sadd.s32 s23, s21;
	s23 =	simm.s32 $0xA00000  }
0x3f: {  	s1 =	sor.u32 s18, s1;
	s21 =	sor.u32 s16, s21;
	s23 =	simm.s32 @!p0 $0x0  }
0x40: {  	s1 =	sor.u32 s25, s1;
	s25 =	rddreg [dreg:$0xa];
	s0 =	sadd.s32 s23, s24  }
0x41: {  	s23 =	smov.u32 s30;
	s1 =	sshrl.u32 s1, $0x3;
	s26 =	sor.u32 s25, s15  }
0x42: {  	s15 =	simm.s32 $0x3;
	s25 =	smov.u32 s19;
	s14 =	sadd.s32 s30, s1  }
0x43: {  	s1 =	sor.u32 s28, s26;
	s26 =	sand.u32 $0x60000, s17;
	s28 =	sand.u32 $0x18000, s17  }
0x44: {  	[tilespmem:s6], [sflag:$0x2] =	stream.linear.gather [hbm4b:s14+s2], $0x8000, $0x38;
	[tilespmem:$0x18000] =	vst v63  }
0x45: {  	s17 =	simm.s32 $0x6;
	s1 =	sshrl.u32 s1, $0x3;
	_ =	swait.ge [sflag:s15], $0x8000  }
0x46: {  	s16 =	sadd.s32 s19, s1;
	s1 =	sor.u32 s29, s21;
	s21 =	sor.u32 s26, s0  }
0x47: {  	s0 =	simm.s32 $0x500000;
	s29 =	sand.u32 $0x60000, s22;
	[sflag:s15] =	ssyncset.done $0x0  }
0x48: {  	s21 =	sor.u32 s28, s21;
	s0 =	simm.s32 @!p3 $0x0;
	[sflag:s15] =	ssyncadd.s32 $0xFFFF8000  }
0x49: {  	[hbm4b:s16+s2] =	stream.linear.scatter [tilespmem:s7], [sflag:$0x6], $0x8000, $0x38;
	[tilespmem:$0x18000] =	vst v63  }
0x4a: {  	s1 =	sshrl.u32 s1, $0x3;
	s21 =	sshrl.u32 s21, $0x3;
	_ =	swait.ge [sflag:s17], $0x8000  }
0x4b: {  	s0 =	sadd.s32 s0, s20;
	s20 =	sadd.s32 s30, s21;
	[sflag:s17] =	ssyncset.done $0x0  }
0x4c: {  	s19 =	sor.u32 s18, s0;
	s18 =	simm.s32 $0xA00000;
	[sflag:s17] =	ssyncadd.s32 $0xFFFF8000  }
0x4d: {  	[tilespmem:s7], [sflag:$0x3] =	stream.linear.gather [hbm4b:s20+s2], $0x8000, $0x38;
	[tilespmem:$0x18000] =	vst v63  }
0x4e: {  	s21 =	sadd.s32 s25, s1;
	s18 =	simm.s32 @!p4 $0x0;
	_ =	swait.ge [sflag:s8], $0x8000  }
0x4f: {  	s30 =	smov.u32 s25;
	s18 =	sadd.s32 s18, s31;
	[sflag:s8] =	ssyncset.done $0x0  }
0x50: {  	s31 =	sand.u32 $0x10000, s22;
	s1 =	sor.u32 s29, s18;
	[sflag:s8] =	ssyncadd.s32 $0xFFFF8000  }
0x51: {  	[hbm4b:s21+s2] =	stream.linear.scatter [tilespmem:s2], [sflag:$0x4], $0x8000, $0x38;
	[tilespmem:$0x18000] =	vst v63  }
0x52: {  	s0 =	simm.s32 $0x500000;
	s1 =	sor.u32 s31, s1;
	_ =	swait.ge [sflag:s9], $0x8000  }
0x53: {  	s1 =	sshrl.u32 s1, $0x3;
	[sflag:s9] =	ssyncset.done $0x0;
	s18 =	rddreg [dreg:$0xc]  }
0x54: {  	s22 =	sadd.s32 s23, s1;
	s19 =	sor.u32 s18, s19;
	[sflag:s9] =	ssyncadd.s32 $0xFFFF8000  }
0x55: {  	[tilespmem:s2], [sflag:$0x1] =	stream.linear.gather [hbm4b:s22+s2], $0x8000, $0x38;
	[tilespmem:$0x18000] =	vst v63  }
0x56: {  	s25 =	smov.u32 s23;
	s0 =	simm.s32 @!p0 $0x0;
	s1 =	sshrl.u32 s19, $0x3  }
0x57: {  	s23 =	sadd.s32 s0, s24;
	s24 =	sadd.s32 s30, s1;
	s1 =	sld [smem:$0x7FD]  }
0x58: {  	_ =	swait.ge [sflag:s11], $0x8000  }
0x59: {  	[sflag:s11] =	ssyncset.done $0x0  }
0x5a: {  	s19 =	simm.s32 $0xA00000;
	[sflag:s11] =	ssyncadd.s32 $0xFFFF8000;
	p0 =	seq.s32 s1, $0x1  }
0x5b: {  	[hbm4b:s24+s2] =	stream.linear.scatter [tilespmem:s6], [sflag:$0x5], $0x8000, $0x38;
	[tilespmem:$0x18000] =	vst v63  }
0x5c: {  	s0 =	rddreg [dreg:$0x5];
	s19 =	simm.s32 @!p0 $0x0  }
0x5d: {  	s1 =	sadd.s32 s19, s0;
	s19 =	rddreg [dreg:$0xb]  }
0x5e: {  	s0 =	sand.u32 $0x60000, s19  }
0x5f: {  	s19 =	sand.u32 $0x18000, s19;
	[dreg:$0xe] =	wrdreg s0  }
0x60: {  	[dreg:$0xd] =	wrdreg s19;
	s1 =	sor.u32 s0, s1  }
0x61: {  	s0 =	sor.u32 s26, s23;
	s23 =	simm.s32 $0x500000;
	s1 =	sor.u32 s19, s1  }
0x62: {  	_ =	swait.ge [sflag:s13], $0x8000;
	s23 =	simm.s32 @!p4 $0x0;
	s0 =	sor.u32 s28, s0  }
0x63: {  	s1 =	sshrl.u32 s1, $0x3;
	[sflag:s13] =	ssyncset.done $0x0;
	s19 =	rddreg [dreg:$0xf]  }
0x64: {  	s0 =	sshrl.u32 s0, $0x3;
	s26 =	sadd.s32 s25, s1;
	[sflag:s13] =	ssyncadd.s32 $0xFFFF8000  }
0x65: {  	[tilespmem:s6], [sflag:$0x2] =	stream.linear.gather [hbm4b:s26+s2], $0x8000, $0x38;
	[tilespmem:$0x18000] =	vst v63  }
0x66: {  	s1 =	sadd.s32 s23, s19;
	s23 =	simm.s32 $0xA00000;
	_ =	swait.ge [sflag:s15], $0x8000  }
0x67: {  	s28 =	sadd.s32 s30, s0;
	s23 =	simm.s32 @!p2 $0x0;
	s25 =	rddreg [dreg:$0x8]  }
0x68: {  	s19 =	rddreg [dreg:$0x9];
	[sflag:s15] =	ssyncset.done $0x0;
	s25 =	sand.u32 $0x60000, s25  }
0x69: {  	s23 =	sadd.s32 s23, s19;
	[sflag:s15] =	ssyncadd.s32 $0xFFFF8000;
	[dreg:$0x10] =	wrdreg s25  }
0x6a: {  	[hbm4b:s28+s2] =	stream.linear.scatter [tilespmem:s7], [sflag:$0x6], $0x8000, $0x38;
	[tilespmem:$0x18000] =	vst v63  }
0x6b: {  	s1 =	sor.u32 s29, s1;
	s23 =	sor.u32 s25, s23;
	_ =	swait.ge [sflag:s17], $0x8000  }
0x6c: {  	s0 =	sor.u32 s18, s23;
	s23 =	simm.s32 $0xA00000;
	[sflag:s17] =	ssyncset.done $0x0  }
0x6d: {  	s0 =	sshrl.u32 s0, $0x3;
	s23 =	simm.s32 @!p1 $0x0;
	s25 =	rddreg [dreg:$0x0]  }
0x6e: {  	s18 =	rddreg [dreg:$0x6];
	[sflag:s17] =	ssyncadd.s32 $0xFFFF8000;
	s29 =	sadd.s32 s25, s0  }
0x6f: {  	s0 =	sor.u32 s31, s1;
	s25 =	rddreg [dreg:$0x7];
	s31 =	sand.u32 $0x60000, s18  }
0x70: {  	[tilespmem:s7], [sflag:$0x3] =	stream.linear.gather [hbm4b:s29+s2], $0x8000, $0x38;
	[tilespmem:$0x18000] =	vst v63  }
0x71: {  	s1 =	sadd.s32 s23, s25;
	[dreg:$0x12] =	wrdreg s31;
	s23 =	sand.u32 $0x18000, s18  }
0x72: {  	[dreg:$0x11] =	wrdreg s23  }
0x73: {  	s0 =	sshrl.u32 s0, $0x3;
	s18 =	smov.u32 s30;
	_ =	swait.ge [sflag:s8], $0x8000  }
0x74: {  	s1 =	sor.u32 s31, s1;
	s30 =	sadd.s32 s30, s0;
	[sflag:s8] =	ssyncset.done $0x0  }
0x75: {  	s0 =	simm.s32 $0x500000;
	s1 =	sor.u32 s23, s1;
	[sflag:s8] =	ssyncadd.s32 $0xFFFF8000  }
0x76: {  	[hbm4b:s30+s2] =	stream.linear.scatter [tilespmem:s2], [sflag:$0x4], $0x8000, $0x38;
	[tilespmem:$0x18000] =	vst v63  }
0x77: {  	s0 =	simm.s32 @!p0 $0x0;
	s1 =	sshrl.u32 s1, $0x3;
	s23 =	rddreg [dreg:$0x0]  }
0x78: {  	s23 =	sadd.s32 s23, s1;
	_ =	swait.ge [sflag:s9], $0x8000;
	s1 =	simm.s32 $0x500000  }
0x79: {  	s31 =	rddreg [dreg:$0x5];
	s1 =	simm.s32 @!p2 $0x0;
	[sflag:s9] =	ssyncset.done $0x0  }
0x7a: {  	s0 =	sadd.s32 s0, s31;
	s31 =	rddreg [dreg:$0xe];
	s1 =	sadd.s32 s1, s19  }
0x7b: {  	[sflag:s9] =	ssyncadd.s32 $0xFFFF8000;
	s19 =	rddreg [dreg:$0xd];
	s0 =	sor.u32 s31, s0  }
0x7c: {  	[tilespmem:s2], [sflag:$0x1] =	stream.linear.gather [hbm4b:s23+s2], $0x8000, $0x38;
	[tilespmem:$0x18000] =	vst v63  }
0x7d: {  	s0 =	sor.u32 s19, s0;
	s19 =	rddreg [dreg:$0x10]  }
0x7e: {  	_ =	swait.ge [sflag:s11], $0x8000;
	s1 =	sor.u32 s19, s1  }
0x7f: {  	s31 =	sshrl.u32 s0, $0x3;
	[sflag:s11] =	ssyncset.done $0x0;
	s19 =	simm.s32 $0x500000  }
0x80: {  	s0 =	smov.u32 s18;
	s31 =	sadd.s32 s18, s31;
	[sflag:s11] =	ssyncadd.s32 $0xFFFF8000  }
0x81: {  	[hbm4b:s31+s2] =	stream.linear.scatter [tilespmem:s6], [sflag:$0x5], $0x8000, $0x38;
	[tilespmem:$0x18000] =	vst v63  }
0x82: {  	s19 =	simm.s32 @!p1 $0x0;
	s18 =	rddreg [dreg:$0xc];
	_ =	swait.ge [sflag:s15], $0x8000  }
0x83: {  	s18 =	sor.u32 s18, s1;
	s19 =	sadd.s32 s19, s25;
	s25 =	rddreg [dreg:$0x12]  }
0x84: {  	s18 =	sshrl.u32 s18, $0x3;
	[sflag:s15] =	ssyncset.done $0x0;
	s1 =	sor.u32 s25, s19  }
0x85: {  	s25 =	rddreg [dreg:$0x4];
	s19 =	sadd.s32 s0, s18;
	s18 =	smov.u32 s0  }
0x86: {  	[sflag:s15] =	ssyncadd.s32 $0xFFFF8000;
	s0 =	rddreg [dreg:$0x11];
	s25 =	ssub.s32 $0x2, s25  }
0x87: {  	[hbm4b:s19+s2] =	stream.linear.scatter [tilespmem:s7], [sflag:$0x6], $0x8000, $0x38;
	[tilespmem:$0x18000] =	vst v63  }
0x88: {  	s0 =	sor.u32 s0, s1;
	s1 =	sshrl.u32 s25, $0x1  }
0x89: {  	s1 =	ssub.s32 s25, s1  }
0x8a: {  	s25 =	smax.u32 s1, $0x1  }
0x8b: {  	p0 =	sne.s32 s25, $0x1  }
.Ltmp0:
0x8c: {  	_ =	swait.ge [sflag:s8], $0x8000;
	(pc) =	sbr.rel @!p0 .LBB2_2-.Ltmp0, $4  }
0x8d: {  	s0 =	sshrl.u32 s0, $0x3;
	[sflag:s8] =	ssyncset.done $0x0  }
0x8e: {  	s18 =	sadd.s32 s18, s0;
	[sflag:s8] =	ssyncadd.s32 $0xFFFF8000  }
0x8f: {  	[hbm4b:s18+s2] =	stream.linear.scatter [tilespmem:s2], [sflag:$0x4], $0x8000, $0x38;
	[tilespmem:$0x18000] =	vst v63  }
0x90: {  	s1 =	sadd.s32 $0xFFFFFFFF, s25;
	_ =	swait.ge [sflag:s9], $0x8000  }
.LBB2_1:
0x91: {  	[sflag:s9] =	ssyncset.done $0x0  }
0x92: {  	s0 =	rddreg [dreg:$0x3];
	[sflag:s9] =	ssyncadd.s32 $0xFFFF8000  }
0x93: {  	[tilespmem:s2], [sflag:$0x1] =	stream.linear.gather [hbm4b:s0+s2], $0x8000, $0x38;
	[tilespmem:$0x18000] =	vst v63  }
0x94: {  	_ = 	snop  }
0x95: {  	[tilespmem:s6], [sflag:$0x2] =	stream.linear.gather [hbm4b:s3+s2], $0x8000, $0x38;
	[tilespmem:$0x18000] =	vst v63  }
0x96: {  	_ = 	snop  }
0x97: {  	[tilespmem:s7], [sflag:$0x3] =	stream.linear.gather [hbm4b:s4+s2], $0x8000, $0x38;
	[tilespmem:$0x18000] =	vst v63  }
0x98: {  	_ =	swait.ge [sflag:s8], $0x8000  }
0x99: {  	[sflag:s8] =	ssyncset.done $0x0  }
0x9a: {  	[sflag:s8] =	ssyncadd.s32 $0xFFFF8000  }
0x9b: {  	[hbm4b:s5+s2] =	stream.linear.scatter [tilespmem:s2], [sflag:$0x4], $0x8000, $0x38;
	[tilespmem:$0x18000] =	vst v63  }
0x9c: {  	_ =	swait.ge [sflag:s9], $0x8000  }
0x9d: {  	[sflag:s9] =	ssyncset.done $0x0  }
0x9e: {  	[sflag:s9] =	ssyncadd.s32 $0xFFFF8000  }
0x9f: {  	[tilespmem:s2], [sflag:$0x1] =	stream.linear.gather [hbm4b:s10+s2], $0x8000, $0x38;
	[tilespmem:$0x18000] =	vst v63  }
0xa0: {  	_ =	swait.ge [sflag:s11], $0x8000  }
0xa1: {  	[sflag:s11] =	ssyncset.done $0x0  }
0xa2: {  	[sflag:s11] =	ssyncadd.s32 $0xFFFF8000  }
0xa3: {  	[hbm4b:s12+s2] =	stream.linear.scatter [tilespmem:s6], [sflag:$0x5], $0x8000, $0x38;
	[tilespmem:$0x18000] =	vst v63  }
0xa4: {  	_ =	swait.ge [sflag:s13], $0x8000  }
0xa5: {  	[sflag:s13] =	ssyncset.done $0x0  }
0xa6: {  	[sflag:s13] =	ssyncadd.s32 $0xFFFF8000  }
0xa7: {  	[tilespmem:s6], [sflag:$0x2] =	stream.linear.gather [hbm4b:s14+s2], $0x8000, $0x38;
	[tilespmem:$0x18000] =	vst v63  }
0xa8: {  	_ =	swait.ge [sflag:s15], $0x8000  }
0xa9: {  	[sflag:s15] =	ssyncset.done $0x0  }
0xaa: {  	[sflag:s15] =	ssyncadd.s32 $0xFFFF8000  }
0xab: {  	[hbm4b:s16+s2] =	stream.linear.scatter [tilespmem:s7], [sflag:$0x6], $0x8000, $0x38;
	[tilespmem:$0x18000] =	vst v63  }
0xac: {  	_ =	swait.ge [sflag:s17], $0x8000  }
0xad: {  	[sflag:s17] =	ssyncset.done $0x0  }
0xae: {  	[sflag:s17] =	ssyncadd.s32 $0xFFFF8000  }
0xaf: {  	[tilespmem:s7], [sflag:$0x3] =	stream.linear.gather [hbm4b:s20+s2], $0x8000, $0x38;
	[tilespmem:$0x18000] =	vst v63  }
0xb0: {  	_ =	swait.ge [sflag:s8], $0x8000  }
0xb1: {  	[sflag:s8] =	ssyncset.done $0x0  }
0xb2: {  	[sflag:s8] =	ssyncadd.s32 $0xFFFF8000  }
0xb3: {  	[hbm4b:s21+s2] =	stream.linear.scatter [tilespmem:s2], [sflag:$0x4], $0x8000, $0x38;
	[tilespmem:$0x18000] =	vst v63  }
0xb4: {  	_ =	swait.ge [sflag:s9], $0x8000  }
0xb5: {  	[sflag:s9] =	ssyncset.done $0x0  }
0xb6: {  	[sflag:s9] =	ssyncadd.s32 $0xFFFF8000  }
0xb7: {  	[tilespmem:s2], [sflag:$0x1] =	stream.linear.gather [hbm4b:s22+s2], $0x8000, $0x38;
	[tilespmem:$0x18000] =	vst v63  }
0xb8: {  	_ =	swait.ge [sflag:s11], $0x8000  }
0xb9: {  	[sflag:s11] =	ssyncset.done $0x0  }
0xba: {  	[sflag:s11] =	ssyncadd.s32 $0xFFFF8000  }
0xbb: {  	[hbm4b:s24+s2] =	stream.linear.scatter [tilespmem:s6], [sflag:$0x5], $0x8000, $0x38;
	[tilespmem:$0x18000] =	vst v63  }
0xbc: {  	_ =	swait.ge [sflag:s13], $0x8000  }
0xbd: {  	[sflag:s13] =	ssyncset.done $0x0  }
0xbe: {  	[sflag:s13] =	ssyncadd.s32 $0xFFFF8000  }
0xbf: {  	[tilespmem:s6], [sflag:$0x2] =	stream.linear.gather [hbm4b:s26+s2], $0x8000, $0x38;
	[tilespmem:$0x18000] =	vst v63  }
0xc0: {  	_ =	swait.ge [sflag:s15], $0x8000  }
0xc1: {  	[sflag:s15] =	ssyncset.done $0x0  }
0xc2: {  	[sflag:s15] =	ssyncadd.s32 $0xFFFF8000  }
0xc3: {  	[hbm4b:s28+s2] =	stream.linear.scatter [tilespmem:s7], [sflag:$0x6], $0x8000, $0x38;
	[tilespmem:$0x18000] =	vst v63  }
0xc4: {  	_ =	swait.ge [sflag:s17], $0x8000  }
0xc5: {  	[sflag:s17] =	ssyncset.done $0x0  }
0xc6: {  	[sflag:s17] =	ssyncadd.s32 $0xFFFF8000  }
0xc7: {  	[tilespmem:s7], [sflag:$0x3] =	stream.linear.gather [hbm4b:s29+s2], $0x8000, $0x38;
	[tilespmem:$0x18000] =	vst v63  }
0xc8: {  	_ =	swait.ge [sflag:s8], $0x8000  }
0xc9: {  	[sflag:s8] =	ssyncset.done $0x0  }
0xca: {  	[sflag:s8] =	ssyncadd.s32 $0xFFFF8000  }
0xcb: {  	[hbm4b:s30+s2] =	stream.linear.scatter [tilespmem:s2], [sflag:$0x4], $0x8000, $0x38;
	[tilespmem:$0x18000] =	vst v63  }
0xcc: {  	_ =	swait.ge [sflag:s9], $0x8000  }
0xcd: {  	[sflag:s9] =	ssyncset.done $0x0  }
0xce: {  	[sflag:s9] =	ssyncadd.s32 $0xFFFF8000  }
0xcf: {  	[tilespmem:s2], [sflag:$0x1] =	stream.linear.gather [hbm4b:s23+s2], $0x8000, $0x38;
	[tilespmem:$0x18000] =	vst v63  }
0xd0: {  	_ =	swait.ge [sflag:s11], $0x8000  }
0xd1: {  	[sflag:s11] =	ssyncset.done $0x0  }
0xd2: {  	[sflag:s11] =	ssyncadd.s32 $0xFFFF8000  }
0xd3: {  	[hbm4b:s31+s2] =	stream.linear.scatter [tilespmem:s6], [sflag:$0x5], $0x8000, $0x38;
	[tilespmem:$0x18000] =	vst v63  }
0xd4: {  	_ =	swait.ge [sflag:s15], $0x8000  }
0xd5: {  	[sflag:s15] =	ssyncset.done $0x0  }
0xd6: {  	p0 =	sne.s32 s1, $0x1;
	[sflag:s15] =	ssyncadd.s32 $0xFFFF8000  }
0xd7: {  	[hbm4b:s19+s2] =	stream.linear.scatter [tilespmem:s7], [sflag:$0x6], $0x8000, $0x38;
	[tilespmem:$0x18000] =	vst v63  }
.Ltmp1:
0xd8: {  	_ =	swait.ge [sflag:s8], $0x8000;
	(pc) =	sbr.rel @p0 .LBB2_1-.Ltmp1, $4  }
0xd9: {  	[sflag:s8] =	ssyncset.done $0x0  }
0xda: {  	[sflag:s8] =	ssyncadd.s32 $0xFFFF8000  }
0xdb: {  	[hbm4b:s18+s2] =	stream.linear.scatter [tilespmem:s2], [sflag:$0x4], $0x8000, $0x38;
	[tilespmem:$0x18000] =	vst v63  }
0xdc: {  	s1 =	sadd.s32 $0xFFFFFFFF, s1;
	_ =	swait.ge [sflag:s9], $0x8000  }
.LBB2_2:
0xdd: {  	[sflag:s9] =	ssyncset.done $0x0  }
0xde: {  	[sflag:s9] =	ssyncadd.s32 $0xFFFF8000  }
0xdf: {  	_ =	sfence.sel $0x180000  }
0xe0: {  	[bflag:$0x0] =	sbarrier.arrive $0xFFFF  }
0xe1: {  	_ =	strace $0x90000047  }
0xe2: {  	s0 =	stileid.u32;
	[bflag:$0x2] =	sbarrier.arrive $0xFFFF  }
0xe3: {  	p0 =	sne.s32 s0, $0x0;
	s0 =	rddreg [dreg:$0x2]  }
0xe4: {  	s0 =	sadd.s32 @!p0 $0x100000, s0  }
0xe5: {  	[sflag:s0] =	ssyncadd.tile.s32 @!p0 $0x1;
	_ =	shalt  }
.Lfunc_end2:
_tile_overlayer_lowered:
.L_overlay_start_2:
0xe6: {  	(tag) =	ssettag $0x2  }
0xe7: {  	s0 =	rddreg [dreg:$0x0];
	s2 =	stileid.u32  }
0xe8: {  	s1 =	rddreg [dreg:$0x1];
	p0 =	sne.s32 s2, $0x0  }
0xe9: {  	s3 =	rddreg [dreg:$0x2];
	[bflag:$0x3] =	sbarrier.arrive $0xFFFF;
	s2 =	simm.s32 @!p0 $0x1C07  }
0xea: {  	[timem:s3], [sflag:s2] =	dma.local @!p0 [hbm:s0], s1  }
0xeb: {  	s0 =	simm.s32 @!p0 $0x7  }
0xec: {  	_ =	swait.ge @!p0 [sflag:s0], s1  }
0xed: {  	s1 =	ssub.s32 @!p0 $0x0, s1;
	[sflag:s0] =	ssyncset.done @!p0 $0x0  }
0xee: {  	[sflag:s0] =	ssyncadd.s32 @!p0 s1  }
0xef: {  	[bflag:$0x3] =	sbarrier.arrive $0xFFFF  }
0xf0: {  	_ =	shalt  }

// kernel: kernel.7.cloned.1.call-start
scs
__scs_entry_jumppad:
0x0: {  	(pc) =	sbr.rel $0x88, $3  }
0x1: {  	(tag) =	ssettag $0x0;
	lr =	simm.s32 $0x1  }
0x2: {  	[smem:$0x3FA0] =	sst lr;
	_ =	strace $0xD0000000  }
0x3: {  	_ = 	snop  }
0x4: {  	_ = 	snop  }
0x5: {  	_ = 	snop  }
0x6: {  	_ = 	snop  }
0x7: {  	_ = 	snop  }
__scs_overlays_trampoline_lowered:
0x8: {  	[smem:$0x3FAF] =	sst s0  }
0x9: {  	[smem:$0x3FB0] =	sst s1  }
0xa: {  	[smem:$0x3FB1] =	sst s2  }
0xb: {  	[smem:$0x3FB2] =	sst s3  }
0xc: {  	[smem:$0x3FB3] =	sst s4  }
0xd: {  	[smem:$0x3FB4] =	sst s5  }
0xe: {  	[smem:$0x3FB5] =	sst s6  }
0xf: {  	[smem:$0x3FB6] =	sst s7  }
0x10: {  	[smem:$0x3FB7] =	sst s8  }
0x11: {  	[smem:$0x3FB8] =	sst s9;
	s0 =	simm.s32 @!p0 $0x0  }
0x12: {  	s1 =	sld [smem:$0x3F9E];
	s0 =	simm.s32 @p0 $0x1  }
0x13: {  	[smem:$0x3FB9] =	sst s0;
	s0 =	simm.s32 @!p1 $0x0  }
0x14: {  	s2 =	sld [smem:$0x3F9D];
	s0 =	simm.s32 @p1 $0x1  }
0x15: {  	[smem:$0x3FBA] =	sst s0;
	s0 =	simm.s32 @!p2 $0x0  }
0x16: {  	s3 =	sld [smem:$0x3FDB];
	s0 =	simm.s32 @p2 $0x1  }
0x17: {  	s4 =	simm.s32 $0x1BF5;
	[smem:$0x3FBC] =	sst s0  }
0x18: {  	s0 =	sld [smem:$0x3F9F];
	_ =	swait.ge [sflag:s4], $0x0  }
0x19: {  	s7 =	sld [smem:$0x3FA0]  }
0x1a: {  	s8 =	sadd.s32 $0xFFFFE003, lr  }
0x1b: {  	s9 =	sadd.s32 $0xFFFFFEF7, lr;
	s5 =	simm.s32 $0xFFFFFFFF;
	p2 =	slt.u32 s8, $0xFFFFF086  }
0x1c: {  	p1 =	slt.u32 s9, $0xF7A;
	s5 =	simm.s32 @!p2 $0x0  }
0x1d: {  	s5 =	simm.s32 @p1 $0x1;
	p0 =	seq.s32 s7, s2  }
0x1e: {  	s7 =	smul.u32 @!p0 $0xF7A, s2;
	p2 =	seq.s32 @!p0 s5, $0x0  }
0x1f: {  	s9 =	smul.u32 $0xF7A, s1;
	s8 =	simm.s32 @!p0 $0x1BF5;
	p2 =	por !p2, p0  }
0x20: {  	[sflag:s8] =	ssyncset.s32 @!p0 $0xFFFFF086;
	s6 =	sadd.s32 @!p0 s3, s7;
	s7 =	simm.s32 @!p0 $0x108  }
0x21: {  	s3 =	sadd.s32 s3, s9;
	s6 =	sadd.s32 @!p0 $0x88, s6;
	s7 =	simm.s32 @p2 $0x1082  }
0x22: {  	[simem:s7], [sflag:s8] =	dma.local @!p0 [hbm:s6], $0xF7A  }
0x23: {  	s9 =	sor.u32 $0xD0000000, s2;
	s6 =	simm.s32 $0x108;
	_ =	swait.ge @!p0 [sflag:s8], $0x0  }
0x24: {  	s3 =	sadd.s32 $0x88, s3;
	s6 =	simm.s32 @!p1 $0x1082;
	[sflag:s4] =	ssyncset.s32 $0xFFFFF086  }
0x25: {  	[simem:s6], [sflag:s4] =	dma.local [hbm:s3], $0xF7A  }
0x26: {  	[smem:$0x3FA0] =	sst s1;
	(tag) =	ssettag s2;
	_ =	strace s9  }
0x27: {  	s1 =	sld [smem:$0x3FB0]  }
0x28: {  	s2 =	sld [smem:$0x3FB1]  }
0x29: {  	s4 =	sld [smem:$0x3FB3]  }
0x2a: {  	p0 =	seq.s32 s5, $0x0;
	s5 =	sld [smem:$0x3FB4]  }
0x2b: {  	s6 =	sld [smem:$0x3FB5]  }
0x2c: {  	s7 =	sld [smem:$0x3FB6]  }
0x2d: {  	s3 =	simm.s32 $0x108;
	s8 =	sld [smem:$0x3FB7]  }
0x2e: {  	s3 =	simm.s32 @!p0 $0x1082;
	s9 =	sld [smem:$0x3FB8]  }
0x2f: {  	lr =	sadd.s32 s0, s3;
	s0 =	sld [smem:$0x3FAF]  }
0x30: {  	s3 =	sld [smem:$0x3FB2]  }
0x31: {  	[smem:$0x3FBB] =	sst s10  }
0x32: {  	s10 =	sld [smem:$0x3FB9];
	_ =	sdelay $0x3  }
0x33: {  	p0 =	seq.s32 s10, $0x1;
	s10 =	sld [smem:$0x3FBB];
	_ =	sdelay $0x3  }
0x34: {  	[smem:$0x3FBB] =	sst s10  }
0x35: {  	s10 =	sld [smem:$0x3FBA];
	_ =	sdelay $0x3  }
0x36: {  	p1 =	seq.s32 s10, $0x1;
	s10 =	sld [smem:$0x3FBB];
	_ =	sdelay $0x3  }
0x37: {  	[smem:$0x3FBB] =	sst s10  }
0x38: {  	s10 =	sld [smem:$0x3FBC]  }
0x39: {  	_ = 	snop;
	(pc) =	sbr.ind lr, $3  }
0x3a: {  	_ = 	snop  }
0x3b: {  	_ = 	snop  }
0x3c: {  	p2 =	seq.s32 s10, $0x1;
	s10 =	sld [smem:$0x3FBB]  }
0x3d: {  	_ =	shalt  }
0x3e: {  	_ =	shalt  }
0x3f: {  	_ =	shalt  }
0x40: {  	_ =	shalt  }
0x41: {  	_ =	shalt  }
0x42: {  	_ =	shalt  }
0x43: {  	_ =	shalt  }
0x44: {  	_ =	shalt  }
0x45: {  	_ =	shalt  }
0x46: {  	_ =	shalt  }
0x47: {  	_ =	shalt  }
0x48: {  	_ =	shalt  }
0x49: {  	_ =	shalt  }
0x4a: {  	_ =	shalt  }
0x4b: {  	_ =	shalt  }
0x4c: {  	_ =	shalt  }
0x4d: {  	_ =	shalt  }
0x4e: {  	_ =	shalt  }
0x4f: {  	_ =	shalt  }
0x50: {  	_ =	shalt  }
0x51: {  	_ =	shalt  }
0x52: {  	_ =	shalt  }
0x53: {  	_ =	shalt  }
0x54: {  	_ =	shalt  }
0x55: {  	_ =	shalt  }
0x56: {  	_ =	shalt  }
0x57: {  	_ =	shalt  }
0x58: {  	_ =	shalt  }
0x59: {  	_ =	shalt  }
0x5a: {  	_ =	shalt  }
0x5b: {  	_ =	shalt  }
0x5c: {  	_ =	shalt  }
0x5d: {  	_ =	shalt  }
0x5e: {  	_ =	shalt  }
0x5f: {  	_ =	shalt  }
0x60: {  	_ =	shalt  }
0x61: {  	_ =	shalt  }
0x62: {  	_ =	shalt  }
0x63: {  	_ =	shalt  }
0x64: {  	_ =	shalt  }
0x65: {  	_ =	shalt  }
0x66: {  	_ =	shalt  }
0x67: {  	_ =	shalt  }
0x68: {  	_ =	shalt  }
0x69: {  	_ =	shalt  }
0x6a: {  	_ =	shalt  }
0x6b: {  	_ =	shalt  }
0x6c: {  	_ =	shalt  }
0x6d: {  	_ =	shalt  }
0x6e: {  	_ =	shalt  }
0x6f: {  	_ =	shalt  }
0x70: {  	_ =	shalt  }
0x71: {  	_ =	shalt  }
0x72: {  	_ =	shalt  }
0x73: {  	_ =	shalt  }
0x74: {  	_ =	shalt  }
0x75: {  	_ =	shalt  }
0x76: {  	_ =	shalt  }
0x77: {  	_ =	shalt  }
0x78: {  	_ =	shalt  }
0x79: {  	_ =	shalt  }
0x7a: {  	_ =	shalt  }
0x7b: {  	_ =	shalt  }
0x7c: {  	_ =	shalt  }
0x7d: {  	_ =	shalt  }
0x7e: {  	_ =	shalt  }
0x7f: {  	_ =	shalt  }
0x80: {  	_ =	shalt  }
0x81: {  	_ =	shalt  }
0x82: {  	_ =	shalt  }
0x83: {  	_ =	shalt  }
0x84: {  	_ =	shalt  }
0x85: {  	_ =	shalt  }
0x86: {  	_ =	shalt  }
0x87: {  	_ =	shalt  }
.Lfunc_end0:
.L_simem_size_0:
called_computation.1_lowered:
.L_overlay_start_0:
0x88: {  	s2 =	sld [smem:$0x3FD9]  }
0x89: {  	s3 =	sld [smem:$0x3FFE];
	_ =	sdelay $0x1  }
0x8a: {  	s1 =	srdreg.scid  }
0x8b: {  	s0 =	sand.u32 $0x1, s1  }
0x8c: {  	s17 =	sshll.u32 s0, $0xA;
	s2 =	sadd.s32 s3, s2  }
0x8d: {  	s2 =	sadd.s32 s2, s17  }
0x8e: {  	[smem:$0x3FC7] =	sst s2  }
0x8f: {  	_ = 	snop  }
0x90: {  	(tm) =	ssettm $0x1  }
0x91: {  	s18 =	sld [smem:$0x3FFB];
	_ =	sdelay $0x3  }
0x92: {  	_ =	strace s18  }
0x93: {  	s2 =	sld [smem:$0x3FFC];
	_ =	sdelay $0x3  }
0x94: {  	_ =	strace s2  }
0x95: {  	s2 =	sld [smem:$0x3FFD];
	_ =	sdelay $0x3  }
0x96: {  	_ =	strace s2  }
0x97: {  	_ =	strace $0x8FFFFFFF  }
0x98: {  	s19 =	sld [smem:$0x3FDB];
	_ =	sdelay $0x1  }
0x99: {  	s20 =	simm.s32 $_scs_section_size  }
0x9a: {  	s4 =	simm.s32 $_size__tile_overlayer_lowered;
	s5 =	simm.s32 $_tile_overlayer_lowered  }
0x9b: {  	s6 =	simm.s32 $0x1BFF;
	s21 =	sshll.u32 s5, $0x1;
	s3 =	sadd.s32 s20, s19  }
0x9c: {  	s22 =	simm.s32 $0x0;
	s4 =	sshll.u32 s4, $0x1;
	s5 =	sadd.s32 s21, s3  }
0x9d: {  	[timem:s22], [sflag:s6] =	dma.local [hbm:s5], s4  }
0x9e: {  	_ =	swait.ge [sflag:s6], s4  }
0x9f: {  	s4 =	ssub.s32 $0x0, s4;
	[sflag:s6] =	ssyncset.done $0x0  }
0xa0: {  	[sflag:s6] =	ssyncadd.s32 s4;
	_ =	sdelay $0x1  }
0xa1: {  	s23 =	simm.s32 $0x1B8B  }
0xa2: {  	_ =	swait.ge [sflag:s23], $0x1  }
0xa3: {  	[sflag:s23] =	ssyncset.done $0x0  }
0xa4: {  	[sflag:s23] =	ssyncadd.s32 $0xFFFFFFFF  }
0xa5: {  	s4 =	sld [smem:$0x0]  }
0xa6: {  	s5 =	sand.u32 $0xFFFFFFFE, s1  }
0xa7: {  	p0 =	sne.s32 s1, s5  }
0xa8: {  	s5 =	sshll.u32 @p0 s5, $0xE  }
0xa9: {  	s5 =	sadd.s32 @p0 $0x11B8D, s5;
	s6 =	sshll.u32 @p0 s4, $0x11  }
0xaa: {  	s5 =	sor.u32 @p0 s6, s5  }
0xab: {  	[sflag:s5] =	ssyncadd.remote.s32 @p0 $0x1;
	_ =	sdelay $0x1  }
0xac: {  	s5 =	simm.s32 @p0 $0x1B8D  }
0xad: {  	_ =	swait.eq @p0 [sflag:s5], $0x1  }
0xae: {  	[sflag:s5] =	ssyncadd.s32 @p0 $0xFFFFFFFF  }
0xaf: {  	s6 =	sshll.u32 @!p0 s1, $0xE  }
0xb0: {  	s6 =	sor.u32 @!p0 $0x4000, s6;
	s5 =	simm.s32 @!p0 $0x1B8D  }
0xb1: {  	s4 =	sshll.u32 @!p0 s4, $0x11;
	s6 =	sadd.s32 @!p0 $0x11B8D, s6;
	_ =	swait.eq @!p0 [sflag:s5], $0x1  }
0xb2: {  	s4 =	sor.u32 @!p0 s4, s6;
	[sflag:s5] =	ssyncadd.s32 @!p0 $0xFFFFFFFF  }
0xb3: {  	s25 =	simm.s32 $0x1B8E;
	s24 =	sld [smem:$0x3FFE];
	[sflag:s4] =	ssyncadd.remote.s32 @!p0 $0x1  }
0xb4: {  	s26 =	simm.s32 $execute0_lowered;
	[smem:$0x3FD2] =	sst s25  }
0xb5: {  	s5 =	sshll.u32 s26, $0x1;
	_ =	strace $0x80000049;
	[dreg:$0x1] =	wrdreg $0xFFFFFFFF  }
0xb6: {  	s28 =	simm.s32 $_size_execute0_lowered;
	s3 =	sadd.s32 s3, s5;
	[dreg:$0x0] =	wrdreg $0x0  }
0xb7: {  	s5 =	sshll.u32 s28, $0x1;
	[dreg:$0x2] =	wrdreg s3  }
0xb8: {  	[dreg:$0x3] =	wrdreg s5  }
0xb9: {  	[dreg:$0x4] =	wrdreg $0xC0  }
0xba: {  	_ =	task [dreg:s22], $0x5FFFF  }
0xbb: {  	[dreg:$0x1] =	wrdreg $0xFFFFFFFF  }
0xbc: {  	[dreg:$0x0] =	wrdreg $0x60  }
0xbd: {  	[dreg:$0x2] =	wrdreg s24  }
0xbe: {  	[dreg:$0x3] =	wrdreg $0xA  }
0xbf: {  	_ =	task.clear_ibuf [dreg:s22], $0x4FFFF;
	_ =	strace $0x90000049  }
0xc0: {  	s29 =	simm.s32 $0xA;
	_ =	strace $0x8000004B  }
0xc1: {  	_ =	swait.ge [sflag:s29], $0x1  }
0xc2: {  	[sflag:s29] =	ssyncadd.s32 $0xFFFFFFFF  }
0xc3: {  	_ =	strace $0x9000004B  }
0xc4: {  	_ =	sfence  }
0xc5: {  	s30 =	sld [smem:$0x0];
	_ =	sdelay $0x2  }
0xc6: {  	s31 =	sshll.u32 s1, $0xD;
	s1 =	sshrl.u32 s1, $0x2  }
0xc7: {  	s4 =	sand.u32 $0x4000, s31;
	s1 =	sadd.s32 s1, s30  }
0xc8: {  	s0 =	sor.u32 s4, s0;
	s1 =	sshll.u32 s1, $0x11  }
0xc9: {  	s0 =	sor.u32 s1, s0  }
0xca: {  	s0 =	sadd.s32 $0x8F2B, s0  }
0xcb: {  	[sflag:s0] =	ssyncadd.remote.s32 $0x1  }
0xcc: {  	_ =	sfence.sel $0xFFFF  }
0xcd: {  	[dreg:$0x0] =	wrdreg $0xFFFFFFFF;
	(pc) =	sbr.abs _section_cstart, $3  }
0xce: {  	[dreg:$0x1] =	wrdreg $0xFFFFFFFF  }
0xcf: {  	_ =	task.clear_ibuf [dreg:s22], $0x2FFFF;
	_ =	strace $0x9FFFFFFF  }
0xd0: {  	(tm) =	ssettm $0x7FFFFFFF  }
0xd1: {  	_ =	shalt  }
tec
execute0_lowered:
.L_overlay_start_1:
0x0: {  	(tag) =	ssettag $0x1  }
0x1: {  	s1 =	rddreg [dreg:$0x0]  }
0x2: {  	s0 =	srdreg.scid;
	s4 =	stileid.u32;
	s2 =	simm.s32 $0x0  }
0x3: {  	s10 =	sand.u32 $0x1, s0;
	s9 =	sshll.u32 s4, $0x1;
	s11 =	sshrl.u32 s4, $0x3  }
0x4: {  	[smem:$0x7FF] =	sst s2;
	s31 =	sadd.s32 $0x140A00, s1;
	s7 =	smul.u32 $0xA00000, s11  }
0x5: {  	s18 =	sadd.s32 $0x3C0A00, s1;
	s3 =	sor.u32 s10, s9;
	s1 =	smul.u32 $0x500000, s11  }
0x6: {  	[dreg:$0x3] =	wrdreg s10;
	s24 =	sshll.u32 s10, $0x10;
	s0 =	smul.u32 $0xA, s3  }
0x7: {  	_ =	strace $0x8000004A;
	s3 =	smul.u32 $0x50000, s3;
	s29 =	sor.u32 $0x8000, s24  }
0x8: {  	[dreg:$0xb] =	wrdreg s24;
	p0 =	slt.u32 s0, $0xA0;
	s12 =	sadd.s32 $0x2, s0  }
0x9: {  	s5 =	sand.u32 $0xFFF80000, s3;
	s8 =	sadd.s32 $0x3, s0;
	s13 =	sand.u32 $0x60000, s3  }
0xa: {  	s9 =	sadd.s32 $0x4, s0;
	s26 =	sadd.s32 $0x5, s0;
	p2 =	slt.u32 s12, $0xA0  }
0xb: {  	s6 =	sadd.s32 $0xFFB00000, s5;
	p5 =	sgt.u32 s12, $0x9F;
	p1 =	slt.u32 s8, $0xA0  }
0xc: {  	p6 =	sgt.u32 s8, $0x9F;
	p3 =	sgt.u32 s9, $0x9F;
	s4 =	sshll.u32 s12, $0xF  }
0xd: {  	s23 =	sshll.u32 s8, $0xF;
	s8 =	simm.s32 $0x1;
	s12 =	sadd.s32 $0x7, s0  }
0xe: {  	s6 =	smov.u32 @p0 s5;
	p0 =	slt.u32 s9, $0xA0;
	s10 =	simm.s32 @!p3 $0x0  }
0xf: {  	s30 =	sand.u32 $0x60000, s4;
	s25 =	sand.u32 $0x10000, s4;
	s11 =	sand.u32 $0x18000, s23  }
0x10: {  	s15 =	sadd.s32 s7, s6;
	s10 =	simm.s32 @p3 $0x1;
	s1 =	sadd.s32 s1, s6  }
0x11: {  	[dreg:$0x9] =	wrdreg s11;
	s6 =	simm.s32 $0x8000;
	s3 =	sor.u32 s13, s15  }
0x12: {  	p3 =	sgt.u32 s12, $0x9F;
	[smem:$0x7FC] =	sst s10;
	s16 =	sor.u32 s24, s3  }
0x13: {  	s10 =	simm.s32 $0xA00000;
	s15 =	sor.u32 s13, s1;
	s7 =	sshrl.u32 s16, $0x3  }
0x14: {  	s13 =	sshll.u32 s9, $0xF;
	s9 =	simm.s32 $0x4;
	s7 =	sadd.s32 s31, s7  }
0x15: {  	s3 =	sor.u32 s29, s3;
	[dreg:$0x2] =	wrdreg s7;
	s7 =	sand.u32 $0xFFF80000, s4  }
0x16: {  	s10 =	simm.s32 @!p5 $0x0;
	s20 =	sor.u32 s24, s15;
	s14 =	sadd.s32 $0xFFB00000, s7  }
0x17: {  	s15 =	sor.u32 s29, s15;
	s21 =	rddreg [dreg:$0x2];
	s14 =	smov.u32 @p2 s7  }
0x18: {  	[tilespmem:s2], [sflag:$0x1] =	stream.linear.gather [hbm4b:s21+s2], $0x8000, $0x38;
	[tilespmem:$0x18000] =	vst v63  }
0x19: {  	s29 =	simm.s32 $0x500000;
	s3 =	sshrl.u32 s3, $0x3;
	s7 =	sadd.s32 s10, s14  }
0x1a: {  	s22 =	sshrl.u32 s20, $0x3;
	s3 =	sadd.s32 s31, s3;
	s17 =	sor.u32 s30, s7  }
0x1b: {  	[tilespmem:s6], [sflag:$0x2] =	stream.linear.gather [hbm4b:s3+s2], $0x8000, $0x38;
	[tilespmem:$0x18000] =	vst v63  }
0x1c: {  	s16 =	sand.u32 $0x60000, s23;
	s29 =	simm.s32 @!p6 $0x0;
	s19 =	sor.u32 s25, s17  }
0x1d: {  	s5 =	sadd.s32 s18, s22;
	s10 =	sand.u32 $0xFFF80000, s13;
	s1 =	sshrl.u32 s19, $0x3  }
0x1e: {  	s7 =	simm.s32 $0x10000;
	s4 =	sadd.s32 s31, s1;
	s1 =	sand.u32 $0xFFF80000, s23  }
0x1f: {  	s17 =	sshll.u32 s26, $0xF;
	s19 =	sadd.s32 $0xFFB00000, s10;
	s21 =	sadd.s32 $0xFFB00000, s1  }
0x20: {  	[tilespmem:s7], [sflag:$0x3] =	stream.linear.gather [hbm4b:s4+s2], $0x8000, $0x38;
	[tilespmem:$0x18000] =	vst v63  }
0x21: {  	s21 =	smov.u32 @p1 s1;
	s1 =	simm.s32 $0xA00000;
	_ =	swait.ge [sflag:s8], $0x8000  }
0x22: {  	s20 =	sand.u32 $0xFFF80000, s17;
	s1 =	simm.s32 @!p6 $0x0;
	[sflag:s8] =	ssyncset.done $0x0  }
0x23: {  	s28 =	sand.u32 $0x18000, s17;
	s1 =	sadd.s32 s1, s21;
	[sflag:s8] =	ssyncadd.s32 $0xFFFF8000  }
0x24: {  	[hbm4b:s5+s2] =	stream.linear.scatter [tilespmem:s2], [sflag:$0x4], $0x8000, $0x38;
	[tilespmem:$0x18000] =	vst v63  }
0x25: {  	s19 =	smov.u32 @p0 s10;
	p0 =	sgt.u32 s26, $0x9F;
	s1 =	sor.u32 s16, s1  }
0x26: {  	s23 =	sadd.s32 $0xFFB00000, s20;
	s1 =	sor.u32 s11, s1;
	_ =	swait.ge [sflag:s9], $0x8000  }
0x27: {  	p1 =	slt.u32 s26, $0xA0;
	s1 =	sshrl.u32 s1, $0x3;
	[sflag:s9] =	ssyncset.done $0x0  }
0x28: {  	s10 =	sadd.s32 s31, s1;
	[sflag:s9] =	ssyncadd.s32 $0xFFFF8000;
	s1 =	sadd.s32 $0x6, s0  }
0x29: {  	[tilespmem:s2], [sflag:$0x1] =	stream.linear.gather [hbm4b:s10+s2], $0x8000, $0x38;
	[tilespmem:$0x18000] =	vst v63  }
0x2a: {  	s26 =	sshll.u32 s12, $0xF;
	s23 =	smov.u32 @p1 s20;
	p2 =	slt.u32 s1, $0xA0  }
0x2b: {  	p4 =	sgt.u32 s1, $0x9F;
	s22 =	sshll.u32 s1, $0xF;
	s1 =	simm.s32 @!p3 $0x0  }
0x2c: {  	p1 =	slt.u32 s12, $0xA0;
	s20 =	sand.u32 $0xFFF80000, s22;
	s1 =	simm.s32 @p3 $0x1  }
0x2d: {  	s11 =	sadd.s32 $0x8, s0;
	[smem:$0x7FD] =	sst s1;
	s1 =	sadd.s32 $0xFFB00000, s20  }
0x2e: {  	s12 =	sshll.u32 s11, $0xF;
	s1 =	smov.u32 @p2 s20;
	s20 =	sand.u32 $0xFFF80000, s26  }
0x2f: {  	s0 =	sadd.s32 $0x9, s0;
	[dreg:$0xa] =	wrdreg s1;
	s1 =	sadd.s32 $0xFFB00000, s20  }
0x30: {  	[dreg:$0x7] =	wrdreg s12;
	s1 =	smov.u32 @p1 s20;
	p1 =	slt.u32 s11, $0xA0  }
0x31: {  	[dreg:$0x4] =	wrdreg s1;
	s1 =	sand.u32 $0xFFF80000, s12;
	s12 =	sshll.u32 s0, $0xF  }
0x32: {  	[dreg:$0x5] =	wrdreg s12;
	s20 =	sadd.s32 $0xFFB00000, s1;
	s12 =	sand.u32 $0xFFF80000, s12  }
0x33: {  	s20 =	smov.u32 @p1 s1;
	p1 =	slt.u32 s0, $0xA0;
	s1 =	sadd.s32 $0xFFB00000, s12  }
0x34: {  	p2 =	sgt.u32 s11, $0x9F;
	[dreg:$0x8] =	wrdreg s20;
	s1 =	smov.u32 @p1 s12  }
0x35: {  	s11 =	simm.s32 $0x2;
	p1 =	sgt.u32 s0, $0x9F;
	[dreg:$0x6] =	wrdreg s1  }
0x36: {  	s0 =	sshrl.u32 s15, $0x3;
	s20 =	smov.u32 s18;
	_ =	swait.ge [sflag:s11], $0x8000  }
0x37: {  	s12 =	sadd.s32 s18, s0;
	[sflag:s11] =	ssyncset.done $0x0;
	s18 =	sld [smem:$0x7FC]  }
0x38: {  	s21 =	sadd.s32 s29, s21;
	s29 =	simm.s32 $0xA00000;
	[sflag:s11] =	ssyncadd.s32 $0xFFFF8000  }
0x39: {  	[hbm4b:s12+s2] =	stream.linear.scatter [tilespmem:s6], [sflag:$0x5], $0x8000, $0x38;
	[tilespmem:$0x18000] =	vst v63  }
0x3a: {  	s21 =	sor.u32 s16, s21;
	s1 =	simm.s32 $0xA00000;
	p3 =	seq.s32 s18, $0x1  }
0x3b: {  	s29 =	simm.s32 @!p0 $0x0;
	s15 =	simm.s32 $0x500000;
	s1 =	simm.s32 @!p3 $0x0  }
0x3c: {  	s15 =	simm.s32 @!p5 $0x0;
	s18 =	sand.u32 $0x60000, s13;
	s1 =	sadd.s32 s1, s19  }
0x3d: {  	s15 =	sadd.s32 s15, s14;
	s13 =	simm.s32 $0x5;
	s1 =	sor.u32 s18, s1  }
0x3e: {  	s0 =	sor.u32 s30, s15;
	_ =	swait.ge [sflag:s13], $0x8000;
	s1 =	sor.u32 s24, s1  }
0x3f: {  	s15 =	simm.s32 $0x3;
	[sflag:s13] =	ssyncset.done $0x0;
	s1 =	sshrl.u32 s1, $0x3  }
0x40: {  	s30 =	smov.u32 s20;
	[sflag:s13] =	ssyncadd.s32 $0xFFFF8000;
	s14 =	sadd.s32 s31, s1  }
0x41: {  	s1 =	sor.u32 s25, s0;
	s0 =	sadd.s32 s29, s23;
	s29 =	sand.u32 $0x60000, s17  }
0x42: {  	[tilespmem:s6], [sflag:$0x2] =	stream.linear.gather [hbm4b:s14+s2], $0x8000, $0x38;
	[tilespmem:$0x18000] =	vst v63  }
0x43: {  	s17 =	simm.s32 $0x6;
	s1 =	sshrl.u32 s1, $0x3;
	_ =	swait.ge [sflag:s15], $0x8000  }
0x44: {  	s16 =	sadd.s32 s20, s1;
	[sflag:s15] =	ssyncset.done $0x0;
	s24 =	rddreg [dreg:$0x9]  }
0x45: {  	[sflag:s15] =	ssyncadd.s32 $0xFFFF8000;
	s25 =	sor.u32 s24, s21;
	s21 =	sor.u32 s29, s0  }
0x46: {  	[hbm4b:s16+s2] =	stream.linear.scatter [tilespmem:s7], [sflag:$0x6], $0x8000, $0x38;
	[tilespmem:$0x18000] =	vst v63  }
0x47: {  	s0 =	simm.s32 $0x500000;
	s24 =	sand.u32 $0x10000, s22;
	s21 =	sor.u32 s28, s21  }
0x48: {  	s0 =	simm.s32 @!p3 $0x0;
	s1 =	sshrl.u32 s25, $0x3;
	_ =	swait.ge [sflag:s17], $0x8000  }
0x49: {  	s21 =	sshrl.u32 s21, $0x3;
	s0 =	sadd.s32 s0, s19;
	[sflag:s17] =	ssyncset.done $0x0  }
0x4a: {  	s19 =	sadd.s32 s31, s21;
	s20 =	sor.u32 s18, s0;
	[sflag:s17] =	ssyncadd.s32 $0xFFFF8000  }
0x4b: {  	[tilespmem:s7], [sflag:$0x3] =	stream.linear.gather [hbm4b:s19+s2], $0x8000, $0x38;
	[tilespmem:$0x18000] =	vst v63  }
0x4c: {  	s18 =	simm.s32 $0xA00000;
	s21 =	sadd.s32 s30, s1;
	_ =	swait.ge [sflag:s8], $0x8000  }
0x4d: {  	s0 =	sand.u32 $0x60000, s22;
	s18 =	simm.s32 @!p4 $0x0;
	s25 =	rddreg [dreg:$0xa]  }
0x4e: {  	[dreg:$0xf] =	wrdreg s0;
	[sflag:s8] =	ssyncset.done $0x0;
	s18 =	sadd.s32 s18, s25  }
0x4f: {  	[dreg:$0xe] =	wrdreg s24;
	[sflag:s8] =	ssyncadd.s32 $0xFFFF8000;
	s1 =	sor.u32 s0, s18  }
0x50: {  	[hbm4b:s21+s2] =	stream.linear.scatter [tilespmem:s2], [sflag:$0x4], $0x8000, $0x38;
	[tilespmem:$0x18000] =	vst v63  }
0x51: {  	s0 =	simm.s32 $0x500000;
	s1 =	sor.u32 s24, s1;
	_ =	swait.ge [sflag:s9], $0x8000  }
0x52: {  	s1 =	sshrl.u32 s1, $0x3;
	[sflag:s9] =	ssyncset.done $0x0;
	s18 =	rddreg [dreg:$0xb]  }
0x53: {  	s22 =	sadd.s32 s31, s1;
	s20 =	sor.u32 s18, s20;
	[sflag:s9] =	ssyncadd.s32 $0xFFFF8000  }
0x54: {  	[tilespmem:s2], [sflag:$0x1] =	stream.linear.gather [hbm4b:s22+s2], $0x8000, $0x38;
	[tilespmem:$0x18000] =	vst v63  }
0x55: {  	s0 =	simm.s32 @!p0 $0x0;
	s1 =	sshrl.u32 s20, $0x3  }
0x56: {  	s24 =	sadd.s32 s0, s23;
	s23 =	sadd.s32 s30, s1;
	s1 =	sld [smem:$0x7FD]  }
0x57: {  	_ =	swait.ge [sflag:s11], $0x8000  }
0x58: {  	[sflag:s11] =	ssyncset.done $0x0  }
0x59: {  	s20 =	simm.s32 $0xA00000;
	[sflag:s11] =	ssyncadd.s32 $0xFFFF8000;
	p0 =	seq.s32 s1, $0x1  }
0x5a: {  	[hbm4b:s23+s2] =	stream.linear.scatter [tilespmem:s6], [sflag:$0x5], $0x8000, $0x38;
	[tilespmem:$0x18000] =	vst v63  }
0x5b: {  	s0 =	rddreg [dreg:$0x4];
	s20 =	simm.s32 @!p0 $0x0  }
0x5c: {  	s1 =	sadd.s32 s20, s0;
	s20 =	sand.u32 $0x60000, s26  }
0x5d: {  	s24 =	sor.u32 s29, s24;
	s26 =	sand.u32 $0x18000, s26;
	[dreg:$0xd] =	wrdreg s20  }
0x5e: {  	s29 =	simm.s32 $0x500000;
	[dreg:$0xc] =	wrdreg s26;
	s1 =	sor.u32 s20, s1  }
0x5f: {  	s29 =	simm.s32 @!p4 $0x0;
	s1 =	sor.u32 s26, s1;
	_ =	swait.ge [sflag:s13], $0x8000  }
0x60: {  	s0 =	sor.u32 s28, s24;
	s1 =	sshrl.u32 s1, $0x3;
	[sflag:s13] =	ssyncset.done $0x0  }
0x61: {  	s24 =	simm.s32 $0xA00000;
	s26 =	sadd.s32 s31, s1;
	[sflag:s13] =	ssyncadd.s32 $0xFFFF8000  }
0x62: {  	[tilespmem:s6], [sflag:$0x2] =	stream.linear.gather [hbm4b:s26+s2], $0x8000, $0x38;
	[tilespmem:$0x18000] =	vst v63  }
0x63: {  	s0 =	sshrl.u32 s0, $0x3;
	s24 =	simm.s32 @!p2 $0x0;
	_ =	swait.ge [sflag:s15], $0x8000  }
0x64: {  	s28 =	sadd.s32 s30, s0;
	s1 =	sadd.s32 s29, s25;
	s25 =	rddreg [dreg:$0x7]  }
0x65: {  	s20 =	rddreg [dreg:$0x8];
	[sflag:s15] =	ssyncset.done $0x0;
	s25 =	sand.u32 $0x60000, s25  }
0x66: {  	s24 =	sadd.s32 s24, s20;
	[sflag:s15] =	ssyncadd.s32 $0xFFFF8000;
	[dreg:$0x10] =	wrdreg s25  }
0x67: {  	[hbm4b:s28+s2] =	stream.linear.scatter [tilespmem:s7], [sflag:$0x6], $0x8000, $0x38;
	[tilespmem:$0x18000] =	vst v63  }
0x68: {  	s0 =	sor.u32 s25, s24;
	s25 =	rddreg [dreg:$0xf];
	s24 =	simm.s32 $0xA00000  }
0x69: {  	s1 =	sor.u32 s25, s1;
	s0 =	sor.u32 s18, s0;
	_ =	swait.ge [sflag:s17], $0x8000  }
0x6a: {  	s24 =	simm.s32 @!p1 $0x0;
	s0 =	sshrl.u32 s0, $0x3;
	s18 =	rddreg [dreg:$0xe]  }
0x6b: {  	[sflag:s17] =	ssyncset.done $0x0;
	s25 =	rddreg [dreg:$0x6];
	s29 =	sadd.s32 s31, s0  }
0x6c: {  	[sflag:s17] =	ssyncadd.s32 $0xFFFF8000;
	s0 =	sor.u32 s18, s1;
	s18 =	rddreg [dreg:$0x5]  }
0x6d: {  	[tilespmem:s7], [sflag:$0x3] =	stream.linear.gather [hbm4b:s29+s2], $0x8000, $0x38;
	[tilespmem:$0x18000] =	vst v63  }
0x6e: {  	s1 =	sadd.s32 s24, s25;
	s24 =	sand.u32 $0x60000, s18;
	s25 =	sand.u32 $0x18000, s18  }
0x6f: {  	s0 =	sshrl.u32 s0, $0x3;
	[dreg:$0x11] =	wrdreg s25;
	s1 =	sor.u32 s24, s1  }
0x70: {  	s18 =	smov.u32 s30;
	_ =	swait.ge [sflag:s8], $0x8000;
	s1 =	sor.u32 s25, s1  }
0x71: {  	s30 =	sadd.s32 s30, s0;
	[sflag:s8] =	ssyncset.done $0x0;
	s1 =	sshrl.u32 s1, $0x3  }
0x72: {  	[sflag:s8] =	ssyncadd.s32 $0xFFFF8000;
	s25 =	sadd.s32 s31, s1;
	s1 =	simm.s32 $0x500000  }
0x73: {  	[hbm4b:s30+s2] =	stream.linear.scatter [tilespmem:s2], [sflag:$0x4], $0x8000, $0x38;
	[tilespmem:$0x18000] =	vst v63  }
0x74: {  	s0 =	simm.s32 $0x500000;
	s1 =	simm.s32 @!p2 $0x0;
	_ =	swait.ge [sflag:s9], $0x8000  }
0x75: {  	s0 =	simm.s32 @!p0 $0x0;
	s1 =	sadd.s32 s1, s20;
	s31 =	rddreg [dreg:$0x4]  }
0x76: {  	[sflag:s9] =	ssyncset.done $0x0;
	s0 =	sadd.s32 s0, s31;
	s31 =	rddreg [dreg:$0xd]  }
0x77: {  	s20 =	rddreg [dreg:$0xc];
	[sflag:s9] =	ssyncadd.s32 $0xFFFF8000;
	s0 =	sor.u32 s31, s0  }
0x78: {  	[tilespmem:s2], [sflag:$0x1] =	stream.linear.gather [hbm4b:s25+s2], $0x8000, $0x38;
	[tilespmem:$0x18000] =	vst v63  }
0x79: {  	s0 =	sor.u32 s20, s0;
	s20 =	rddreg [dreg:$0x10]  }
0x7a: {  	_ =	swait.ge [sflag:s11], $0x8000;
	s1 =	sor.u32 s20, s1;
	s31 =	sshrl.u32 s0, $0x3  }
0x7b: {  	[sflag:s11] =	ssyncset.done $0x0;
	s20 =	simm.s32 $0x500000;
	s0 =	smov.u32 s18  }
0x7c: {  	s31 =	sadd.s32 s18, s31;
	[sflag:s11] =	ssyncadd.s32 $0xFFFF8000;
	s18 =	rddreg [dreg:$0xb]  }
0x7d: {  	[hbm4b:s31+s2] =	stream.linear.scatter [tilespmem:s6], [sflag:$0x5], $0x8000, $0x38;
	[tilespmem:$0x18000] =	vst v63  }
0x7e: {  	s20 =	simm.s32 @!p1 $0x0;
	s18 =	sor.u32 s18, s1;
	s1 =	rddreg [dreg:$0x6]  }
0x7f: {  	s1 =	sadd.s32 s20, s1;
	_ =	swait.ge [sflag:s15], $0x8000  }
0x80: {  	s18 =	sshrl.u32 s18, $0x3;
	s1 =	sor.u32 s24, s1;
	[sflag:s15] =	ssyncset.done $0x0  }
0x81: {  	s24 =	rddreg [dreg:$0x3];
	s20 =	sadd.s32 s0, s18;
	s18 =	smov.u32 s0  }
0x82: {  	s0 =	rddreg [dreg:$0x11];
	s24 =	ssub.s32 $0x2, s24;
	[sflag:s15] =	ssyncadd.s32 $0xFFFF8000  }
0x83: {  	[hbm4b:s20+s2] =	stream.linear.scatter [tilespmem:s7], [sflag:$0x6], $0x8000, $0x38;
	[tilespmem:$0x18000] =	vst v63  }
0x84: {  	s0 =	sor.u32 s0, s1;
	s1 =	sshrl.u32 s24, $0x1  }
0x85: {  	s1 =	ssub.s32 s24, s1  }
0x86: {  	s24 =	smax.u32 s1, $0x1  }
0x87: {  	p0 =	sne.s32 s24, $0x1  }
.Ltmp0:
0x88: {  	_ =	swait.ge [sflag:s8], $0x8000;
	(pc) =	sbr.rel @!p0 .LBB2_2-.Ltmp0, $4  }
0x89: {  	s0 =	sshrl.u32 s0, $0x3;
	[sflag:s8] =	ssyncset.done $0x0  }
0x8a: {  	s18 =	sadd.s32 s18, s0;
	[sflag:s8] =	ssyncadd.s32 $0xFFFF8000  }
0x8b: {  	[hbm4b:s18+s2] =	stream.linear.scatter [tilespmem:s2], [sflag:$0x4], $0x8000, $0x38;
	[tilespmem:$0x18000] =	vst v63  }
0x8c: {  	s0 =	sadd.s32 $0xFFFFFFFF, s24;
	_ =	swait.ge [sflag:s9], $0x8000  }
.LBB2_1:
0x8d: {  	[sflag:s9] =	ssyncset.done $0x0  }
0x8e: {  	s1 =	rddreg [dreg:$0x2];
	[sflag:s9] =	ssyncadd.s32 $0xFFFF8000  }
0x8f: {  	[tilespmem:s2], [sflag:$0x1] =	stream.linear.gather [hbm4b:s1+s2], $0x8000, $0x38;
	[tilespmem:$0x18000] =	vst v63  }
0x90: {  	_ = 	snop  }
0x91: {  	[tilespmem:s6], [sflag:$0x2] =	stream.linear.gather [hbm4b:s3+s2], $0x8000, $0x38;
	[tilespmem:$0x18000] =	vst v63  }
0x92: {  	_ = 	snop  }
0x93: {  	[tilespmem:s7], [sflag:$0x3] =	stream.linear.gather [hbm4b:s4+s2], $0x8000, $0x38;
	[tilespmem:$0x18000] =	vst v63  }
0x94: {  	_ =	swait.ge [sflag:s8], $0x8000  }
0x95: {  	[sflag:s8] =	ssyncset.done $0x0  }
0x96: {  	[sflag:s8] =	ssyncadd.s32 $0xFFFF8000  }
0x97: {  	[hbm4b:s5+s2] =	stream.linear.scatter [tilespmem:s2], [sflag:$0x4], $0x8000, $0x38;
	[tilespmem:$0x18000] =	vst v63  }
0x98: {  	_ =	swait.ge [sflag:s9], $0x8000  }
0x99: {  	[sflag:s9] =	ssyncset.done $0x0  }
0x9a: {  	[sflag:s9] =	ssyncadd.s32 $0xFFFF8000  }
0x9b: {  	[tilespmem:s2], [sflag:$0x1] =	stream.linear.gather [hbm4b:s10+s2], $0x8000, $0x38;
	[tilespmem:$0x18000] =	vst v63  }
0x9c: {  	_ =	swait.ge [sflag:s11], $0x8000  }
0x9d: {  	[sflag:s11] =	ssyncset.done $0x0  }
0x9e: {  	[sflag:s11] =	ssyncadd.s32 $0xFFFF8000  }
0x9f: {  	[hbm4b:s12+s2] =	stream.linear.scatter [tilespmem:s6], [sflag:$0x5], $0x8000, $0x38;
	[tilespmem:$0x18000] =	vst v63  }
0xa0: {  	_ =	swait.ge [sflag:s13], $0x8000  }
0xa1: {  	[sflag:s13] =	ssyncset.done $0x0  }
0xa2: {  	[sflag:s13] =	ssyncadd.s32 $0xFFFF8000  }
0xa3: {  	[tilespmem:s6], [sflag:$0x2] =	stream.linear.gather [hbm4b:s14+s2], $0x8000, $0x38;
	[tilespmem:$0x18000] =	vst v63  }
0xa4: {  	_ =	swait.ge [sflag:s15], $0x8000  }
0xa5: {  	[sflag:s15] =	ssyncset.done $0x0  }
0xa6: {  	[sflag:s15] =	ssyncadd.s32 $0xFFFF8000  }
0xa7: {  	[hbm4b:s16+s2] =	stream.linear.scatter [tilespmem:s7], [sflag:$0x6], $0x8000, $0x38;
	[tilespmem:$0x18000] =	vst v63  }
0xa8: {  	_ =	swait.ge [sflag:s17], $0x8000  }
0xa9: {  	[sflag:s17] =	ssyncset.done $0x0  }
0xaa: {  	[sflag:s17] =	ssyncadd.s32 $0xFFFF8000  }
0xab: {  	[tilespmem:s7], [sflag:$0x3] =	stream.linear.gather [hbm4b:s19+s2], $0x8000, $0x38;
	[tilespmem:$0x18000] =	vst v63  }
0xac: {  	_ =	swait.ge [sflag:s8], $0x8000  }
0xad: {  	[sflag:s8] =	ssyncset.done $0x0  }
0xae: {  	[sflag:s8] =	ssyncadd.s32 $0xFFFF8000  }
0xaf: {  	[hbm4b:s21+s2] =	stream.linear.scatter [tilespmem:s2], [sflag:$0x4], $0x8000, $0x38;
	[tilespmem:$0x18000] =	vst v63  }
0xb0: {  	_ =	swait.ge [sflag:s9], $0x8000  }
0xb1: {  	[sflag:s9] =	ssyncset.done $0x0  }
0xb2: {  	[sflag:s9] =	ssyncadd.s32 $0xFFFF8000  }
0xb3: {  	[tilespmem:s2], [sflag:$0x1] =	stream.linear.gather [hbm4b:s22+s2], $0x8000, $0x38;
	[tilespmem:$0x18000] =	vst v63  }
0xb4: {  	_ =	swait.ge [sflag:s11], $0x8000  }
0xb5: {  	[sflag:s11] =	ssyncset.done $0x0  }
0xb6: {  	[sflag:s11] =	ssyncadd.s32 $0xFFFF8000  }
0xb7: {  	[hbm4b:s23+s2] =	stream.linear.scatter [tilespmem:s6], [sflag:$0x5], $0x8000, $0x38;
	[tilespmem:$0x18000] =	vst v63  }
0xb8: {  	_ =	swait.ge [sflag:s13], $0x8000  }
0xb9: {  	[sflag:s13] =	ssyncset.done $0x0  }
0xba: {  	[sflag:s13] =	ssyncadd.s32 $0xFFFF8000  }
0xbb: {  	[tilespmem:s6], [sflag:$0x2] =	stream.linear.gather [hbm4b:s26+s2], $0x8000, $0x38;
	[tilespmem:$0x18000] =	vst v63  }
0xbc: {  	_ =	swait.ge [sflag:s15], $0x8000  }
0xbd: {  	[sflag:s15] =	ssyncset.done $0x0  }
0xbe: {  	[sflag:s15] =	ssyncadd.s32 $0xFFFF8000  }
0xbf: {  	[hbm4b:s28+s2] =	stream.linear.scatter [tilespmem:s7], [sflag:$0x6], $0x8000, $0x38;
	[tilespmem:$0x18000] =	vst v63  }
0xc0: {  	_ =	swait.ge [sflag:s17], $0x8000  }
0xc1: {  	[sflag:s17] =	ssyncset.done $0x0  }
0xc2: {  	[sflag:s17] =	ssyncadd.s32 $0xFFFF8000  }
0xc3: {  	[tilespmem:s7], [sflag:$0x3] =	stream.linear.gather [hbm4b:s29+s2], $0x8000, $0x38;
	[tilespmem:$0x18000] =	vst v63  }
0xc4: {  	_ =	swait.ge [sflag:s8], $0x8000  }
0xc5: {  	[sflag:s8] =	ssyncset.done $0x0  }
0xc6: {  	[sflag:s8] =	ssyncadd.s32 $0xFFFF8000  }
0xc7: {  	[hbm4b:s30+s2] =	stream.linear.scatter [tilespmem:s2], [sflag:$0x4], $0x8000, $0x38;
	[tilespmem:$0x18000] =	vst v63  }
0xc8: {  	_ =	swait.ge [sflag:s9], $0x8000  }
0xc9: {  	[sflag:s9] =	ssyncset.done $0x0  }
0xca: {  	[sflag:s9] =	ssyncadd.s32 $0xFFFF8000  }
0xcb: {  	[tilespmem:s2], [sflag:$0x1] =	stream.linear.gather [hbm4b:s25+s2], $0x8000, $0x38;
	[tilespmem:$0x18000] =	vst v63  }
0xcc: {  	_ =	swait.ge [sflag:s11], $0x8000  }
0xcd: {  	[sflag:s11] =	ssyncset.done $0x0  }
0xce: {  	[sflag:s11] =	ssyncadd.s32 $0xFFFF8000  }
0xcf: {  	[hbm4b:s31+s2] =	stream.linear.scatter [tilespmem:s6], [sflag:$0x5], $0x8000, $0x38;
	[tilespmem:$0x18000] =	vst v63  }
0xd0: {  	_ =	swait.ge [sflag:s15], $0x8000  }
0xd1: {  	[sflag:s15] =	ssyncset.done $0x0  }
0xd2: {  	p0 =	sne.s32 s0, $0x1;
	[sflag:s15] =	ssyncadd.s32 $0xFFFF8000  }
0xd3: {  	[hbm4b:s20+s2] =	stream.linear.scatter [tilespmem:s7], [sflag:$0x6], $0x8000, $0x38;
	[tilespmem:$0x18000] =	vst v63  }
.Ltmp1:
0xd4: {  	_ =	swait.ge [sflag:s8], $0x8000;
	(pc) =	sbr.rel @p0 .LBB2_1-.Ltmp1, $4  }
0xd5: {  	[sflag:s8] =	ssyncset.done $0x0  }
0xd6: {  	[sflag:s8] =	ssyncadd.s32 $0xFFFF8000  }
0xd7: {  	[hbm4b:s18+s2] =	stream.linear.scatter [tilespmem:s2], [sflag:$0x4], $0x8000, $0x38;
	[tilespmem:$0x18000] =	vst v63  }
0xd8: {  	s0 =	sadd.s32 $0xFFFFFFFF, s0;
	_ =	swait.ge [sflag:s9], $0x8000  }
.LBB2_2:
0xd9: {  	[sflag:s9] =	ssyncset.done $0x0  }
0xda: {  	[sflag:s9] =	ssyncadd.s32 $0xFFFF8000  }
0xdb: {  	_ =	sfence.sel $0x180000  }
0xdc: {  	[bflag:$0x0] =	sbarrier.arrive $0xFFFF  }
0xdd: {  	_ =	strace $0x9000004A  }
0xde: {  	s0 =	stileid.u32;
	[bflag:$0x2] =	sbarrier.arrive $0xFFFF  }
0xdf: {  	p0 =	sne.s32 s0, $0x0;
	s0 =	rddreg [dreg:$0x1]  }
0xe0: {  	s0 =	sadd.s32 @!p0 $0x100000, s0  }
0xe1: {  	[sflag:s0] =	ssyncadd.tile.s32 @!p0 $0x1;
	_ =	shalt  }
.Lfunc_end2:
_tile_overlayer_lowered:
.L_overlay_start_2:
0xe2: {  	(tag) =	ssettag $0x2  }
0xe3: {  	s0 =	rddreg [dreg:$0x0];
	s2 =	stileid.u32  }
0xe4: {  	s1 =	rddreg [dreg:$0x1];
	p0 =	sne.s32 s2, $0x0  }
0xe5: {  	s3 =	rddreg [dreg:$0x2];
	[bflag:$0x3] =	sbarrier.arrive $0xFFFF;
	s2 =	simm.s32 @!p0 $0x1C07  }
0xe6: {  	[timem:s3], [sflag:s2] =	dma.local @!p0 [hbm:s0], s1  }
0xe7: {  	s0 =	simm.s32 @!p0 $0x7  }
0xe8: {  	_ =	swait.ge @!p0 [sflag:s0], s1  }
0xe9: {  	s1 =	ssub.s32 @!p0 $0x0, s1;
	[sflag:s0] =	ssyncset.done @!p0 $0x0  }
0xea: {  	[sflag:s0] =	ssyncadd.s32 @!p0 s1  }
0xeb: {  	[bflag:$0x3] =	sbarrier.arrive $0xFFFF  }
0xec: {  	_ =	shalt  }

</sc_bundles>
